<compile_context>
chip_gen: v7x
topology: tpu7x:2x2x1
jax: 0.10.2.dev20260603
libtpu: 0.0.44.dev20260713+nightly
codegen_flags: <defaults>
</compile_context>

<pallas_src>
import functools

import jax
import jax.numpy as jnp
from jax import lax
from jax.experimental import pallas as pl
from jax.experimental.pallas import tpu as pltpu
from jax.experimental.pallas import tpu_sc as plsc

N = 10000
E = 320000
D = 128
H = 128
C = 40

NC = 2
NS = 16
NW = NC * NS
EPW = E // NW
CHUNK = 80
NCH = EPW // CHUNK
NPAD = 10240
RPT = NPAD // NS

_mesh = plsc.VectorSubcoreMesh(core_axis_name="c", subcore_axis_name="s")



@functools.partial(
    pl.kernel, mesh=_mesh,
    out_type=jax.ShapeDtypeStruct((NC, NPAD, D), jnp.float32),
    scratch_types=[
        pltpu.VMEM((CHUNK,), jnp.int32),
        pltpu.VMEM((CHUNK,), jnp.int32),
        pltpu.VMEM((CHUNK, D), jnp.float32),
        pltpu.VMEM((CHUNK, D), jnp.float32),
        pltpu.VMEM_SHARED((NPAD, D), jnp.float32),
        pltpu.SemaphoreType.DMA,
        pltpu.SemaphoreType.DMA,
        pltpu.SemaphoreType.DMA,
        pltpu.SemaphoreType.DMA,
    ],
)
def _deg_sc(col_hbm, out_hbm, cb0, cb1, zbuf, ones, acc, c0, c1, s0, s1):
    c = lax.axis_index("c")
    s = lax.axis_index("s")
    w = s * NC + c
    cbufs = (cb0, cb1)
    csems = (c0, c1)
    ssems = (s0, s1)

    def _fill(ref, v):
        def _row(i, _):
            for j in range(D // 16):
                ref[i, pl.ds(j * 16, 16)] = jnp.full((16,), v, jnp.float32)
            return 0
        lax.fori_loop(0, CHUNK, _row, 0)

    _fill(zbuf, 0.0)
    _fill(ones, 1.0)

    def _zacc(j, _):
        pltpu.sync_copy(zbuf, acc.at[pl.ds(s * RPT + j * CHUNK, CHUNK)])
        return 0
    lax.fori_loop(0, RPT // CHUNK, _zacc, 0)
    plsc.subcore_barrier()

    def _cdesc(k, b):
        base = w * EPW + k * CHUNK
        return pltpu.make_async_copy(col_hbm.at[pl.ds(base, CHUNK)],
                                     cbufs[b], csems[b])

    def _sca(b):
        return pltpu.make_async_copy(ones, acc.at[cbufs[b]], ssems[b])

    _cdesc(0, 0).start()

    def _pair(i, _):
        k = 2 * i

        @pl.when(i > 0)
        def _():
            _sca(1).wait()
        _cdesc(k + 1, 1).start()
        _cdesc(k, 0).wait()
        _sca(0).start(add=True)

        _cdesc(k + 1, 1).wait()

        @pl.when(i < NCH // 2 - 1)
        def _():
            _sca(0).wait()
            _cdesc(k + 2, 0).start()
        _sca(1).start(add=True)
        return 0
    lax.fori_loop(0, NCH // 2, _pair, 0)

    kl = NCH - 1
    _sca(0).wait()
    _cdesc(kl, 0).start()
    _cdesc(kl, 0).wait()
    _sca(0).start(add=True)
    _sca(0).wait()
    _sca(1).wait()
    plsc.subcore_barrier()

    pltpu.sync_copy(acc.at[pl.ds(s * RPT, RPT)],
                    out_hbm.at[c, pl.ds(s * RPT, RPT)])


@functools.partial(
    pl.kernel, mesh=_mesh,
    out_type=jax.ShapeDtypeStruct((NC, NPAD, D), jnp.float32),
    scratch_types=[
        pltpu.VMEM((NCH, CHUNK), jnp.int32),
        pltpu.VMEM((CHUNK,), jnp.int32),
        pltpu.VMEM((CHUNK,), jnp.int32),
        pltpu.VMEM((CHUNK, D), jnp.float32),
        pltpu.VMEM((CHUNK, D), jnp.float32),
        pltpu.VMEM_SHARED((NPAD, D), jnp.float32),
        pltpu.SemaphoreType.DMA,
        pltpu.SemaphoreType.DMA,
        pltpu.SemaphoreType.DMA,
        pltpu.SemaphoreType.DMA,
        pltpu.SemaphoreType.DMA,
        pltpu.SemaphoreType.DMA,
    ],
)
def _prop_sc(row_hbm, col_hbm, g_hbm, out_hbm,
             idxrow, cb0, cb1, buf0, buf1, acc, g0, g1, c0, c1, s0, s1):
    c = lax.axis_index("c")
    s = lax.axis_index("s")
    w = s * NC + c
    bufs = (buf0, buf1)
    cbufs = (cb0, cb1)
    gsems = (g0, g1)
    csems = (c0, c1)
    ssems = (s0, s1)

    pltpu.sync_copy(row_hbm.at[w], idxrow)

    def _zrow(i, _):
        for j in range(D // 16):
            buf0[i, pl.ds(j * 16, 16)] = jnp.zeros((16,), jnp.float32)
        return 0
    lax.fori_loop(0, CHUNK, _zrow, 0)

    def _zacc(j, _):
        pltpu.sync_copy(buf0, acc.at[pl.ds(s * RPT + j * CHUNK, CHUNK)])
        return 0
    lax.fori_loop(0, RPT // CHUNK, _zacc, 0)
    plsc.subcore_barrier()

    def _cdesc(k, b):
        base = w * EPW + k * CHUNK
        return pltpu.make_async_copy(col_hbm.at[pl.ds(base, CHUNK)],
                                     cbufs[b], csems[b])

    def _start(k, b):
        _cdesc(k, b).start()
        pltpu.make_async_copy(g_hbm.at[idxrow.at[k]], bufs[b],
                              gsems[b]).start()

    def _wait_in(k, b):
        _cdesc(k, b).wait()
        pltpu.make_async_copy(g_hbm.at[idxrow.at[k]], bufs[b],
                              gsems[b]).wait()

    def _sca(b):
        return pltpu.make_async_copy(bufs[b], acc.at[cbufs[b]], ssems[b])

    _start(0, 0)

    def _pair(i, _):
        k = 2 * i

        @pl.when(i > 0)
        def _():
            _sca(1).wait()
        _start(k + 1, 1)
        _wait_in(k, 0)
        _sca(0).start(add=True)

        _wait_in(k + 1, 1)

        @pl.when(i < NCH // 2 - 1)
        def _():
            _sca(0).wait()
            _start(k + 2, 0)
        _sca(1).start(add=True)
        return 0
    lax.fori_loop(0, NCH // 2, _pair, 0)

    kl = NCH - 1
    _sca(0).wait()
    _start(kl, 0)
    _wait_in(kl, 0)
    _sca(0).start(add=True)
    _sca(0).wait()
    _sca(1).wait()
    plsc.subcore_barrier()

    pltpu.sync_copy(acc.at[pl.ds(s * RPT, RPT)],
                    out_hbm.at[c, pl.ds(s * RPT, RPT)])



_BR = 2000


def _init_tc(d0, d1, x, g0, dis, dis2):
    deg = d0[...] + d1[...] + 1.0
    r = lax.rsqrt(deg)
    dis[...] = r
    dis2[...] = 1.0 / deg
    g0[...] = x[...] * r


def _upd_tc(p0, p1, g, dis2, out):
    out[...] = (p0[0] + p1[0] + g[...]) * dis2[...]


def _mlp_tc(p0, p1, g, dis, wg, bg, w1, b1, w2, b2, wo, out):
    h = (p0[0] + p1[0] + g[...]) * dis[...]
    h = jnp.dot(h, wg[...], preferred_element_type=jnp.float32) + bg[...]
    h = jnp.maximum(jnp.dot(h, w1[...], preferred_element_type=jnp.float32)
                    + b1[...], 0.0)
    h = jnp.maximum(jnp.dot(h, w2[...], preferred_element_type=jnp.float32)
                    + b2[...], 0.0)
    logits = jnp.dot(h, wo[...], preferred_element_type=jnp.float32)
    valid = lax.broadcasted_iota(jnp.int32, logits.shape, 1) < C
    logits = jnp.where(valid, logits, -1e30)
    m = jnp.max(logits, axis=1, keepdims=True)
    lse = jnp.log(jnp.sum(jnp.exp(logits - m), axis=1, keepdims=True)) + m
    out[...] = logits - lse


def _row_spec(bc):
    return pl.BlockSpec((_BR, bc), lambda i: (i, 0))


def _part_spec(core):
    return pl.BlockSpec((1, _BR, D), lambda i, _c=core: (_c, i, 0))


def _full_spec(r, c):
    return pl.BlockSpec((r, c), lambda i: (0, 0))


_init_call = pl.pallas_call(
    _init_tc,
    grid=(N // _BR,),
    in_specs=[_row_spec(1), _row_spec(1), _row_spec(D)],
    out_specs=[_row_spec(D), _row_spec(1), _row_spec(1)],
    out_shape=[
        jax.ShapeDtypeStruct((N, D), jnp.float32),
        jax.ShapeDtypeStruct((N, 1), jnp.float32),
        jax.ShapeDtypeStruct((N, 1), jnp.float32),
    ],
)

_upd_call = pl.pallas_call(
    _upd_tc,
    grid=(N // _BR,),
    in_specs=[_part_spec(0), _part_spec(1), _row_spec(D), _row_spec(1)],
    out_specs=_row_spec(D),
    out_shape=jax.ShapeDtypeStruct((N, D), jnp.float32),
)

_mlp_call = pl.pallas_call(
    _mlp_tc,
    grid=(N // _BR,),
    in_specs=[_part_spec(0), _part_spec(1), _row_spec(D), _row_spec(1),
              _full_spec(D, H), _full_spec(1, H),
              _full_spec(H, H), _full_spec(1, H),
              _full_spec(H, H), _full_spec(1, H),
              _full_spec(H, 128)],
    out_specs=_row_spec(128),
    out_shape=jax.ShapeDtypeStruct((N, 128), jnp.float32),
)


def kernel(x, edge_index, W_gcn, b_gcn, W_h1, b_h1, W_h2, b_h2, W_out):
    row = edge_index[0]
    col = edge_index[1]
    row3 = row.reshape(NW, NCH, CHUNK)

    degp = _deg_sc(col)
    d0 = degp[0, :N, 0:1]
    d1 = degp[1, :N, 0:1]
    g, dis, dis2 = _init_call(d0, d1, x)

    for _ in range(3):
        p = _prop_sc(row3, col, g)
        g = _upd_call(p, p, g, dis2)
    p = _prop_sc(row3, col, g)

    wo_pad = jnp.pad(W_out, ((0, 0), (0, 128 - C)))
    out = _mlp_call(p, p, g, dis,
                    W_gcn, b_gcn.reshape(1, H),
                    W_h1, b_h1.reshape(1, H),
                    W_h2, b_h2.reshape(1, H),
                    wo_pad)
    return out[:, :C]

# --- scband reference (transcript-rebuilt; emitter-appended) ---
"""Pipeline reference for scband-gf-nn-16329465659516 (READ-ONLY COPY).

The authoritative reference and input builder live on the scoring server;
editing this copy changes nothing except your own understanding.
"""

import jax, jax.numpy as jnp
import numpy as np

N = 10000
E = 320000
D = 128
H = 128
C = 40
K = 4


def setup_inputs(seed: int = 0) -> dict:
    key = jax.random.key(seed)
    ks = jax.random.split(key, 9)
    x = jax.random.normal(ks[0], (N, D), dtype=jnp.float32)
    edge_index = jax.random.randint(ks[1], (2, E), 0, N, dtype=jnp.int32)
    W_gcn = jax.random.normal(ks[2], (D, H), dtype=jnp.float32) * 0.05
    b_gcn = jnp.zeros((H,), dtype=jnp.float32)
    W_h1 = jax.random.normal(ks[3], (H, H), dtype=jnp.float32) * 0.05
    b_h1 = jnp.zeros((H,), dtype=jnp.float32)
    W_h2 = jax.random.normal(ks[4], (H, H), dtype=jnp.float32) * 0.05
    b_h2 = jnp.zeros((H,), dtype=jnp.float32)
    W_out = jax.random.normal(ks[5], (H, C), dtype=jnp.float32) * 0.05
    return {"x": x, "edge_index": edge_index, "W_gcn": W_gcn, "b_gcn": b_gcn,
            "W_h1": W_h1, "b_h1": b_h1, "W_h2": W_h2, "b_h2": b_h2, "W_out": W_out}


def reference(x, edge_index, W_gcn, b_gcn, W_h1, b_h1, W_h2, b_h2, W_out):
    n = x.shape[0]
    # add self loops
    loops = jnp.arange(n, dtype=edge_index.dtype)
    row = jnp.concatenate([edge_index[0], loops])
    col = jnp.concatenate([edge_index[1], loops])
    # symmetric normalization D^{-1/2} (A+I) D^{-1/2}
    deg = jax.ops.segment_sum(jnp.ones_like(col, dtype=x.dtype), col, num_segments=n)
    deg_inv_sqrt = jnp.where(deg > 0, deg ** -0.5, 0.0)
    norm = deg_inv_sqrt[row] * deg_inv_sqrt[col]

    def prop(h):
        return jax.ops.segment_sum(norm[:, None] * h[row], col, num_segments=n)

    h = x
    for _ in range(K - 1):  # NormAdj applied k-1 times
        h = prop(h)
    # GCNConv: linear then normalized propagation, bias after aggregation
    h = h @ W_gcn
    h = prop(h) + b_gcn
    # k-2 hidden linear layers with relu
    h = jax.nn.relu(h @ W_h1 + b_h1)
    h = jax.nn.relu(h @ W_h2 + b_h2)
    h = h @ W_out  # out_linear, no bias
    return jax.nn.log_softmax(h, axis=1)

if __name__ == "__main__":
    import jax
    _d = setup_inputs()
    print(jax.jit(kernel)(*tuple(_d.values())))

</pallas_src>

<mosaic_0001>
#map = affine_map<(d0, d1) -> (0)>
#map1 = affine_map<(d0, d1) -> (0, 0, 0)>
module attributes {stable_mosaic.version = 14 : i64} {
  func.func @_deg_sc(%arg0: i32, %arg1: i32, %arg2: memref<320000xi32, #tpu.memory_space<hbm>>, %arg3: memref<2x10240x128xf32, #tpu.memory_space<hbm>>, %arg4: memref<80xi32, #tpu.memory_space<vmem>>, %arg5: memref<80xi32, #tpu.memory_space<vmem>>, %arg6: memref<80x128xf32, #tpu.memory_space<vmem>>, %arg7: memref<80x128xf32, #tpu.memory_space<vmem>>, %arg8: memref<10240x128xf32, #tpu.memory_space<vmem_shared>>, %arg9: memref<!tpu.dma_semaphore, #tpu.memory_space<semaphore_mem>>, %arg10: memref<!tpu.dma_semaphore, #tpu.memory_space<semaphore_mem>>, %arg11: memref<!tpu.dma_semaphore, #tpu.memory_space<semaphore_mem>>, %arg12: memref<!tpu.dma_semaphore, #tpu.memory_space<semaphore_mem>>) attributes {dimension_semantics = [#tpu.dimension_semantics<core_parallel>, #tpu.dimension_semantics<subcore_parallel>], iteration_bounds = array<i64: 2, 16>, scalar_prefetch = 0 : i64, scratch_operands = 9 : i64, tpu.core_type = #tpu.core_type<sc_vector_subcore>, window_params = [{transform_indices = #map}, {transform_indices = #map1}]} {
    %mul3A = arith.constant 2 : i32
    %mul3A_0 = arith.muli %arg1, %mul3A : i32
    %add3A = arith.addi %mul3A_0, %arg0 : i32
    %scan3A = arith.constant 0 : i32
    %scan3A_1 = arith.constant 0 : i32
    %scan3A_2 = arith.constant 80 : i32
    %scan3A_3 = arith.addi %scan3A_1, %scan3A_2 : i32
    %scan3A_4 = arith.constant 1 : i32
    %scan3A_5 = scf.for %scan3A_61 = %scan3A_1 to %scan3A_3 step %scan3A_4 iter_args(%scan3A_62 = %scan3A) -> (i32)  : i32 {
      %broadcast_in_dim3A = arith.constant 0.000000e+00 : f32
      %broadcast_in_dim3A_63 = vector.broadcast %broadcast_in_dim3A : f32 to vector<16xf32>
      %swap3A = arith.index_cast %scan3A_61 : i32 to index
      %swap3A_64 = arith.constant 0 : index
      %swap3A_65 = tpu.vector_load %arg6[%swap3A, %swap3A_64] {strides = array<i32>} : memref<80x128xf32, #tpu.memory_space<vmem>>, vector<1x16xf32>,
      %swap3A_66 = vector.shape_cast %swap3A_65 : vector<1x16xf32> to vector<16xf32>
      %swap3A_67 = vector.shape_cast %broadcast_in_dim3A_63 : vector<16xf32> to vector<1x16xf32>
      tpu.vector_store %arg6[%swap3A, %swap3A_64], %swap3A_67 {strides = array<i32>} : memref<80x128xf32, #tpu.memory_space<vmem>>, vector<1x16xf32>,
      %broadcast_in_dim3A_68 = arith.constant 0.000000e+00 : f32
      %broadcast_in_dim3A_69 = vector.broadcast %broadcast_in_dim3A_68 : f32 to vector<16xf32>
      %swap3A_70 = arith.index_cast %scan3A_61 : i32 to index
      %swap3A_71 = arith.constant 16 : index
      %swap3A_72 = tpu.vector_load %arg6[%swap3A_70, %swap3A_71] {strides = array<i32>} : memref<80x128xf32, #tpu.memory_space<vmem>>, vector<1x16xf32>,
      %swap3A_73 = vector.shape_cast %swap3A_72 : vector<1x16xf32> to vector<16xf32>
      %swap3A_74 = vector.shape_cast %broadcast_in_dim3A_69 : vector<16xf32> to vector<1x16xf32>
      tpu.vector_store %arg6[%swap3A_70, %swap3A_71], %swap3A_74 {strides = array<i32>} : memref<80x128xf32, #tpu.memory_space<vmem>>, vector<1x16xf32>,
      %broadcast_in_dim3A_75 = arith.constant 0.000000e+00 : f32
      %broadcast_in_dim3A_76 = vector.broadcast %broadcast_in_dim3A_75 : f32 to vector<16xf32>
      %swap3A_77 = arith.index_cast %scan3A_61 : i32 to index
      %swap3A_78 = arith.constant 32 : index
      %swap3A_79 = tpu.vector_load %arg6[%swap3A_77, %swap3A_78] {strides = array<i32>} : memref<80x128xf32, #tpu.memory_space<vmem>>, vector<1x16xf32>,
      %swap3A_80 = vector.shape_cast %swap3A_79 : vector<1x16xf32> to vector<16xf32>
      %swap3A_81 = vector.shape_cast %broadcast_in_dim3A_76 : vector<16xf32> to vector<1x16xf32>
      tpu.vector_store %arg6[%swap3A_77, %swap3A_78], %swap3A_81 {strides = array<i32>} : memref<80x128xf32, #tpu.memory_space<vmem>>, vector<1x16xf32>,
      %broadcast_in_dim3A_82 = arith.constant 0.000000e+00 : f32
      %broadcast_in_dim3A_83 = vector.broadcast %broadcast_in_dim3A_82 : f32 to vector<16xf32>
      %swap3A_84 = arith.index_cast %scan3A_61 : i32 to index
      %swap3A_85 = arith.constant 48 : index
      %swap3A_86 = tpu.vector_load %arg6[%swap3A_84, %swap3A_85] {strides = array<i32>} : memref<80x128xf32, #tpu.memory_space<vmem>>, vector<1x16xf32>,
      %swap3A_87 = vector.shape_cast %swap3A_86 : vector<1x16xf32> to vector<16xf32>
      %swap3A_88 = vector.shape_cast %broadcast_in_dim3A_83 : vector<16xf32> to vector<1x16xf32>
      tpu.vector_store %arg6[%swap3A_84, %swap3A_85], %swap3A_88 {strides = array<i32>} : memref<80x128xf32, #tpu.memory_space<vmem>>, vector<1x16xf32>,
      %broadcast_in_dim3A_89 = arith.constant 0.000000e+00 : f32
      %broadcast_in_dim3A_90 = vector.broadcast %broadcast_in_dim3A_89 : f32 to vector<16xf32>
      %swap3A_91 = arith.index_cast %scan3A_61 : i32 to index
      %swap3A_92 = arith.constant 64 : index
      %swap3A_93 = tpu.vector_load %arg6[%swap3A_91, %swap3A_92] {strides = array<i32>} : memref<80x128xf32, #tpu.memory_space<vmem>>, vector<1x16xf32>,
      %swap3A_94 = vector.shape_cast %swap3A_93 : vector<1x16xf32> to vector<16xf32>
      %swap3A_95 = vector.shape_cast %broadcast_in_dim3A_90 : vector<16xf32> to vector<1x16xf32>
      tpu.vector_store %arg6[%swap3A_91, %swap3A_92], %swap3A_95 {strides = array<i32>} : memref<80x128xf32, #tpu.memory_space<vmem>>, vector<1x16xf32>,
      %broadcast_in_dim3A_96 = arith.constant 0.000000e+00 : f32
      %broadcast_in_dim3A_97 = vector.broadcast %broadcast_in_dim3A_96 : f32 to vector<16xf32>
      %swap3A_98 = arith.index_cast %scan3A_61 : i32 to index
      %swap3A_99 = arith.constant 80 : index
      %swap3A_100 = tpu.vector_load %arg6[%swap3A_98, %swap3A_99] {strides = array<i32>} : memref<80x128xf32, #tpu.memory_space<vmem>>, vector<1x16xf32>,
      %swap3A_101 = vector.shape_cast %swap3A_100 : vector<1x16xf32> to vector<16xf32>
      %swap3A_102 = vector.shape_cast %broadcast_in_dim3A_97 : vector<16xf32> to vector<1x16xf32>
      tpu.vector_store %arg6[%swap3A_98, %swap3A_99], %swap3A_102 {strides = array<i32>} : memref<80x128xf32, #tpu.memory_space<vmem>>, vector<1x16xf32>,
      %broadcast_in_dim3A_103 = arith.constant 0.000000e+00 : f32
      %broadcast_in_dim3A_104 = vector.broadcast %broadcast_in_dim3A_103 : f32 to vector<16xf32>
      %swap3A_105 = arith.index_cast %scan3A_61 : i32 to index
      %swap3A_106 = arith.constant 96 : index
      %swap3A_107 = tpu.vector_load %arg6[%swap3A_105, %swap3A_106] {strides = array<i32>} : memref<80x128xf32, #tpu.memory_space<vmem>>, vector<1x16xf32>,
      %swap3A_108 = vector.shape_cast %swap3A_107 : vector<1x16xf32> to vector<16xf32>
      %swap3A_109 = vector.shape_cast %broadcast_in_dim3A_104 : vector<16xf32> to vector<1x16xf32>
      tpu.vector_store %arg6[%swap3A_105, %swap3A_106], %swap3A_109 {strides = array<i32>} : memref<80x128xf32, #tpu.memory_space<vmem>>, vector<1x16xf32>,
      %broadcast_in_dim3A_110 = arith.constant 0.000000e+00 : f32
      %broadcast_in_dim3A_111 = vector.broadcast %broadcast_in_dim3A_110 : f32 to vector<16xf32>
      %swap3A_112 = arith.index_cast %scan3A_61 : i32 to index
      %swap3A_113 = arith.constant 112 : index
      %swap3A_114 = tpu.vector_load %arg6[%swap3A_112, %swap3A_113] {strides = array<i32>} : memref<80x128xf32, #tpu.memory_space<vmem>>, vector<1x16xf32>,
      %swap3A_115 = vector.shape_cast %swap3A_114 : vector<1x16xf32> to vector<16xf32>
      %swap3A_116 = vector.shape_cast %broadcast_in_dim3A_111 : vector<16xf32> to vector<1x16xf32>
      tpu.vector_store %arg6[%swap3A_112, %swap3A_113], %swap3A_116 {strides = array<i32>} : memref<80x128xf32, #tpu.memory_space<vmem>>, vector<1x16xf32>,
      %scan3A_117 = arith.constant 0 : i32
      scf.yield %scan3A_117 : i32
    }
    %scan3A_6 = arith.constant 80 : i32
    %scan3A_7 = arith.constant 0 : i32
    %scan3A_8 = arith.constant 0 : i32
    %scan3A_9 = arith.constant 80 : i32
    %scan3A_10 = arith.addi %scan3A_8, %scan3A_9 : i32
    %scan3A_11 = arith.constant 1 : i32
    %scan3A_12 = scf.for %scan3A_61 = %scan3A_8 to %scan3A_10 step %scan3A_11 iter_args(%scan3A_62 = %scan3A_7) -> (i32)  : i32 {
      %broadcast_in_dim3A = arith.constant 1.000000e+00 : f32
      %broadcast_in_dim3A_63 = vector.broadcast %broadcast_in_dim3A : f32 to vector<16xf32>
      %swap3A = arith.index_cast %scan3A_61 : i32 to index
      %swap3A_64 = arith.constant 0 : index
      %swap3A_65 = tpu.vector_load %arg7[%swap3A, %swap3A_64] {strides = array<i32>} : memref<80x128xf32, #tpu.memory_space<vmem>>, vector<1x16xf32>,
      %swap3A_66 = vector.shape_cast %swap3A_65 : vector<1x16xf32> to vector<16xf32>
      %swap3A_67 = vector.shape_cast %broadcast_in_dim3A_63 : vector<16xf32> to vector<1x16xf32>
      tpu.vector_store %arg7[%swap3A, %swap3A_64], %swap3A_67 {strides = array<i32>} : memref<80x128xf32, #tpu.memory_space<vmem>>, vector<1x16xf32>,
      %broadcast_in_dim3A_68 = arith.constant 1.000000e+00 : f32
      %broadcast_in_dim3A_69 = vector.broadcast %broadcast_in_dim3A_68 : f32 to vector<16xf32>
      %swap3A_70 = arith.index_cast %scan3A_61 : i32 to index
      %swap3A_71 = arith.constant 16 : index
      %swap3A_72 = tpu.vector_load %arg7[%swap3A_70, %swap3A_71] {strides = array<i32>} : memref<80x128xf32, #tpu.memory_space<vmem>>, vector<1x16xf32>,
      %swap3A_73 = vector.shape_cast %swap3A_72 : vector<1x16xf32> to vector<16xf32>
      %swap3A_74 = vector.shape_cast %broadcast_in_dim3A_69 : vector<16xf32> to vector<1x16xf32>
      tpu.vector_store %arg7[%swap3A_70, %swap3A_71], %swap3A_74 {strides = array<i32>} : memref<80x128xf32, #tpu.memory_space<vmem>>, vector<1x16xf32>,
      %broadcast_in_dim3A_75 = arith.constant 1.000000e+00 : f32
      %broadcast_in_dim3A_76 = vector.broadcast %broadcast_in_dim3A_75 : f32 to vector<16xf32>
      %swap3A_77 = arith.index_cast %scan3A_61 : i32 to index
      %swap3A_78 = arith.constant 32 : index
      %swap3A_79 = tpu.vector_load %arg7[%swap3A_77, %swap3A_78] {strides = array<i32>} : memref<80x128xf32, #tpu.memory_space<vmem>>, vector<1x16xf32>,
      %swap3A_80 = vector.shape_cast %swap3A_79 : vector<1x16xf32> to vector<16xf32>
      %swap3A_81 = vector.shape_cast %broadcast_in_dim3A_76 : vector<16xf32> to vector<1x16xf32>
      tpu.vector_store %arg7[%swap3A_77, %swap3A_78], %swap3A_81 {strides = array<i32>} : memref<80x128xf32, #tpu.memory_space<vmem>>, vector<1x16xf32>,
      %broadcast_in_dim3A_82 = arith.constant 1.000000e+00 : f32
      %broadcast_in_dim3A_83 = vector.broadcast %broadcast_in_dim3A_82 : f32 to vector<16xf32>
      %swap3A_84 = arith.index_cast %scan3A_61 : i32 to index
      %swap3A_85 = arith.constant 48 : index
      %swap3A_86 = tpu.vector_load %arg7[%swap3A_84, %swap3A_85] {strides = array<i32>} : memref<80x128xf32, #tpu.memory_space<vmem>>, vector<1x16xf32>,
      %swap3A_87 = vector.shape_cast %swap3A_86 : vector<1x16xf32> to vector<16xf32>
      %swap3A_88 = vector.shape_cast %broadcast_in_dim3A_83 : vector<16xf32> to vector<1x16xf32>
      tpu.vector_store %arg7[%swap3A_84, %swap3A_85], %swap3A_88 {strides = array<i32>} : memref<80x128xf32, #tpu.memory_space<vmem>>, vector<1x16xf32>,
      %broadcast_in_dim3A_89 = arith.constant 1.000000e+00 : f32
      %broadcast_in_dim3A_90 = vector.broadcast %broadcast_in_dim3A_89 : f32 to vector<16xf32>
      %swap3A_91 = arith.index_cast %scan3A_61 : i32 to index
      %swap3A_92 = arith.constant 64 : index
      %swap3A_93 = tpu.vector_load %arg7[%swap3A_91, %swap3A_92] {strides = array<i32>} : memref<80x128xf32, #tpu.memory_space<vmem>>, vector<1x16xf32>,
      %swap3A_94 = vector.shape_cast %swap3A_93 : vector<1x16xf32> to vector<16xf32>
      %swap3A_95 = vector.shape_cast %broadcast_in_dim3A_90 : vector<16xf32> to vector<1x16xf32>
      tpu.vector_store %arg7[%swap3A_91, %swap3A_92], %swap3A_95 {strides = array<i32>} : memref<80x128xf32, #tpu.memory_space<vmem>>, vector<1x16xf32>,
      %broadcast_in_dim3A_96 = arith.constant 1.000000e+00 : f32
      %broadcast_in_dim3A_97 = vector.broadcast %broadcast_in_dim3A_96 : f32 to vector<16xf32>
      %swap3A_98 = arith.index_cast %scan3A_61 : i32 to index
      %swap3A_99 = arith.constant 80 : index
      %swap3A_100 = tpu.vector_load %arg7[%swap3A_98, %swap3A_99] {strides = array<i32>} : memref<80x128xf32, #tpu.memory_space<vmem>>, vector<1x16xf32>,
      %swap3A_101 = vector.shape_cast %swap3A_100 : vector<1x16xf32> to vector<16xf32>
      %swap3A_102 = vector.shape_cast %broadcast_in_dim3A_97 : vector<16xf32> to vector<1x16xf32>
      tpu.vector_store %arg7[%swap3A_98, %swap3A_99], %swap3A_102 {strides = array<i32>} : memref<80x128xf32, #tpu.memory_space<vmem>>, vector<1x16xf32>,
      %broadcast_in_dim3A_103 = arith.constant 1.000000e+00 : f32
      %broadcast_in_dim3A_104 = vector.broadcast %broadcast_in_dim3A_103 : f32 to vector<16xf32>
      %swap3A_105 = arith.index_cast %scan3A_61 : i32 to index
      %swap3A_106 = arith.constant 96 : index
      %swap3A_107 = tpu.vector_load %arg7[%swap3A_105, %swap3A_106] {strides = array<i32>} : memref<80x128xf32, #tpu.memory_space<vmem>>, vector<1x16xf32>,
      %swap3A_108 = vector.shape_cast %swap3A_107 : vector<1x16xf32> to vector<16xf32>
      %swap3A_109 = vector.shape_cast %broadcast_in_dim3A_104 : vector<16xf32> to vector<1x16xf32>
      tpu.vector_store %arg7[%swap3A_105, %swap3A_106], %swap3A_109 {strides = array<i32>} : memref<80x128xf32, #tpu.memory_space<vmem>>, vector<1x16xf32>,
      %broadcast_in_dim3A_110 = arith.constant 1.000000e+00 : f32
      %broadcast_in_dim3A_111 = vector.broadcast %broadcast_in_dim3A_110 : f32 to vector<16xf32>
      %swap3A_112 = arith.index_cast %scan3A_61 : i32 to index
      %swap3A_113 = arith.constant 112 : index
      %swap3A_114 = tpu.vector_load %arg7[%swap3A_112, %swap3A_113] {strides = array<i32>} : memref<80x128xf32, #tpu.memory_space<vmem>>, vector<1x16xf32>,
      %swap3A_115 = vector.shape_cast %swap3A_114 : vector<1x16xf32> to vector<16xf32>
      %swap3A_116 = vector.shape_cast %broadcast_in_dim3A_111 : vector<16xf32> to vector<1x16xf32>
      tpu.vector_store %arg7[%swap3A_112, %swap3A_113], %swap3A_116 {strides = array<i32>} : memref<80x128xf32, #tpu.memory_space<vmem>>, vector<1x16xf32>,
      %scan3A_117 = arith.constant 0 : i32
      scf.yield %scan3A_117 : i32
    }
    %scan3A_13 = arith.constant 80 : i32
    %scan3A_14 = arith.constant 0 : i32
    %scan3A_15 = arith.constant 0 : i32
    %scan3A_16 = arith.constant 8 : i32
    %scan3A_17 = arith.addi %scan3A_15, %scan3A_16 : i32
    %scan3A_18 = arith.constant 1 : i32
    %scan3A_19 = scf.for %scan3A_61 = %scan3A_15 to %scan3A_17 step %scan3A_18 iter_args(%scan3A_62 = %scan3A_14) -> (i32)  : i32 {
      %mul3A_63 = arith.constant 640 : i32
      %mul3A_64 = arith.muli %arg1, %mul3A_63 : i32
      %mul3A_65 = arith.constant 80 : i32
      %mul3A_66 = arith.muli %scan3A_61, %mul3A_65 : i32
      %add3A_67 = arith.addi %mul3A_64, %mul3A_66 : i32
      "tpu.region"() ({
        %run_scoped3A = tpu.sem_alloc : memref<!tpu.dma_semaphore, #tpu.memory_space<semaphore_mem>>
        %dma_start3A_69 = arith.constant 0 : i32
        %dma_start3A_70 = tpu.memref_slice %arg8[%add3A_67, %dma_start3A_69] : memref<10240x128xf32, #tpu.memory_space<vmem_shared>> -> memref<80x128xf32, #tpu.memory_space<vmem_shared>>
        %dma_start3A_71 = arith.constant 0 : i32
        %dma_start3A_72 = tpu.memref_slice %arg8[%add3A_67, %dma_start3A_71] : memref<10240x128xf32, #tpu.memory_space<vmem_shared>> -> memref<80x128xf32, #tpu.memory_space<vmem_shared>>
        tpu.enqueue_dma source(%arg6 : memref<80x128xf32, #tpu.memory_space<vmem>>) target(%dma_start3A_72 : memref<80x128xf32, #tpu.memory_space<vmem_shared>>) target_semaphore(%run_scoped3A : memref<!tpu.dma_semaphore, #tpu.memory_space<semaphore_mem>>)
        %dma_wait3A_73 = arith.constant 0 : i32
        %dma_wait3A_74 = tpu.memref_slice %arg8[%add3A_67, %dma_wait3A_73] : memref<10240x128xf32, #tpu.memory_space<vmem_shared>> -> memref<80x128xf32, #tpu.memory_space<vmem_shared>>
        %dma_wait3A_75 = arith.constant 0 : i32
        %dma_wait3A_76 = tpu.memref_slice %arg8[%add3A_67, %dma_wait3A_75] : memref<10240x128xf32, #tpu.memory_space<vmem_shared>> -> memref<80x128xf32, #tpu.memory_space<vmem_shared>>
        tpu.wait_dma2 semaphore(%run_scoped3A : memref<!tpu.dma_semaphore, #tpu.memory_space<semaphore_mem>>) src(%arg6 : memref<80x128xf32, #tpu.memory_space<vmem>>) dst(%dma_wait3A_76 : memref<80x128xf32, #tpu.memory_space<vmem_shared>>)
        tpu.yield
      }) : () -> ()
      %scan3A_68 = arith.constant 0 : i32
      scf.yield %scan3A_68 : i32
    }
    %scan3A_20 = arith.constant 8 : i32
    %barrier3A = arith.constant 0 : index
    tpu.barrier barrier_id(%barrier3A)
    %mul3A_21 = arith.constant 10000 : i32
    %mul3A_22 = arith.muli %add3A, %mul3A_21 : i32
    %add3A_23 = arith.constant 0 : i32
    %add3A_24 = arith.addi %mul3A_22, %add3A_23 : i32
    %dma_start3A = tpu.memref_slice %arg2[%add3A_24] : memref<320000xi32, #tpu.memory_space<hbm>> -> memref<80xi32, #tpu.memory_space<hbm>>
    %dma_start3A_25 = tpu.memref_slice %arg2[%add3A_24] : memref<320000xi32, #tpu.memory_space<hbm>> -> memref<80xi32, #tpu.memory_space<hbm>>
    tpu.enqueue_dma source(%dma_start3A_25 : memref<80xi32, #tpu.memory_space<hbm>>) target(%arg4 : memref<80xi32, #tpu.memory_space<vmem>>) target_semaphore(%arg9 : memref<!tpu.dma_semaphore, #tpu.memory_space<semaphore_mem>>)
    %scan3A_26 = arith.constant 0 : i32
    %scan3A_27 = arith.constant 0 : i32
    %scan3A_28 = arith.constant 62 : i32
    %scan3A_29 = arith.addi %scan3A_27, %scan3A_28 : i32
    %scan3A_30 = arith.constant 1 : i32
    %scan3A_31 = scf.for %scan3A_61 = %scan3A_27 to %scan3A_29 step %scan3A_30 iter_args(%scan3A_62 = %scan3A_26) -> (i32)  : i32 {
      %mul3A_63 = arith.constant 2 : i32
      %mul3A_64 = arith.muli %mul3A_63, %scan3A_61 : i32
      %gt3A = arith.constant 0 : i32
      %gt3A_65 = arith.cmpi sgt, %scan3A_61, %gt3A : i32
      %convert_element_type3A = arith.extui %gt3A_65 : i1 to i32
      %cond3A = arith.constant 0 : i32
      %cond3A_66 = arith.cmpi ne, %convert_element_type3A, %cond3A : i32
      scf.if %cond3A_66 {
        %dma_wait3A_103 = arith.constant 0 : i32
        %dma_wait3A_104 = arith.constant 0 : i32
        %dma_wait3A_105 = tpu.memref_slice %arg8[%dma_wait3A_103, %dma_wait3A_104] : memref<10240x128xf32, #tpu.memory_space<vmem_shared>> -> memref<10240x128xf32, #tpu.memory_space<vmem_shared>>
        tpu.wait_indirect_dma semaphore(%arg12 : memref<!tpu.dma_semaphore, #tpu.memory_space<semaphore_mem>>) src(%arg7 : memref<80x128xf32, #tpu.memory_space<vmem>>) dst(%dma_wait3A_105 : memref<10240x128xf32, #tpu.memory_space<vmem_shared>>)
      } else {
      }
      %add3A_67 = arith.constant 1 : i32
      %add3A_68 = arith.addi %mul3A_64, %add3A_67 : i32
      %mul3A_69 = arith.constant 10000 : i32
      %mul3A_70 = arith.muli %add3A, %mul3A_69 : i32
      %mul3A_71 = arith.constant 80 : i32
      %mul3A_72 = arith.muli %add3A_68, %mul3A_71 : i32
      %add3A_73 = arith.addi %mul3A_70, %mul3A_72 : i32
      %dma_start3A_74 = tpu.memref_slice %arg2[%add3A_73] : memref<320000xi32, #tpu.memory_space<hbm>> -> memref<80xi32, #tpu.memory_space<hbm>>
      %dma_start3A_75 = tpu.memref_slice %arg2[%add3A_73] : memref<320000xi32, #tpu.memory_space<hbm>> -> memref<80xi32, #tpu.memory_space<hbm>>
      tpu.enqueue_dma source(%dma_start3A_75 : memref<80xi32, #tpu.memory_space<hbm>>) target(%arg5 : memref<80xi32, #tpu.memory_space<vmem>>) target_semaphore(%arg10 : memref<!tpu.dma_semaphore, #tpu.memory_space<semaphore_mem>>)
      %mul3A_76 = arith.constant 10000 : i32
      %mul3A_77 = arith.muli %add3A, %mul3A_76 : i32
      %mul3A_78 = arith.constant 80 : i32
      %mul3A_79 = arith.muli %mul3A_64, %mul3A_78 : i32
      %add3A_80 = arith.addi %mul3A_77, %mul3A_79 : i32
      %dma_wait3A_81 = tpu.memref_slice %arg2[%add3A_80] : memref<320000xi32, #tpu.memory_space<hbm>> -> memref<80xi32, #tpu.memory_space<hbm>>
      %dma_wait3A_82 = tpu.memref_slice %arg2[%add3A_80] : memref<320000xi32, #tpu.memory_space<hbm>> -> memref<80xi32, #tpu.memory_space<hbm>>
      tpu.wait_dma2 semaphore(%arg9 : memref<!tpu.dma_semaphore, #tpu.memory_space<semaphore_mem>>) src(%dma_wait3A_82 : memref<80xi32, #tpu.memory_space<hbm>>) dst(%arg4 : memref<80xi32, #tpu.memory_space<vmem>>)
      %dma_start3A_83 = arith.constant 0 : i32
      %dma_start3A_84 = arith.constant 0 : i32
      %dma_start3A_85 = tpu.memref_slice %arg8[%dma_start3A_83, %dma_start3A_84] : memref<10240x128xf32, #tpu.memory_space<vmem_shared>> -> memref<10240x128xf32, #tpu.memory_space<vmem_shared>>
      tpu.enqueue_indirect_dma source(%arg7 : memref<80x128xf32, #tpu.memory_space<vmem>>) target(%dma_start3A_85 : memref<10240x128xf32, #tpu.memory_space<vmem_shared>>) offsets(%arg4 : memref<80xi32, #tpu.memory_space<vmem>>) semaphore(%arg11 : memref<!tpu.dma_semaphore, #tpu.memory_space<semaphore_mem>>) {add = true}
      %add3A_86 = arith.constant 1 : i32
      %add3A_87 = arith.addi %mul3A_64, %add3A_86 : i32
      %mul3A_88 = arith.constant 10000 : i32
      %mul3A_89 = arith.muli %add3A, %mul3A_88 : i32
      %mul3A_90 = arith.constant 80 : i32
      %mul3A_91 = arith.muli %add3A_87, %mul3A_90 : i32
      %add3A_92 = arith.addi %mul3A_89, %mul3A_91 : i32
      %dma_wait3A_93 = tpu.memref_slice %arg2[%add3A_92] : memref<320000xi32, #tpu.memory_space<hbm>> -> memref<80xi32, #tpu.memory_space<hbm>>
      %dma_wait3A_94 = tpu.memref_slice %arg2[%add3A_92] : memref<320000xi32, #tpu.memory_space<hbm>> -> memref<80xi32, #tpu.memory_space<hbm>>
      tpu.wait_dma2 semaphore(%arg10 : memref<!tpu.dma_semaphore, #tpu.memory_space<semaphore_mem>>) src(%dma_wait3A_94 : memref<80xi32, #tpu.memory_space<hbm>>) dst(%arg5 : memref<80xi32, #tpu.memory_space<vmem>>)
      %lt3A = arith.constant 61 : i32
      %lt3A_95 = arith.cmpi slt, %scan3A_61, %lt3A : i32
      %convert_element_type3A_96 = arith.extui %lt3A_95 : i1 to i32
      %cond3A_97 = arith.constant 0 : i32
      %cond3A_98 = arith.cmpi ne, %convert_element_type3A_96, %cond3A_97 : i32
      scf.if %cond3A_98 {
        %dma_wait3A_103 = arith.constant 0 : i32
        %dma_wait3A_104 = arith.constant 0 : i32
        %dma_wait3A_105 = tpu.memref_slice %arg8[%dma_wait3A_103, %dma_wait3A_104] : memref<10240x128xf32, #tpu.memory_space<vmem_shared>> -> memref<10240x128xf32, #tpu.memory_space<vmem_shared>>
        tpu.wait_indirect_dma semaphore(%arg11 : memref<!tpu.dma_semaphore, #tpu.memory_space<semaphore_mem>>) src(%arg7 : memref<80x128xf32, #tpu.memory_space<vmem>>) dst(%dma_wait3A_105 : memref<10240x128xf32, #tpu.memory_space<vmem_shared>>)
        %add3A_106 = arith.constant 2 : i32
        %add3A_107 = arith.addi %mul3A_64, %add3A_106 : i32
        %mul3A_108 = arith.constant 10000 : i32
        %mul3A_109 = arith.muli %add3A, %mul3A_108 : i32
        %mul3A_110 = arith.constant 80 : i32
        %mul3A_111 = arith.muli %add3A_107, %mul3A_110 : i32
        %add3A_112 = arith.addi %mul3A_109, %mul3A_111 : i32
        %dma_start3A_113 = tpu.memref_slice %arg2[%add3A_112] : memref<320000xi32, #tpu.memory_space<hbm>> -> memref<80xi32, #tpu.memory_space<hbm>>
        %dma_start3A_114 = tpu.memref_slice %arg2[%add3A_112] : memref<320000xi32, #tpu.memory_space<hbm>> -> memref<80xi32, #tpu.memory_space<hbm>>
        tpu.enqueue_dma source(%dma_start3A_114 : memref<80xi32, #tpu.memory_space<hbm>>) target(%arg4 : memref<80xi32, #tpu.memory_space<vmem>>) target_semaphore(%arg9 : memref<!tpu.dma_semaphore, #tpu.memory_space<semaphore_mem>>)
      } else {
      }
      %dma_start3A_99 = arith.constant 0 : i32
      %dma_start3A_100 = arith.constant 0 : i32
      %dma_start3A_101 = tpu.memref_slice %arg8[%dma_start3A_99, %dma_start3A_100] : memref<10240x128xf32, #tpu.memory_space<vmem_shared>> -> memref<10240x128xf32, #tpu.memory_space<vmem_shared>>
      tpu.enqueue_indirect_dma source(%arg7 : memref<80x128xf32, #tpu.memory_space<vmem>>) target(%dma_start3A_101 : memref<10240x128xf32, #tpu.memory_space<vmem_shared>>) offsets(%arg5 : memref<80xi32, #tpu.memory_space<vmem>>) semaphore(%arg12 : memref<!tpu.dma_semaphore, #tpu.memory_space<semaphore_mem>>) {add = true}
      %scan3A_102 = arith.constant 0 : i32
      scf.yield %scan3A_102 : i32
    }
    %scan3A_32 = arith.constant 62 : i32
    %dma_wait3A = arith.constant 0 : i32
    %dma_wait3A_33 = arith.constant 0 : i32
    %dma_wait3A_34 = tpu.memref_slice %arg8[%dma_wait3A, %dma_wait3A_33] : memref<10240x128xf32, #tpu.memory_space<vmem_shared>> -> memref<10240x128xf32, #tpu.memory_space<vmem_shared>>
    tpu.wait_indirect_dma semaphore(%arg11 : memref<!tpu.dma_semaphore, #tpu.memory_space<semaphore_mem>>) src(%arg7 : memref<80x128xf32, #tpu.memory_space<vmem>>) dst(%dma_wait3A_34 : memref<10240x128xf32, #tpu.memory_space<vmem_shared>>)
    %mul3A_35 = arith.constant 10000 : i32
    %mul3A_36 = arith.muli %add3A, %mul3A_35 : i32
    %add3A_37 = arith.constant 9920 : i32
    %add3A_38 = arith.addi %mul3A_36, %add3A_37 : i32
    %dma_start3A_39 = tpu.memref_slice %arg2[%add3A_38] : memref<320000xi32, #tpu.memory_space<hbm>> -> memref<80xi32, #tpu.memory_space<hbm>>
    %dma_start3A_40 = tpu.memref_slice %arg2[%add3A_38] : memref<320000xi32, #tpu.memory_space<hbm>> -> memref<80xi32, #tpu.memory_space<hbm>>
    tpu.enqueue_dma source(%dma_start3A_40 : memref<80xi32, #tpu.memory_space<hbm>>) target(%arg4 : memref<80xi32, #tpu.memory_space<vmem>>) target_semaphore(%arg9 : memref<!tpu.dma_semaphore, #tpu.memory_space<semaphore_mem>>)
    %mul3A_41 = arith.constant 10000 : i32
    %mul3A_42 = arith.muli %add3A, %mul3A_41 : i32
    %add3A_43 = arith.constant 9920 : i32
    %add3A_44 = arith.addi %mul3A_42, %add3A_43 : i32
    %dma_wait3A_45 = tpu.memref_slice %arg2[%add3A_44] : memref<320000xi32, #tpu.memory_space<hbm>> -> memref<80xi32, #tpu.memory_space<hbm>>
    %dma_wait3A_46 = tpu.memref_slice %arg2[%add3A_44] : memref<320000xi32, #tpu.memory_space<hbm>> -> memref<80xi32, #tpu.memory_space<hbm>>
    tpu.wait_dma2 semaphore(%arg9 : memref<!tpu.dma_semaphore, #tpu.memory_space<semaphore_mem>>) src(%dma_wait3A_46 : memref<80xi32, #tpu.memory_space<hbm>>) dst(%arg4 : memref<80xi32, #tpu.memory_space<vmem>>)
    %dma_start3A_47 = arith.constant 0 : i32
    %dma_start3A_48 = arith.constant 0 : i32
    %dma_start3A_49 = tpu.memref_slice %arg8[%dma_start3A_47, %dma_start3A_48] : memref<10240x128xf32, #tpu.memory_space<vmem_shared>> -> memref<10240x128xf32, #tpu.memory_space<vmem_shared>>
    tpu.enqueue_indirect_dma source(%arg7 : memref<80x128xf32, #tpu.memory_space<vmem>>) target(%dma_start3A_49 : memref<10240x128xf32, #tpu.memory_space<vmem_shared>>) offsets(%arg4 : memref<80xi32, #tpu.memory_space<vmem>>) semaphore(%arg11 : memref<!tpu.dma_semaphore, #tpu.memory_space<semaphore_mem>>) {add = true}
    %dma_wait3A_50 = arith.constant 0 : i32
    %dma_wait3A_51 = arith.constant 0 : i32
    %dma_wait3A_52 = tpu.memref_slice %arg8[%dma_wait3A_50, %dma_wait3A_51] : memref<10240x128xf32, #tpu.memory_space<vmem_shared>> -> memref<10240x128xf32, #tpu.memory_space<vmem_shared>>
    tpu.wait_indirect_dma semaphore(%arg11 : memref<!tpu.dma_semaphore, #tpu.memory_space<semaphore_mem>>) src(%arg7 : memref<80x128xf32, #tpu.memory_space<vmem>>) dst(%dma_wait3A_52 : memref<10240x128xf32, #tpu.memory_space<vmem_shared>>)
    %dma_wait3A_53 = arith.constant 0 : i32
    %dma_wait3A_54 = arith.constant 0 : i32
    %dma_wait3A_55 = tpu.memref_slice %arg8[%dma_wait3A_53, %dma_wait3A_54] : memref<10240x128xf32, #tpu.memory_space<vmem_shared>> -> memref<10240x128xf32, #tpu.memory_space<vmem_shared>>
    tpu.wait_indirect_dma semaphore(%arg12 : memref<!tpu.dma_semaphore, #tpu.memory_space<semaphore_mem>>) src(%arg7 : memref<80x128xf32, #tpu.memory_space<vmem>>) dst(%dma_wait3A_55 : memref<10240x128xf32, #tpu.memory_space<vmem_shared>>)
    %barrier3A_56 = arith.constant 0 : index
    tpu.barrier barrier_id(%barrier3A_56)
    %mul3A_57 = arith.constant 640 : i32
    %mul3A_58 = arith.muli %arg1, %mul3A_57 : i32
    %mul3A_59 = arith.constant 640 : i32
    %mul3A_60 = arith.muli %arg1, %mul3A_59 : i32
    "tpu.region"() ({
      %run_scoped3A = tpu.sem_alloc : memref<!tpu.dma_semaphore, #tpu.memory_space<semaphore_mem>>
      %dma_start3A_61 = arith.constant 0 : i32
      %dma_start3A_62 = tpu.memref_slice %arg3[%arg0, %mul3A_60, %dma_start3A_61] : memref<2x10240x128xf32, #tpu.memory_space<hbm>> -> memref<1x640x128xf32, #tpu.memory_space<hbm>>
      %dma_start3A_63 = tpu.memref_squeeze %dma_start3A_62 : memref<1x640x128xf32, #tpu.memory_space<hbm>> -> memref<640x128xf32, #tpu.memory_space<hbm>>
      %dma_start3A_64 = arith.constant 0 : i32
      %dma_start3A_65 = tpu.memref_slice %arg8[%mul3A_58, %dma_start3A_64] : memref<10240x128xf32, #tpu.memory_space<vmem_shared>> -> memref<640x128xf32, #tpu.memory_space<vmem_shared>>
      tpu.enqueue_dma source(%dma_start3A_65 : memref<640x128xf32, #tpu.memory_space<vmem_shared>>) target(%dma_start3A_63 : memref<640x128xf32, #tpu.memory_space<hbm>>) target_semaphore(%run_scoped3A : memref<!tpu.dma_semaphore, #tpu.memory_space<semaphore_mem>>)
      %dma_wait3A_66 = arith.constant 0 : i32
      %dma_wait3A_67 = tpu.memref_slice %arg3[%arg0, %mul3A_60, %dma_wait3A_66] : memref<2x10240x128xf32, #tpu.memory_space<hbm>> -> memref<1x640x128xf32, #tpu.memory_space<hbm>>
      %dma_wait3A_68 = tpu.memref_squeeze %dma_wait3A_67 : memref<1x640x128xf32, #tpu.memory_space<hbm>> -> memref<640x128xf32, #tpu.memory_space<hbm>>
      %dma_wait3A_69 = arith.constant 0 : i32
      %dma_wait3A_70 = tpu.memref_slice %arg8[%mul3A_58, %dma_wait3A_69] : memref<10240x128xf32, #tpu.memory_space<vmem_shared>> -> memref<640x128xf32, #tpu.memory_space<vmem_shared>>
      tpu.wait_dma2 semaphore(%run_scoped3A : memref<!tpu.dma_semaphore, #tpu.memory_space<semaphore_mem>>) src(%dma_wait3A_70 : memref<640x128xf32, #tpu.memory_space<vmem_shared>>) dst(%dma_wait3A_68 : memref<640x128xf32, #tpu.memory_space<hbm>>)
      tpu.yield
    }) : () -> ()
    return
  }
}

#map = affine_map<(d0, d1) -> (0, 0, 0)>
#map1 = affine_map<(d0, d1) -> (0)>
#map2 = affine_map<(d0, d1) -> (0, 0)>
module attributes {stable_mosaic.version = 14 : i64} {
  func.func @_prop_sc(%arg0: i32, %arg1: i32, %arg2: memref<32x125x80xi32, #tpu.memory_space<hbm>>, %arg3: memref<320000xi32, #tpu.memory_space<hbm>>, %arg4: memref<10000x128xf32, #tpu.memory_space<hbm>>, %arg5: memref<2x10240x128xf32, #tpu.memory_space<hbm>>, %arg6: memref<125x80xi32, #tpu.memory_space<vmem>>, %arg7: memref<80xi32, #tpu.memory_space<vmem>>, %arg8: memref<80xi32, #tpu.memory_space<vmem>>, %arg9: memref<80x128xf32, #tpu.memory_space<vmem>>, %arg10: memref<80x128xf32, #tpu.memory_space<vmem>>, %arg11: memref<10240x128xf32, #tpu.memory_space<vmem_shared>>, %arg12: memref<!tpu.dma_semaphore, #tpu.memory_space<semaphore_mem>>, %arg13: memref<!tpu.dma_semaphore, #tpu.memory_space<semaphore_mem>>, %arg14: memref<!tpu.dma_semaphore, #tpu.memory_space<semaphore_mem>>, %arg15: memref<!tpu.dma_semaphore, #tpu.memory_space<semaphore_mem>>, %arg16: memref<!tpu.dma_semaphore, #tpu.memory_space<semaphore_mem>>, %arg17: memref<!tpu.dma_semaphore, #tpu.memory_space<semaphore_mem>>) attributes {dimension_semantics = [#tpu.dimension_semantics<core_parallel>, #tpu.dimension_semantics<subcore_parallel>], iteration_bounds = array<i64: 2, 16>, scalar_prefetch = 0 : i64, scratch_operands = 12 : i64, tpu.core_type = #tpu.core_type<sc_vector_subcore>, window_params = [{transform_indices = #map}, {transform_indices = #map1}, {transform_indices = #map2}, {transform_indices = #map}]} {
    %mul3A = arith.constant 2 : i32
    %mul3A_0 = arith.muli %arg1, %mul3A : i32
    %add3A = arith.addi %mul3A_0, %arg0 : i32
    "tpu.region"() ({
      %run_scoped3A = tpu.sem_alloc : memref<!tpu.dma_semaphore, #tpu.memory_space<semaphore_mem>>
      %dma_start3A_75 = arith.constant 0 : i32
      %dma_start3A_76 = arith.constant 0 : i32
      %dma_start3A_77 = tpu.memref_slice %arg2[%add3A, %dma_start3A_75, %dma_start3A_76] : memref<32x125x80xi32, #tpu.memory_space<hbm>> -> memref<1x125x80xi32, #tpu.memory_space<hbm>>
      %dma_start3A_78 = tpu.memref_squeeze %dma_start3A_77 : memref<1x125x80xi32, #tpu.memory_space<hbm>> -> memref<125x80xi32, #tpu.memory_space<hbm>>
      %dma_start3A_79 = arith.constant 0 : i32
      %dma_start3A_80 = arith.constant 0 : i32
      %dma_start3A_81 = tpu.memref_slice %arg2[%add3A, %dma_start3A_79, %dma_start3A_80] : memref<32x125x80xi32, #tpu.memory_space<hbm>> -> memref<1x125x80xi32, #tpu.memory_space<hbm>>
      %dma_start3A_82 = tpu.memref_squeeze %dma_start3A_81 : memref<1x125x80xi32, #tpu.memory_space<hbm>> -> memref<125x80xi32, #tpu.memory_space<hbm>>
      tpu.enqueue_dma source(%dma_start3A_82 : memref<125x80xi32, #tpu.memory_space<hbm>>) target(%arg6 : memref<125x80xi32, #tpu.memory_space<vmem>>) target_semaphore(%run_scoped3A : memref<!tpu.dma_semaphore, #tpu.memory_space<semaphore_mem>>)
      %dma_wait3A_83 = arith.constant 0 : i32
      %dma_wait3A_84 = arith.constant 0 : i32
      %dma_wait3A_85 = tpu.memref_slice %arg2[%add3A, %dma_wait3A_83, %dma_wait3A_84] : memref<32x125x80xi32, #tpu.memory_space<hbm>> -> memref<1x125x80xi32, #tpu.memory_space<hbm>>
      %dma_wait3A_86 = tpu.memref_squeeze %dma_wait3A_85 : memref<1x125x80xi32, #tpu.memory_space<hbm>> -> memref<125x80xi32, #tpu.memory_space<hbm>>
      %dma_wait3A_87 = arith.constant 0 : i32
      %dma_wait3A_88 = arith.constant 0 : i32
      %dma_wait3A_89 = tpu.memref_slice %arg2[%add3A, %dma_wait3A_87, %dma_wait3A_88] : memref<32x125x80xi32, #tpu.memory_space<hbm>> -> memref<1x125x80xi32, #tpu.memory_space<hbm>>
      %dma_wait3A_90 = tpu.memref_squeeze %dma_wait3A_89 : memref<1x125x80xi32, #tpu.memory_space<hbm>> -> memref<125x80xi32, #tpu.memory_space<hbm>>
      tpu.wait_dma2 semaphore(%run_scoped3A : memref<!tpu.dma_semaphore, #tpu.memory_space<semaphore_mem>>) src(%dma_wait3A_90 : memref<125x80xi32, #tpu.memory_space<hbm>>) dst(%arg6 : memref<125x80xi32, #tpu.memory_space<vmem>>)
      tpu.yield
    }) : () -> ()
    %scan3A = arith.constant 0 : i32
    %scan3A_1 = arith.constant 0 : i32
    %scan3A_2 = arith.constant 80 : i32
    %scan3A_3 = arith.addi %scan3A_1, %scan3A_2 : i32
    %scan3A_4 = arith.constant 1 : i32
    %scan3A_5 = scf.for %scan3A_75 = %scan3A_1 to %scan3A_3 step %scan3A_4 iter_args(%scan3A_76 = %scan3A) -> (i32)  : i32 {
      %broadcast_in_dim3A = arith.constant 0.000000e+00 : f32
      %broadcast_in_dim3A_77 = vector.broadcast %broadcast_in_dim3A : f32 to vector<16xf32>
      %swap3A = arith.index_cast %scan3A_75 : i32 to index
      %swap3A_78 = arith.constant 0 : index
      %swap3A_79 = tpu.vector_load %arg9[%swap3A, %swap3A_78] {strides = array<i32>} : memref<80x128xf32, #tpu.memory_space<vmem>>, vector<1x16xf32>,
      %swap3A_80 = vector.shape_cast %swap3A_79 : vector<1x16xf32> to vector<16xf32>
      %swap3A_81 = vector.shape_cast %broadcast_in_dim3A_77 : vector<16xf32> to vector<1x16xf32>
      tpu.vector_store %arg9[%swap3A, %swap3A_78], %swap3A_81 {strides = array<i32>} : memref<80x128xf32, #tpu.memory_space<vmem>>, vector<1x16xf32>,
      %broadcast_in_dim3A_82 = arith.constant 0.000000e+00 : f32
      %broadcast_in_dim3A_83 = vector.broadcast %broadcast_in_dim3A_82 : f32 to vector<16xf32>
      %swap3A_84 = arith.index_cast %scan3A_75 : i32 to index
      %swap3A_85 = arith.constant 16 : index
      %swap3A_86 = tpu.vector_load %arg9[%swap3A_84, %swap3A_85] {strides = array<i32>} : memref<80x128xf32, #tpu.memory_space<vmem>>, vector<1x16xf32>,
      %swap3A_87 = vector.shape_cast %swap3A_86 : vector<1x16xf32> to vector<16xf32>
      %swap3A_88 = vector.shape_cast %broadcast_in_dim3A_83 : vector<16xf32> to vector<1x16xf32>
      tpu.vector_store %arg9[%swap3A_84, %swap3A_85], %swap3A_88 {strides = array<i32>} : memref<80x128xf32, #tpu.memory_space<vmem>>, vector<1x16xf32>,
      %broadcast_in_dim3A_89 = arith.constant 0.000000e+00 : f32
      %broadcast_in_dim3A_90 = vector.broadcast %broadcast_in_dim3A_89 : f32 to vector<16xf32>
      %swap3A_91 = arith.index_cast %scan3A_75 : i32 to index
      %swap3A_92 = arith.constant 32 : index
      %swap3A_93 = tpu.vector_load %arg9[%swap3A_91, %swap3A_92] {strides = array<i32>} : memref<80x128xf32, #tpu.memory_space<vmem>>, vector<1x16xf32>,
      %swap3A_94 = vector.shape_cast %swap3A_93 : vector<1x16xf32> to vector<16xf32>
      %swap3A_95 = vector.shape_cast %broadcast_in_dim3A_90 : vector<16xf32> to vector<1x16xf32>
      tpu.vector_store %arg9[%swap3A_91, %swap3A_92], %swap3A_95 {strides = array<i32>} : memref<80x128xf32, #tpu.memory_space<vmem>>, vector<1x16xf32>,
      %broadcast_in_dim3A_96 = arith.constant 0.000000e+00 : f32
      %broadcast_in_dim3A_97 = vector.broadcast %broadcast_in_dim3A_96 : f32 to vector<16xf32>
      %swap3A_98 = arith.index_cast %scan3A_75 : i32 to index
      %swap3A_99 = arith.constant 48 : index
      %swap3A_100 = tpu.vector_load %arg9[%swap3A_98, %swap3A_99] {strides = array<i32>} : memref<80x128xf32, #tpu.memory_space<vmem>>, vector<1x16xf32>,
      %swap3A_101 = vector.shape_cast %swap3A_100 : vector<1x16xf32> to vector<16xf32>
      %swap3A_102 = vector.shape_cast %broadcast_in_dim3A_97 : vector<16xf32> to vector<1x16xf32>
      tpu.vector_store %arg9[%swap3A_98, %swap3A_99], %swap3A_102 {strides = array<i32>} : memref<80x128xf32, #tpu.memory_space<vmem>>, vector<1x16xf32>,
      %broadcast_in_dim3A_103 = arith.constant 0.000000e+00 : f32
      %broadcast_in_dim3A_104 = vector.broadcast %broadcast_in_dim3A_103 : f32 to vector<16xf32>
      %swap3A_105 = arith.index_cast %scan3A_75 : i32 to index
      %swap3A_106 = arith.constant 64 : index
      %swap3A_107 = tpu.vector_load %arg9[%swap3A_105, %swap3A_106] {strides = array<i32>} : memref<80x128xf32, #tpu.memory_space<vmem>>, vector<1x16xf32>,
      %swap3A_108 = vector.shape_cast %swap3A_107 : vector<1x16xf32> to vector<16xf32>
      %swap3A_109 = vector.shape_cast %broadcast_in_dim3A_104 : vector<16xf32> to vector<1x16xf32>
      tpu.vector_store %arg9[%swap3A_105, %swap3A_106], %swap3A_109 {strides = array<i32>} : memref<80x128xf32, #tpu.memory_space<vmem>>, vector<1x16xf32>,
      %broadcast_in_dim3A_110 = arith.constant 0.000000e+00 : f32
      %broadcast_in_dim3A_111 = vector.broadcast %broadcast_in_dim3A_110 : f32 to vector<16xf32>
      %swap3A_112 = arith.index_cast %scan3A_75 : i32 to index
      %swap3A_113 = arith.constant 80 : index
      %swap3A_114 = tpu.vector_load %arg9[%swap3A_112, %swap3A_113] {strides = array<i32>} : memref<80x128xf32, #tpu.memory_space<vmem>>, vector<1x16xf32>,
      %swap3A_115 = vector.shape_cast %swap3A_114 : vector<1x16xf32> to vector<16xf32>
      %swap3A_116 = vector.shape_cast %broadcast_in_dim3A_111 : vector<16xf32> to vector<1x16xf32>
      tpu.vector_store %arg9[%swap3A_112, %swap3A_113], %swap3A_116 {strides = array<i32>} : memref<80x128xf32, #tpu.memory_space<vmem>>, vector<1x16xf32>,
      %broadcast_in_dim3A_117 = arith.constant 0.000000e+00 : f32
      %broadcast_in_dim3A_118 = vector.broadcast %broadcast_in_dim3A_117 : f32 to vector<16xf32>
      %swap3A_119 = arith.index_cast %scan3A_75 : i32 to index
      %swap3A_120 = arith.constant 96 : index
      %swap3A_121 = tpu.vector_load %arg9[%swap3A_119, %swap3A_120] {strides = array<i32>} : memref<80x128xf32, #tpu.memory_space<vmem>>, vector<1x16xf32>,
      %swap3A_122 = vector.shape_cast %swap3A_121 : vector<1x16xf32> to vector<16xf32>
      %swap3A_123 = vector.shape_cast %broadcast_in_dim3A_118 : vector<16xf32> to vector<1x16xf32>
      tpu.vector_store %arg9[%swap3A_119, %swap3A_120], %swap3A_123 {strides = array<i32>} : memref<80x128xf32, #tpu.memory_space<vmem>>, vector<1x16xf32>,
      %broadcast_in_dim3A_124 = arith.constant 0.000000e+00 : f32
      %broadcast_in_dim3A_125 = vector.broadcast %broadcast_in_dim3A_124 : f32 to vector<16xf32>
      %swap3A_126 = arith.index_cast %scan3A_75 : i32 to index
      %swap3A_127 = arith.constant 112 : index
      %swap3A_128 = tpu.vector_load %arg9[%swap3A_126, %swap3A_127] {strides = array<i32>} : memref<80x128xf32, #tpu.memory_space<vmem>>, vector<1x16xf32>,
      %swap3A_129 = vector.shape_cast %swap3A_128 : vector<1x16xf32> to vector<16xf32>
      %swap3A_130 = vector.shape_cast %broadcast_in_dim3A_125 : vector<16xf32> to vector<1x16xf32>
      tpu.vector_store %arg9[%swap3A_126, %swap3A_127], %swap3A_130 {strides = array<i32>} : memref<80x128xf32, #tpu.memory_space<vmem>>, vector<1x16xf32>,
      %scan3A_131 = arith.constant 0 : i32
      scf.yield %scan3A_131 : i32
    }
    %scan3A_6 = arith.constant 80 : i32
    %scan3A_7 = arith.constant 0 : i32
    %scan3A_8 = arith.constant 0 : i32
    %scan3A_9 = arith.constant 8 : i32
    %scan3A_10 = arith.addi %scan3A_8, %scan3A_9 : i32
    %scan3A_11 = arith.constant 1 : i32
    %scan3A_12 = scf.for %scan3A_75 = %scan3A_8 to %scan3A_10 step %scan3A_11 iter_args(%scan3A_76 = %scan3A_7) -> (i32)  : i32 {
      %mul3A_77 = arith.constant 640 : i32
      %mul3A_78 = arith.muli %arg1, %mul3A_77 : i32
      %mul3A_79 = arith.constant 80 : i32
      %mul3A_80 = arith.muli %scan3A_75, %mul3A_79 : i32
      %add3A_81 = arith.addi %mul3A_78, %mul3A_80 : i32
      "tpu.region"() ({
        %run_scoped3A = tpu.sem_alloc : memref<!tpu.dma_semaphore, #tpu.memory_space<semaphore_mem>>
        %dma_start3A_83 = arith.constant 0 : i32
        %dma_start3A_84 = tpu.memref_slice %arg11[%add3A_81, %dma_start3A_83] : memref<10240x128xf32, #tpu.memory_space<vmem_shared>> -> memref<80x128xf32, #tpu.memory_space<vmem_shared>>
        %dma_start3A_85 = arith.constant 0 : i32
        %dma_start3A_86 = tpu.memref_slice %arg11[%add3A_81, %dma_start3A_85] : memref<10240x128xf32, #tpu.memory_space<vmem_shared>> -> memref<80x128xf32, #tpu.memory_space<vmem_shared>>
        tpu.enqueue_dma source(%arg9 : memref<80x128xf32, #tpu.memory_space<vmem>>) target(%dma_start3A_86 : memref<80x128xf32, #tpu.memory_space<vmem_shared>>) target_semaphore(%run_scoped3A : memref<!tpu.dma_semaphore, #tpu.memory_space<semaphore_mem>>)
        %dma_wait3A_87 = arith.constant 0 : i32
        %dma_wait3A_88 = tpu.memref_slice %arg11[%add3A_81, %dma_wait3A_87] : memref<10240x128xf32, #tpu.memory_space<vmem_shared>> -> memref<80x128xf32, #tpu.memory_space<vmem_shared>>
        %dma_wait3A_89 = arith.constant 0 : i32
        %dma_wait3A_90 = tpu.memref_slice %arg11[%add3A_81, %dma_wait3A_89] : memref<10240x128xf32, #tpu.memory_space<vmem_shared>> -> memref<80x128xf32, #tpu.memory_space<vmem_shared>>
        tpu.wait_dma2 semaphore(%run_scoped3A : memref<!tpu.dma_semaphore, #tpu.memory_space<semaphore_mem>>) src(%arg9 : memref<80x128xf32, #tpu.memory_space<vmem>>) dst(%dma_wait3A_90 : memref<80x128xf32, #tpu.memory_space<vmem_shared>>)
        tpu.yield
      }) : () -> ()
      %scan3A_82 = arith.constant 0 : i32
      scf.yield %scan3A_82 : i32
    }
    %scan3A_13 = arith.constant 8 : i32
    %barrier3A = arith.constant 0 : index
    tpu.barrier barrier_id(%barrier3A)
    %mul3A_14 = arith.constant 10000 : i32
    %mul3A_15 = arith.muli %add3A, %mul3A_14 : i32
    %add3A_16 = arith.constant 0 : i32
    %add3A_17 = arith.addi %mul3A_15, %add3A_16 : i32
    %dma_start3A = tpu.memref_slice %arg3[%add3A_17] : memref<320000xi32, #tpu.memory_space<hbm>> -> memref<80xi32, #tpu.memory_space<hbm>>
    %dma_start3A_18 = tpu.memref_slice %arg3[%add3A_17] : memref<320000xi32, #tpu.memory_space<hbm>> -> memref<80xi32, #tpu.memory_space<hbm>>
    tpu.enqueue_dma source(%dma_start3A_18 : memref<80xi32, #tpu.memory_space<hbm>>) target(%arg7 : memref<80xi32, #tpu.memory_space<vmem>>) target_semaphore(%arg14 : memref<!tpu.dma_semaphore, #tpu.memory_space<semaphore_mem>>)
    %dma_start3A_19 = arith.constant 0 : i32
    %dma_start3A_20 = arith.constant 0 : i32
    %dma_start3A_21 = tpu.memref_slice %arg6[%dma_start3A_19, %dma_start3A_20] : memref<125x80xi32, #tpu.memory_space<vmem>> -> memref<1x80xi32, #tpu.memory_space<vmem>>
    %dma_start3A_22 = tpu.memref_squeeze %dma_start3A_21 : memref<1x80xi32, #tpu.memory_space<vmem>> -> memref<80xi32, #tpu.memory_space<vmem>>
    %dma_start3A_23 = arith.constant 0 : i32
    %dma_start3A_24 = arith.constant 0 : i32
    %dma_start3A_25 = tpu.memref_slice %arg4[%dma_start3A_23, %dma_start3A_24] : memref<10000x128xf32, #tpu.memory_space<hbm>> -> memref<10000x128xf32, #tpu.memory_space<hbm>>
    tpu.enqueue_indirect_dma source(%dma_start3A_25 : memref<10000x128xf32, #tpu.memory_space<hbm>>) target(%arg9 : memref<80x128xf32, #tpu.memory_space<vmem>>) offsets(%dma_start3A_22 : memref<80xi32, #tpu.memory_space<vmem>>) semaphore(%arg12 : memref<!tpu.dma_semaphore, #tpu.memory_space<semaphore_mem>>)
    %scan3A_26 = arith.constant 0 : i32
    %scan3A_27 = arith.constant 0 : i32
    %scan3A_28 = arith.constant 62 : i32
    %scan3A_29 = arith.addi %scan3A_27, %scan3A_28 : i32
    %scan3A_30 = arith.constant 1 : i32
    %scan3A_31 = scf.for %scan3A_75 = %scan3A_27 to %scan3A_29 step %scan3A_30 iter_args(%scan3A_76 = %scan3A_26) -> (i32)  : i32 {
      %mul3A_77 = arith.constant 2 : i32
      %mul3A_78 = arith.muli %mul3A_77, %scan3A_75 : i32
      %gt3A = arith.constant 0 : i32
      %gt3A_79 = arith.cmpi sgt, %scan3A_75, %gt3A : i32
      %convert_element_type3A = arith.extui %gt3A_79 : i1 to i32
      %cond3A = arith.constant 0 : i32
      %cond3A_80 = arith.cmpi ne, %convert_element_type3A, %cond3A : i32
      scf.if %cond3A_80 {
        %dma_wait3A_135 = arith.constant 0 : i32
        %dma_wait3A_136 = arith.constant 0 : i32
        %dma_wait3A_137 = tpu.memref_slice %arg11[%dma_wait3A_135, %dma_wait3A_136] : memref<10240x128xf32, #tpu.memory_space<vmem_shared>> -> memref<10240x128xf32, #tpu.memory_space<vmem_shared>>
        tpu.wait_indirect_dma semaphore(%arg17 : memref<!tpu.dma_semaphore, #tpu.memory_space<semaphore_mem>>) src(%arg10 : memref<80x128xf32, #tpu.memory_space<vmem>>) dst(%dma_wait3A_137 : memref<10240x128xf32, #tpu.memory_space<vmem_shared>>)
      } else {
      }
      %add3A_81 = arith.constant 1 : i32
      %add3A_82 = arith.addi %mul3A_78, %add3A_81 : i32
      %mul3A_83 = arith.constant 10000 : i32
      %mul3A_84 = arith.muli %add3A, %mul3A_83 : i32
      %mul3A_85 = arith.constant 80 : i32
      %mul3A_86 = arith.muli %add3A_82, %mul3A_85 : i32
      %add3A_87 = arith.addi %mul3A_84, %mul3A_86 : i32
      %dma_start3A_88 = tpu.memref_slice %arg3[%add3A_87] : memref<320000xi32, #tpu.memory_space<hbm>> -> memref<80xi32, #tpu.memory_space<hbm>>
      %dma_start3A_89 = tpu.memref_slice %arg3[%add3A_87] : memref<320000xi32, #tpu.memory_space<hbm>> -> memref<80xi32, #tpu.memory_space<hbm>>
      tpu.enqueue_dma source(%dma_start3A_89 : memref<80xi32, #tpu.memory_space<hbm>>) target(%arg8 : memref<80xi32, #tpu.memory_space<vmem>>) target_semaphore(%arg15 : memref<!tpu.dma_semaphore, #tpu.memory_space<semaphore_mem>>)
      %dma_start3A_90 = arith.constant 0 : i32
      %dma_start3A_91 = tpu.memref_slice %arg6[%add3A_82, %dma_start3A_90] : memref<125x80xi32, #tpu.memory_space<vmem>> -> memref<1x80xi32, #tpu.memory_space<vmem>>
      %dma_start3A_92 = tpu.memref_squeeze %dma_start3A_91 : memref<1x80xi32, #tpu.memory_space<vmem>> -> memref<80xi32, #tpu.memory_space<vmem>>
      %dma_start3A_93 = arith.constant 0 : i32
      %dma_start3A_94 = arith.constant 0 : i32
      %dma_start3A_95 = tpu.memref_slice %arg4[%dma_start3A_93, %dma_start3A_94] : memref<10000x128xf32, #tpu.memory_space<hbm>> -> memref<10000x128xf32, #tpu.memory_space<hbm>>
      tpu.enqueue_indirect_dma source(%dma_start3A_95 : memref<10000x128xf32, #tpu.memory_space<hbm>>) target(%arg10 : memref<80x128xf32, #tpu.memory_space<vmem>>) offsets(%dma_start3A_92 : memref<80xi32, #tpu.memory_space<vmem>>) semaphore(%arg13 : memref<!tpu.dma_semaphore, #tpu.memory_space<semaphore_mem>>)
      %mul3A_96 = arith.constant 10000 : i32
      %mul3A_97 = arith.muli %add3A, %mul3A_96 : i32
      %mul3A_98 = arith.constant 80 : i32
      %mul3A_99 = arith.muli %mul3A_78, %mul3A_98 : i32
      %add3A_100 = arith.addi %mul3A_97, %mul3A_99 : i32
      %dma_wait3A_101 = tpu.memref_slice %arg3[%add3A_100] : memref<320000xi32, #tpu.memory_space<hbm>> -> memref<80xi32, #tpu.memory_space<hbm>>
      %dma_wait3A_102 = tpu.memref_slice %arg3[%add3A_100] : memref<320000xi32, #tpu.memory_space<hbm>> -> memref<80xi32, #tpu.memory_space<hbm>>
      tpu.wait_dma2 semaphore(%arg14 : memref<!tpu.dma_semaphore, #tpu.memory_space<semaphore_mem>>) src(%dma_wait3A_102 : memref<80xi32, #tpu.memory_space<hbm>>) dst(%arg7 : memref<80xi32, #tpu.memory_space<vmem>>)
      %dma_wait3A_103 = arith.constant 0 : i32
      %dma_wait3A_104 = tpu.memref_slice %arg6[%mul3A_78, %dma_wait3A_103] : memref<125x80xi32, #tpu.memory_space<vmem>> -> memref<1x80xi32, #tpu.memory_space<vmem>>
      %dma_wait3A_105 = tpu.memref_squeeze %dma_wait3A_104 : memref<1x80xi32, #tpu.memory_space<vmem>> -> memref<80xi32, #tpu.memory_space<vmem>>
      %dma_wait3A_106 = arith.constant 0 : i32
      %dma_wait3A_107 = arith.constant 0 : i32
      %dma_wait3A_108 = tpu.memref_slice %arg4[%dma_wait3A_106, %dma_wait3A_107] : memref<10000x128xf32, #tpu.memory_space<hbm>> -> memref<10000x128xf32, #tpu.memory_space<hbm>>
      tpu.wait_indirect_dma semaphore(%arg12 : memref<!tpu.dma_semaphore, #tpu.memory_space<semaphore_mem>>) src(%dma_wait3A_108 : memref<10000x128xf32, #tpu.memory_space<hbm>>) dst(%arg9 : memref<80x128xf32, #tpu.memory_space<vmem>>)
      %dma_start3A_109 = arith.constant 0 : i32
      %dma_start3A_110 = arith.constant 0 : i32
      %dma_start3A_111 = tpu.memref_slice %arg11[%dma_start3A_109, %dma_start3A_110] : memref<10240x128xf32, #tpu.memory_space<vmem_shared>> -> memref<10240x128xf32, #tpu.memory_space<vmem_shared>>
      tpu.enqueue_indirect_dma source(%arg9 : memref<80x128xf32, #tpu.memory_space<vmem>>) target(%dma_start3A_111 : memref<10240x128xf32, #tpu.memory_space<vmem_shared>>) offsets(%arg7 : memref<80xi32, #tpu.memory_space<vmem>>) semaphore(%arg16 : memref<!tpu.dma_semaphore, #tpu.memory_space<semaphore_mem>>) {add = true}
      %add3A_112 = arith.constant 1 : i32
      %add3A_113 = arith.addi %mul3A_78, %add3A_112 : i32
      %mul3A_114 = arith.constant 10000 : i32
      %mul3A_115 = arith.muli %add3A, %mul3A_114 : i32
      %mul3A_116 = arith.constant 80 : i32
      %mul3A_117 = arith.muli %add3A_113, %mul3A_116 : i32
      %add3A_118 = arith.addi %mul3A_115, %mul3A_117 : i32
      %dma_wait3A_119 = tpu.memref_slice %arg3[%add3A_118] : memref<320000xi32, #tpu.memory_space<hbm>> -> memref<80xi32, #tpu.memory_space<hbm>>
      %dma_wait3A_120 = tpu.memref_slice %arg3[%add3A_118] : memref<320000xi32, #tpu.memory_space<hbm>> -> memref<80xi32, #tpu.memory_space<hbm>>
      tpu.wait_dma2 semaphore(%arg15 : memref<!tpu.dma_semaphore, #tpu.memory_space<semaphore_mem>>) src(%dma_wait3A_120 : memref<80xi32, #tpu.memory_space<hbm>>) dst(%arg8 : memref<80xi32, #tpu.memory_space<vmem>>)
      %dma_wait3A_121 = arith.constant 0 : i32
      %dma_wait3A_122 = tpu.memref_slice %arg6[%add3A_113, %dma_wait3A_121] : memref<125x80xi32, #tpu.memory_space<vmem>> -> memref<1x80xi32, #tpu.memory_space<vmem>>
      %dma_wait3A_123 = tpu.memref_squeeze %dma_wait3A_122 : memref<1x80xi32, #tpu.memory_space<vmem>> -> memref<80xi32, #tpu.memory_space<vmem>>
      %dma_wait3A_124 = arith.constant 0 : i32
      %dma_wait3A_125 = arith.constant 0 : i32
      %dma_wait3A_126 = tpu.memref_slice %arg4[%dma_wait3A_124, %dma_wait3A_125] : memref<10000x128xf32, #tpu.memory_space<hbm>> -> memref<10000x128xf32, #tpu.memory_space<hbm>>
      tpu.wait_indirect_dma semaphore(%arg13 : memref<!tpu.dma_semaphore, #tpu.memory_space<semaphore_mem>>) src(%dma_wait3A_126 : memref<10000x128xf32, #tpu.memory_space<hbm>>) dst(%arg10 : memref<80x128xf32, #tpu.memory_space<vmem>>)
      %lt3A = arith.constant 61 : i32
      %lt3A_127 = arith.cmpi slt, %scan3A_75, %lt3A : i32
      %convert_element_type3A_128 = arith.extui %lt3A_127 : i1 to i32
      %cond3A_129 = arith.constant 0 : i32
      %cond3A_130 = arith.cmpi ne, %convert_element_type3A_128, %cond3A_129 : i32
      scf.if %cond3A_130 {
        %dma_wait3A_135 = arith.constant 0 : i32
        %dma_wait3A_136 = arith.constant 0 : i32
        %dma_wait3A_137 = tpu.memref_slice %arg11[%dma_wait3A_135, %dma_wait3A_136] : memref<10240x128xf32, #tpu.memory_space<vmem_shared>> -> memref<10240x128xf32, #tpu.memory_space<vmem_shared>>
        tpu.wait_indirect_dma semaphore(%arg16 : memref<!tpu.dma_semaphore, #tpu.memory_space<semaphore_mem>>) src(%arg9 : memref<80x128xf32, #tpu.memory_space<vmem>>) dst(%dma_wait3A_137 : memref<10240x128xf32, #tpu.memory_space<vmem_shared>>)
        %add3A_138 = arith.constant 2 : i32
        %add3A_139 = arith.addi %mul3A_78, %add3A_138 : i32
        %mul3A_140 = arith.constant 10000 : i32
        %mul3A_141 = arith.muli %add3A, %mul3A_140 : i32
        %mul3A_142 = arith.constant 80 : i32
        %mul3A_143 = arith.muli %add3A_139, %mul3A_142 : i32
        %add3A_144 = arith.addi %mul3A_141, %mul3A_143 : i32
        %dma_start3A_145 = tpu.memref_slice %arg3[%add3A_144] : memref<320000xi32, #tpu.memory_space<hbm>> -> memref<80xi32, #tpu.memory_space<hbm>>
        %dma_start3A_146 = tpu.memref_slice %arg3[%add3A_144] : memref<320000xi32, #tpu.memory_space<hbm>> -> memref<80xi32, #tpu.memory_space<hbm>>
        tpu.enqueue_dma source(%dma_start3A_146 : memref<80xi32, #tpu.memory_space<hbm>>) target(%arg7 : memref<80xi32, #tpu.memory_space<vmem>>) target_semaphore(%arg14 : memref<!tpu.dma_semaphore, #tpu.memory_space<semaphore_mem>>)
        %dma_start3A_147 = arith.constant 0 : i32
        %dma_start3A_148 = tpu.memref_slice %arg6[%add3A_139, %dma_start3A_147] : memref<125x80xi32, #tpu.memory_space<vmem>> -> memref<1x80xi32, #tpu.memory_space<vmem>>
        %dma_start3A_149 = tpu.memref_squeeze %dma_start3A_148 : memref<1x80xi32, #tpu.memory_space<vmem>> -> memref<80xi32, #tpu.memory_space<vmem>>
        %dma_start3A_150 = arith.constant 0 : i32
        %dma_start3A_151 = arith.constant 0 : i32
        %dma_start3A_152 = tpu.memref_slice %arg4[%dma_start3A_150, %dma_start3A_151] : memref<10000x128xf32, #tpu.memory_space<hbm>> -> memref<10000x128xf32, #tpu.memory_space<hbm>>
        tpu.enqueue_indirect_dma source(%dma_start3A_152 : memref<10000x128xf32, #tpu.memory_space<hbm>>) target(%arg9 : memref<80x128xf32, #tpu.memory_space<vmem>>) offsets(%dma_start3A_149 : memref<80xi32, #tpu.memory_space<vmem>>) semaphore(%arg12 : memref<!tpu.dma_semaphore, #tpu.memory_space<semaphore_mem>>)
      } else {
      }
      %dma_start3A_131 = arith.constant 0 : i32
      %dma_start3A_132 = arith.constant 0 : i32
      %dma_start3A_133 = tpu.memref_slice %arg11[%dma_start3A_131, %dma_start3A_132] : memref<10240x128xf32, #tpu.memory_space<vmem_shared>> -> memref<10240x128xf32, #tpu.memory_space<vmem_shared>>
      tpu.enqueue_indirect_dma source(%arg10 : memref<80x128xf32, #tpu.memory_space<vmem>>) target(%dma_start3A_133 : memref<10240x128xf32, #tpu.memory_space<vmem_shared>>) offsets(%arg8 : memref<80xi32, #tpu.memory_space<vmem>>) semaphore(%arg17 : memref<!tpu.dma_semaphore, #tpu.memory_space<semaphore_mem>>) {add = true}
      %scan3A_134 = arith.constant 0 : i32
      scf.yield %scan3A_134 : i32
    }
    %scan3A_32 = arith.constant 62 : i32
    %dma_wait3A = arith.constant 0 : i32
    %dma_wait3A_33 = arith.constant 0 : i32
    %dma_wait3A_34 = tpu.memref_slice %arg11[%dma_wait3A, %dma_wait3A_33] : memref<10240x128xf32, #tpu.memory_space<vmem_shared>> -> memref<10240x128xf32, #tpu.memory_space<vmem_shared>>
    tpu.wait_indirect_dma semaphore(%arg16 : memref<!tpu.dma_semaphore, #tpu.memory_space<semaphore_mem>>) src(%arg9 : memref<80x128xf32, #tpu.memory_space<vmem>>) dst(%dma_wait3A_34 : memref<10240x128xf32, #tpu.memory_space<vmem_shared>>)
    %mul3A_35 = arith.constant 10000 : i32
    %mul3A_36 = arith.muli %add3A, %mul3A_35 : i32
    %add3A_37 = arith.constant 9920 : i32
    %add3A_38 = arith.addi %mul3A_36, %add3A_37 : i32
    %dma_start3A_39 = tpu.memref_slice %arg3[%add3A_38] : memref<320000xi32, #tpu.memory_space<hbm>> -> memref<80xi32, #tpu.memory_space<hbm>>
    %dma_start3A_40 = tpu.memref_slice %arg3[%add3A_38] : memref<320000xi32, #tpu.memory_space<hbm>> -> memref<80xi32, #tpu.memory_space<hbm>>
    tpu.enqueue_dma source(%dma_start3A_40 : memref<80xi32, #tpu.memory_space<hbm>>) target(%arg7 : memref<80xi32, #tpu.memory_space<vmem>>) target_semaphore(%arg14 : memref<!tpu.dma_semaphore, #tpu.memory_space<semaphore_mem>>)
    %dma_start3A_41 = arith.constant 124 : i32
    %dma_start3A_42 = arith.constant 0 : i32
    %dma_start3A_43 = tpu.memref_slice %arg6[%dma_start3A_41, %dma_start3A_42] : memref<125x80xi32, #tpu.memory_space<vmem>> -> memref<1x80xi32, #tpu.memory_space<vmem>>
    %dma_start3A_44 = tpu.memref_squeeze %dma_start3A_43 : memref<1x80xi32, #tpu.memory_space<vmem>> -> memref<80xi32, #tpu.memory_space<vmem>>
    %dma_start3A_45 = arith.constant 0 : i32
    %dma_start3A_46 = arith.constant 0 : i32
    %dma_start3A_47 = tpu.memref_slice %arg4[%dma_start3A_45, %dma_start3A_46] : memref<10000x128xf32, #tpu.memory_space<hbm>> -> memref<10000x128xf32, #tpu.memory_space<hbm>>
    tpu.enqueue_indirect_dma source(%dma_start3A_47 : memref<10000x128xf32, #tpu.memory_space<hbm>>) target(%arg9 : memref<80x128xf32, #tpu.memory_space<vmem>>) offsets(%dma_start3A_44 : memref<80xi32, #tpu.memory_space<vmem>>) semaphore(%arg12 : memref<!tpu.dma_semaphore, #tpu.memory_space<semaphore_mem>>)
    %mul3A_48 = arith.constant 10000 : i32
    %mul3A_49 = arith.muli %add3A, %mul3A_48 : i32
    %add3A_50 = arith.constant 9920 : i32
    %add3A_51 = arith.addi %mul3A_49, %add3A_50 : i32
    %dma_wait3A_52 = tpu.memref_slice %arg3[%add3A_51] : memref<320000xi32, #tpu.memory_space<hbm>> -> memref<80xi32, #tpu.memory_space<hbm>>
    %dma_wait3A_53 = tpu.memref_slice %arg3[%add3A_51] : memref<320000xi32, #tpu.memory_space<hbm>> -> memref<80xi32, #tpu.memory_space<hbm>>
    tpu.wait_dma2 semaphore(%arg14 : memref<!tpu.dma_semaphore, #tpu.memory_space<semaphore_mem>>) src(%dma_wait3A_53 : memref<80xi32, #tpu.memory_space<hbm>>) dst(%arg7 : memref<80xi32, #tpu.memory_space<vmem>>)
    %dma_wait3A_54 = arith.constant 124 : i32
    %dma_wait3A_55 = arith.constant 0 : i32
    %dma_wait3A_56 = tpu.memref_slice %arg6[%dma_wait3A_54, %dma_wait3A_55] : memref<125x80xi32, #tpu.memory_space<vmem>> -> memref<1x80xi32, #tpu.memory_space<vmem>>
    %dma_wait3A_57 = tpu.memref_squeeze %dma_wait3A_56 : memref<1x80xi32, #tpu.memory_space<vmem>> -> memref<80xi32, #tpu.memory_space<vmem>>
    %dma_wait3A_58 = arith.constant 0 : i32
    %dma_wait3A_59 = arith.constant 0 : i32
    %dma_wait3A_60 = tpu.memref_slice %arg4[%dma_wait3A_58, %dma_wait3A_59] : memref<10000x128xf32, #tpu.memory_space<hbm>> -> memref<10000x128xf32, #tpu.memory_space<hbm>>
    tpu.wait_indirect_dma semaphore(%arg12 : memref<!tpu.dma_semaphore, #tpu.memory_space<semaphore_mem>>) src(%dma_wait3A_60 : memref<10000x128xf32, #tpu.memory_space<hbm>>) dst(%arg9 : memref<80x128xf32, #tpu.memory_space<vmem>>)
    %dma_start3A_61 = arith.constant 0 : i32
    %dma_start3A_62 = arith.constant 0 : i32
    %dma_start3A_63 = tpu.memref_slice %arg11[%dma_start3A_61, %dma_start3A_62] : memref<10240x128xf32, #tpu.memory_space<vmem_shared>> -> memref<10240x128xf32, #tpu.memory_space<vmem_shared>>
    tpu.enqueue_indirect_dma source(%arg9 : memref<80x128xf32, #tpu.memory_space<vmem>>) target(%dma_start3A_63 : memref<10240x128xf32, #tpu.memory_space<vmem_shared>>) offsets(%arg7 : memref<80xi32, #tpu.memory_space<vmem>>) semaphore(%arg16 : memref<!tpu.dma_semaphore, #tpu.memory_space<semaphore_mem>>) {add = true}
    %dma_wait3A_64 = arith.constant 0 : i32
    %dma_wait3A_65 = arith.constant 0 : i32
    %dma_wait3A_66 = tpu.memref_slice %arg11[%dma_wait3A_64, %dma_wait3A_65] : memref<10240x128xf32, #tpu.memory_space<vmem_shared>> -> memref<10240x128xf32, #tpu.memory_space<vmem_shared>>
    tpu.wait_indirect_dma semaphore(%arg16 : memref<!tpu.dma_semaphore, #tpu.memory_space<semaphore_mem>>) src(%arg9 : memref<80x128xf32, #tpu.memory_space<vmem>>) dst(%dma_wait3A_66 : memref<10240x128xf32, #tpu.memory_space<vmem_shared>>)
    %dma_wait3A_67 = arith.constant 0 : i32
    %dma_wait3A_68 = arith.constant 0 : i32
    %dma_wait3A_69 = tpu.memref_slice %arg11[%dma_wait3A_67, %dma_wait3A_68] : memref<10240x128xf32, #tpu.memory_space<vmem_shared>> -> memref<10240x128xf32, #tpu.memory_space<vmem_shared>>
    tpu.wait_indirect_dma semaphore(%arg17 : memref<!tpu.dma_semaphore, #tpu.memory_space<semaphore_mem>>) src(%arg10 : memref<80x128xf32, #tpu.memory_space<vmem>>) dst(%dma_wait3A_69 : memref<10240x128xf32, #tpu.memory_space<vmem_shared>>)
    %barrier3A_70 = arith.constant 0 : index
    tpu.barrier barrier_id(%barrier3A_70)
    %mul3A_71 = arith.constant 640 : i32
    %mul3A_72 = arith.muli %arg1, %mul3A_71 : i32
    %mul3A_73 = arith.constant 640 : i32
    %mul3A_74 = arith.muli %arg1, %mul3A_73 : i32
    "tpu.region"() ({
      %run_scoped3A = tpu.sem_alloc : memref<!tpu.dma_semaphore, #tpu.memory_space<semaphore_mem>>
      %dma_start3A_75 = arith.constant 0 : i32
      %dma_start3A_76 = tpu.memref_slice %arg5[%arg0, %mul3A_74, %dma_start3A_75] : memref<2x10240x128xf32, #tpu.memory_space<hbm>> -> memref<1x640x128xf32, #tpu.memory_space<hbm>>
      %dma_start3A_77 = tpu.memref_squeeze %dma_start3A_76 : memref<1x640x128xf32, #tpu.memory_space<hbm>> -> memref<640x128xf32, #tpu.memory_space<hbm>>
      %dma_start3A_78 = arith.constant 0 : i32
      %dma_start3A_79 = tpu.memref_slice %arg11[%mul3A_72, %dma_start3A_78] : memref<10240x128xf32, #tpu.memory_space<vmem_shared>> -> memref<640x128xf32, #tpu.memory_space<vmem_shared>>
      tpu.enqueue_dma source(%dma_start3A_79 : memref<640x128xf32, #tpu.memory_space<vmem_shared>>) target(%dma_start3A_77 : memref<640x128xf32, #tpu.memory_space<hbm>>) target_semaphore(%run_scoped3A : memref<!tpu.dma_semaphore, #tpu.memory_space<semaphore_mem>>)
      %dma_wait3A_80 = arith.constant 0 : i32
      %dma_wait3A_81 = tpu.memref_slice %arg5[%arg0, %mul3A_74, %dma_wait3A_80] : memref<2x10240x128xf32, #tpu.memory_space<hbm>> -> memref<1x640x128xf32, #tpu.memory_space<hbm>>
      %dma_wait3A_82 = tpu.memref_squeeze %dma_wait3A_81 : memref<1x640x128xf32, #tpu.memory_space<hbm>> -> memref<640x128xf32, #tpu.memory_space<hbm>>
      %dma_wait3A_83 = arith.constant 0 : i32
      %dma_wait3A_84 = tpu.memref_slice %arg11[%mul3A_72, %dma_wait3A_83] : memref<10240x128xf32, #tpu.memory_space<vmem_shared>> -> memref<640x128xf32, #tpu.memory_space<vmem_shared>>
      tpu.wait_dma2 semaphore(%run_scoped3A : memref<!tpu.dma_semaphore, #tpu.memory_space<semaphore_mem>>) src(%dma_wait3A_84 : memref<640x128xf32, #tpu.memory_space<vmem_shared>>) dst(%dma_wait3A_82 : memref<640x128xf32, #tpu.memory_space<hbm>>)
      tpu.yield
    }) : () -> ()
    return
  }
}

#map = affine_map<(d0, d1) -> (0, 0, 0)>
#map1 = affine_map<(d0, d1) -> (0)>
#map2 = affine_map<(d0, d1) -> (0, 0)>
module attributes {stable_mosaic.version = 14 : i64} {
  func.func @_prop_sc(%arg0: i32, %arg1: i32, %arg2: memref<32x125x80xi32, #tpu.memory_space<hbm>>, %arg3: memref<320000xi32, #tpu.memory_space<hbm>>, %arg4: memref<10000x128xf32, #tpu.memory_space<hbm>>, %arg5: memref<2x10240x128xf32, #tpu.memory_space<hbm>>, %arg6: memref<125x80xi32, #tpu.memory_space<vmem>>, %arg7: memref<80xi32, #tpu.memory_space<vmem>>, %arg8: memref<80xi32, #tpu.memory_space<vmem>>, %arg9: memref<80x128xf32, #tpu.memory_space<vmem>>, %arg10: memref<80x128xf32, #tpu.memory_space<vmem>>, %arg11: memref<10240x128xf32, #tpu.memory_space<vmem_shared>>, %arg12: memref<!tpu.dma_semaphore, #tpu.memory_space<semaphore_mem>>, %arg13: memref<!tpu.dma_semaphore, #tpu.memory_space<semaphore_mem>>, %arg14: memref<!tpu.dma_semaphore, #tpu.memory_space<semaphore_mem>>, %arg15: memref<!tpu.dma_semaphore, #tpu.memory_space<semaphore_mem>>, %arg16: memref<!tpu.dma_semaphore, #tpu.memory_space<semaphore_mem>>, %arg17: memref<!tpu.dma_semaphore, #tpu.memory_space<semaphore_mem>>) attributes {dimension_semantics = [#tpu.dimension_semantics<core_parallel>, #tpu.dimension_semantics<subcore_parallel>], iteration_bounds = array<i64: 2, 16>, scalar_prefetch = 0 : i64, scratch_operands = 12 : i64, tpu.core_type = #tpu.core_type<sc_vector_subcore>, window_params = [{transform_indices = #map}, {transform_indices = #map1}, {transform_indices = #map2}, {transform_indices = #map}]} {
    %mul3A = arith.constant 2 : i32
    %mul3A_0 = arith.muli %arg1, %mul3A : i32
    %add3A = arith.addi %mul3A_0, %arg0 : i32
    "tpu.region"() ({
      %run_scoped3A = tpu.sem_alloc : memref<!tpu.dma_semaphore, #tpu.memory_space<semaphore_mem>>
      %dma_start3A_75 = arith.constant 0 : i32
      %dma_start3A_76 = arith.constant 0 : i32
      %dma_start3A_77 = tpu.memref_slice %arg2[%add3A, %dma_start3A_75, %dma_start3A_76] : memref<32x125x80xi32, #tpu.memory_space<hbm>> -> memref<1x125x80xi32, #tpu.memory_space<hbm>>
      %dma_start3A_78 = tpu.memref_squeeze %dma_start3A_77 : memref<1x125x80xi32, #tpu.memory_space<hbm>> -> memref<125x80xi32, #tpu.memory_space<hbm>>
      %dma_start3A_79 = arith.constant 0 : i32
      %dma_start3A_80 = arith.constant 0 : i32
      %dma_start3A_81 = tpu.memref_slice %arg2[%add3A, %dma_start3A_79, %dma_start3A_80] : memref<32x125x80xi32, #tpu.memory_space<hbm>> -> memref<1x125x80xi32, #tpu.memory_space<hbm>>
      %dma_start3A_82 = tpu.memref_squeeze %dma_start3A_81 : memref<1x125x80xi32, #tpu.memory_space<hbm>> -> memref<125x80xi32, #tpu.memory_space<hbm>>
      tpu.enqueue_dma source(%dma_start3A_82 : memref<125x80xi32, #tpu.memory_space<hbm>>) target(%arg6 : memref<125x80xi32, #tpu.memory_space<vmem>>) target_semaphore(%run_scoped3A : memref<!tpu.dma_semaphore, #tpu.memory_space<semaphore_mem>>)
      %dma_wait3A_83 = arith.constant 0 : i32
      %dma_wait3A_84 = arith.constant 0 : i32
      %dma_wait3A_85 = tpu.memref_slice %arg2[%add3A, %dma_wait3A_83, %dma_wait3A_84] : memref<32x125x80xi32, #tpu.memory_space<hbm>> -> memref<1x125x80xi32, #tpu.memory_space<hbm>>
      %dma_wait3A_86 = tpu.memref_squeeze %dma_wait3A_85 : memref<1x125x80xi32, #tpu.memory_space<hbm>> -> memref<125x80xi32, #tpu.memory_space<hbm>>
      %dma_wait3A_87 = arith.constant 0 : i32
      %dma_wait3A_88 = arith.constant 0 : i32
      %dma_wait3A_89 = tpu.memref_slice %arg2[%add3A, %dma_wait3A_87, %dma_wait3A_88] : memref<32x125x80xi32, #tpu.memory_space<hbm>> -> memref<1x125x80xi32, #tpu.memory_space<hbm>>
      %dma_wait3A_90 = tpu.memref_squeeze %dma_wait3A_89 : memref<1x125x80xi32, #tpu.memory_space<hbm>> -> memref<125x80xi32, #tpu.memory_space<hbm>>
      tpu.wait_dma2 semaphore(%run_scoped3A : memref<!tpu.dma_semaphore, #tpu.memory_space<semaphore_mem>>) src(%dma_wait3A_90 : memref<125x80xi32, #tpu.memory_space<hbm>>) dst(%arg6 : memref<125x80xi32, #tpu.memory_space<vmem>>)
      tpu.yield
    }) : () -> ()
    %scan3A = arith.constant 0 : i32
    %scan3A_1 = arith.constant 0 : i32
    %scan3A_2 = arith.constant 80 : i32
    %scan3A_3 = arith.addi %scan3A_1, %scan3A_2 : i32
    %scan3A_4 = arith.constant 1 : i32
    %scan3A_5 = scf.for %scan3A_75 = %scan3A_1 to %scan3A_3 step %scan3A_4 iter_args(%scan3A_76 = %scan3A) -> (i32)  : i32 {
      %broadcast_in_dim3A = arith.constant 0.000000e+00 : f32
      %broadcast_in_dim3A_77 = vector.broadcast %broadcast_in_dim3A : f32 to vector<16xf32>
      %swap3A = arith.index_cast %scan3A_75 : i32 to index
      %swap3A_78 = arith.constant 0 : index
      %swap3A_79 = tpu.vector_load %arg9[%swap3A, %swap3A_78] {strides = array<i32>} : memref<80x128xf32, #tpu.memory_space<vmem>>, vector<1x16xf32>,
      %swap3A_80 = vector.shape_cast %swap3A_79 : vector<1x16xf32> to vector<16xf32>
      %swap3A_81 = vector.shape_cast %broadcast_in_dim3A_77 : vector<16xf32> to vector<1x16xf32>
      tpu.vector_store %arg9[%swap3A, %swap3A_78], %swap3A_81 {strides = array<i32>} : memref<80x128xf32, #tpu.memory_space<vmem>>, vector<1x16xf32>,
      %broadcast_in_dim3A_82 = arith.constant 0.000000e+00 : f32
      %broadcast_in_dim3A_83 = vector.broadcast %broadcast_in_dim3A_82 : f32 to vector<16xf32>
      %swap3A_84 = arith.index_cast %scan3A_75 : i32 to index
      %swap3A_85 = arith.constant 16 : index
      %swap3A_86 = tpu.vector_load %arg9[%swap3A_84, %swap3A_85] {strides = array<i32>} : memref<80x128xf32, #tpu.memory_space<vmem>>, vector<1x16xf32>,
      %swap3A_87 = vector.shape_cast %swap3A_86 : vector<1x16xf32> to vector<16xf32>
      %swap3A_88 = vector.shape_cast %broadcast_in_dim3A_83 : vector<16xf32> to vector<1x16xf32>
      tpu.vector_store %arg9[%swap3A_84, %swap3A_85], %swap3A_88 {strides = array<i32>} : memref<80x128xf32, #tpu.memory_space<vmem>>, vector<1x16xf32>,
      %broadcast_in_dim3A_89 = arith.constant 0.000000e+00 : f32
      %broadcast_in_dim3A_90 = vector.broadcast %broadcast_in_dim3A_89 : f32 to vector<16xf32>
      %swap3A_91 = arith.index_cast %scan3A_75 : i32 to index
      %swap3A_92 = arith.constant 32 : index
      %swap3A_93 = tpu.vector_load %arg9[%swap3A_91, %swap3A_92] {strides = array<i32>} : memref<80x128xf32, #tpu.memory_space<vmem>>, vector<1x16xf32>,
      %swap3A_94 = vector.shape_cast %swap3A_93 : vector<1x16xf32> to vector<16xf32>
      %swap3A_95 = vector.shape_cast %broadcast_in_dim3A_90 : vector<16xf32> to vector<1x16xf32>
      tpu.vector_store %arg9[%swap3A_91, %swap3A_92], %swap3A_95 {strides = array<i32>} : memref<80x128xf32, #tpu.memory_space<vmem>>, vector<1x16xf32>,
      %broadcast_in_dim3A_96 = arith.constant 0.000000e+00 : f32
      %broadcast_in_dim3A_97 = vector.broadcast %broadcast_in_dim3A_96 : f32 to vector<16xf32>
      %swap3A_98 = arith.index_cast %scan3A_75 : i32 to index
      %swap3A_99 = arith.constant 48 : index
      %swap3A_100 = tpu.vector_load %arg9[%swap3A_98, %swap3A_99] {strides = array<i32>} : memref<80x128xf32, #tpu.memory_space<vmem>>, vector<1x16xf32>,
      %swap3A_101 = vector.shape_cast %swap3A_100 : vector<1x16xf32> to vector<16xf32>
      %swap3A_102 = vector.shape_cast %broadcast_in_dim3A_97 : vector<16xf32> to vector<1x16xf32>
      tpu.vector_store %arg9[%swap3A_98, %swap3A_99], %swap3A_102 {strides = array<i32>} : memref<80x128xf32, #tpu.memory_space<vmem>>, vector<1x16xf32>,
      %broadcast_in_dim3A_103 = arith.constant 0.000000e+00 : f32
      %broadcast_in_dim3A_104 = vector.broadcast %broadcast_in_dim3A_103 : f32 to vector<16xf32>
      %swap3A_105 = arith.index_cast %scan3A_75 : i32 to index
      %swap3A_106 = arith.constant 64 : index
      %swap3A_107 = tpu.vector_load %arg9[%swap3A_105, %swap3A_106] {strides = array<i32>} : memref<80x128xf32, #tpu.memory_space<vmem>>, vector<1x16xf32>,
      %swap3A_108 = vector.shape_cast %swap3A_107 : vector<1x16xf32> to vector<16xf32>
      %swap3A_109 = vector.shape_cast %broadcast_in_dim3A_104 : vector<16xf32> to vector<1x16xf32>
      tpu.vector_store %arg9[%swap3A_105, %swap3A_106], %swap3A_109 {strides = array<i32>} : memref<80x128xf32, #tpu.memory_space<vmem>>, vector<1x16xf32>,
      %broadcast_in_dim3A_110 = arith.constant 0.000000e+00 : f32
      %broadcast_in_dim3A_111 = vector.broadcast %broadcast_in_dim3A_110 : f32 to vector<16xf32>
      %swap3A_112 = arith.index_cast %scan3A_75 : i32 to index
      %swap3A_113 = arith.constant 80 : index
      %swap3A_114 = tpu.vector_load %arg9[%swap3A_112, %swap3A_113] {strides = array<i32>} : memref<80x128xf32, #tpu.memory_space<vmem>>, vector<1x16xf32>,
      %swap3A_115 = vector.shape_cast %swap3A_114 : vector<1x16xf32> to vector<16xf32>
      %swap3A_116 = vector.shape_cast %broadcast_in_dim3A_111 : vector<16xf32> to vector<1x16xf32>
      tpu.vector_store %arg9[%swap3A_112, %swap3A_113], %swap3A_116 {strides = array<i32>} : memref<80x128xf32, #tpu.memory_space<vmem>>, vector<1x16xf32>,
      %broadcast_in_dim3A_117 = arith.constant 0.000000e+00 : f32
      %broadcast_in_dim3A_118 = vector.broadcast %broadcast_in_dim3A_117 : f32 to vector<16xf32>
      %swap3A_119 = arith.index_cast %scan3A_75 : i32 to index
      %swap3A_120 = arith.constant 96 : index
      %swap3A_121 = tpu.vector_load %arg9[%swap3A_119, %swap3A_120] {strides = array<i32>} : memref<80x128xf32, #tpu.memory_space<vmem>>, vector<1x16xf32>,
      %swap3A_122 = vector.shape_cast %swap3A_121 : vector<1x16xf32> to vector<16xf32>
      %swap3A_123 = vector.shape_cast %broadcast_in_dim3A_118 : vector<16xf32> to vector<1x16xf32>
      tpu.vector_store %arg9[%swap3A_119, %swap3A_120], %swap3A_123 {strides = array<i32>} : memref<80x128xf32, #tpu.memory_space<vmem>>, vector<1x16xf32>,
      %broadcast_in_dim3A_124 = arith.constant 0.000000e+00 : f32
      %broadcast_in_dim3A_125 = vector.broadcast %broadcast_in_dim3A_124 : f32 to vector<16xf32>
      %swap3A_126 = arith.index_cast %scan3A_75 : i32 to index
      %swap3A_127 = arith.constant 112 : index
      %swap3A_128 = tpu.vector_load %arg9[%swap3A_126, %swap3A_127] {strides = array<i32>} : memref<80x128xf32, #tpu.memory_space<vmem>>, vector<1x16xf32>,
      %swap3A_129 = vector.shape_cast %swap3A_128 : vector<1x16xf32> to vector<16xf32>
      %swap3A_130 = vector.shape_cast %broadcast_in_dim3A_125 : vector<16xf32> to vector<1x16xf32>
      tpu.vector_store %arg9[%swap3A_126, %swap3A_127], %swap3A_130 {strides = array<i32>} : memref<80x128xf32, #tpu.memory_space<vmem>>, vector<1x16xf32>,
      %scan3A_131 = arith.constant 0 : i32
      scf.yield %scan3A_131 : i32
    }
    %scan3A_6 = arith.constant 80 : i32
    %scan3A_7 = arith.constant 0 : i32
    %scan3A_8 = arith.constant 0 : i32
    %scan3A_9 = arith.constant 8 : i32
    %scan3A_10 = arith.addi %scan3A_8, %scan3A_9 : i32
    %scan3A_11 = arith.constant 1 : i32
    %scan3A_12 = scf.for %scan3A_75 = %scan3A_8 to %scan3A_10 step %scan3A_11 iter_args(%scan3A_76 = %scan3A_7) -> (i32)  : i32 {
      %mul3A_77 = arith.constant 640 : i32
      %mul3A_78 = arith.muli %arg1, %mul3A_77 : i32
      %mul3A_79 = arith.constant 80 : i32
      %mul3A_80 = arith.muli %scan3A_75, %mul3A_79 : i32
      %add3A_81 = arith.addi %mul3A_78, %mul3A_80 : i32
      "tpu.region"() ({
        %run_scoped3A = tpu.sem_alloc : memref<!tpu.dma_semaphore, #tpu.memory_space<semaphore_mem>>
        %dma_start3A_83 = arith.constant 0 : i32
        %dma_start3A_84 = tpu.memref_slice %arg11[%add3A_81, %dma_start3A_83] : memref<10240x128xf32, #tpu.memory_space<vmem_shared>> -> memref<80x128xf32, #tpu.memory_space<vmem_shared>>
        %dma_start3A_85 = arith.constant 0 : i32
        %dma_start3A_86 = tpu.memref_slice %arg11[%add3A_81, %dma_start3A_85] : memref<10240x128xf32, #tpu.memory_space<vmem_shared>> -> memref<80x128xf32, #tpu.memory_space<vmem_shared>>
        tpu.enqueue_dma source(%arg9 : memref<80x128xf32, #tpu.memory_space<vmem>>) target(%dma_start3A_86 : memref<80x128xf32, #tpu.memory_space<vmem_shared>>) target_semaphore(%run_scoped3A : memref<!tpu.dma_semaphore, #tpu.memory_space<semaphore_mem>>)
        %dma_wait3A_87 = arith.constant 0 : i32
        %dma_wait3A_88 = tpu.memref_slice %arg11[%add3A_81, %dma_wait3A_87] : memref<10240x128xf32, #tpu.memory_space<vmem_shared>> -> memref<80x128xf32, #tpu.memory_space<vmem_shared>>
        %dma_wait3A_89 = arith.constant 0 : i32
        %dma_wait3A_90 = tpu.memref_slice %arg11[%add3A_81, %dma_wait3A_89] : memref<10240x128xf32, #tpu.memory_space<vmem_shared>> -> memref<80x128xf32, #tpu.memory_space<vmem_shared>>
        tpu.wait_dma2 semaphore(%run_scoped3A : memref<!tpu.dma_semaphore, #tpu.memory_space<semaphore_mem>>) src(%arg9 : memref<80x128xf32, #tpu.memory_space<vmem>>) dst(%dma_wait3A_90 : memref<80x128xf32, #tpu.memory_space<vmem_shared>>)
        tpu.yield
      }) : () -> ()
      %scan3A_82 = arith.constant 0 : i32
      scf.yield %scan3A_82 : i32
    }
    %scan3A_13 = arith.constant 8 : i32
    %barrier3A = arith.constant 0 : index
    tpu.barrier barrier_id(%barrier3A)
    %mul3A_14 = arith.constant 10000 : i32
    %mul3A_15 = arith.muli %add3A, %mul3A_14 : i32
    %add3A_16 = arith.constant 0 : i32
    %add3A_17 = arith.addi %mul3A_15, %add3A_16 : i32
    %dma_start3A = tpu.memref_slice %arg3[%add3A_17] : memref<320000xi32, #tpu.memory_space<hbm>> -> memref<80xi32, #tpu.memory_space<hbm>>
    %dma_start3A_18 = tpu.memref_slice %arg3[%add3A_17] : memref<320000xi32, #tpu.memory_space<hbm>> -> memref<80xi32, #tpu.memory_space<hbm>>
    tpu.enqueue_dma source(%dma_start3A_18 : memref<80xi32, #tpu.memory_space<hbm>>) target(%arg7 : memref<80xi32, #tpu.memory_space<vmem>>) target_semaphore(%arg14 : memref<!tpu.dma_semaphore, #tpu.memory_space<semaphore_mem>>)
    %dma_start3A_19 = arith.constant 0 : i32
    %dma_start3A_20 = arith.constant 0 : i32
    %dma_start3A_21 = tpu.memref_slice %arg6[%dma_start3A_19, %dma_start3A_20] : memref<125x80xi32, #tpu.memory_space<vmem>> -> memref<1x80xi32, #tpu.memory_space<vmem>>
    %dma_start3A_22 = tpu.memref_squeeze %dma_start3A_21 : memref<1x80xi32, #tpu.memory_space<vmem>> -> memref<80xi32, #tpu.memory_space<vmem>>
    %dma_start3A_23 = arith.constant 0 : i32
    %dma_start3A_24 = arith.constant 0 : i32
    %dma_start3A_25 = tpu.memref_slice %arg4[%dma_start3A_23, %dma_start3A_24] : memref<10000x128xf32, #tpu.memory_space<hbm>> -> memref<10000x128xf32, #tpu.memory_space<hbm>>
    tpu.enqueue_indirect_dma source(%dma_start3A_25 : memref<10000x128xf32, #tpu.memory_space<hbm>>) target(%arg9 : memref<80x128xf32, #tpu.memory_space<vmem>>) offsets(%dma_start3A_22 : memref<80xi32, #tpu.memory_space<vmem>>) semaphore(%arg12 : memref<!tpu.dma_semaphore, #tpu.memory_space<semaphore_mem>>)
    %scan3A_26 = arith.constant 0 : i32
    %scan3A_27 = arith.constant 0 : i32
    %scan3A_28 = arith.constant 62 : i32
    %scan3A_29 = arith.addi %scan3A_27, %scan3A_28 : i32
    %scan3A_30 = arith.constant 1 : i32
    %scan3A_31 = scf.for %scan3A_75 = %scan3A_27 to %scan3A_29 step %scan3A_30 iter_args(%scan3A_76 = %scan3A_26) -> (i32)  : i32 {
      %mul3A_77 = arith.constant 2 : i32
      %mul3A_78 = arith.muli %mul3A_77, %scan3A_75 : i32
      %gt3A = arith.constant 0 : i32
      %gt3A_79 = arith.cmpi sgt, %scan3A_75, %gt3A : i32
      %convert_element_type3A = arith.extui %gt3A_79 : i1 to i32
      %cond3A = arith.constant 0 : i32
      %cond3A_80 = arith.cmpi ne, %convert_element_type3A, %cond3A : i32
      scf.if %cond3A_80 {
        %dma_wait3A_135 = arith.constant 0 : i32
        %dma_wait3A_136 = arith.constant 0 : i32
        %dma_wait3A_137 = tpu.memref_slice %arg11[%dma_wait3A_135, %dma_wait3A_136] : memref<10240x128xf32, #tpu.memory_space<vmem_shared>> -> memref<10240x128xf32, #tpu.memory_space<vmem_shared>>
        tpu.wait_indirect_dma semaphore(%arg17 : memref<!tpu.dma_semaphore, #tpu.memory_space<semaphore_mem>>) src(%arg10 : memref<80x128xf32, #tpu.memory_space<vmem>>) dst(%dma_wait3A_137 : memref<10240x128xf32, #tpu.memory_space<vmem_shared>>)
      } else {
      }
      %add3A_81 = arith.constant 1 : i32
      %add3A_82 = arith.addi %mul3A_78, %add3A_81 : i32
      %mul3A_83 = arith.constant 10000 : i32
      %mul3A_84 = arith.muli %add3A, %mul3A_83 : i32
      %mul3A_85 = arith.constant 80 : i32
      %mul3A_86 = arith.muli %add3A_82, %mul3A_85 : i32
      %add3A_87 = arith.addi %mul3A_84, %mul3A_86 : i32
      %dma_start3A_88 = tpu.memref_slice %arg3[%add3A_87] : memref<320000xi32, #tpu.memory_space<hbm>> -> memref<80xi32, #tpu.memory_space<hbm>>
      %dma_start3A_89 = tpu.memref_slice %arg3[%add3A_87] : memref<320000xi32, #tpu.memory_space<hbm>> -> memref<80xi32, #tpu.memory_space<hbm>>
      tpu.enqueue_dma source(%dma_start3A_89 : memref<80xi32, #tpu.memory_space<hbm>>) target(%arg8 : memref<80xi32, #tpu.memory_space<vmem>>) target_semaphore(%arg15 : memref<!tpu.dma_semaphore, #tpu.memory_space<semaphore_mem>>)
      %dma_start3A_90 = arith.constant 0 : i32
      %dma_start3A_91 = tpu.memref_slice %arg6[%add3A_82, %dma_start3A_90] : memref<125x80xi32, #tpu.memory_space<vmem>> -> memref<1x80xi32, #tpu.memory_space<vmem>>
      %dma_start3A_92 = tpu.memref_squeeze %dma_start3A_91 : memref<1x80xi32, #tpu.memory_space<vmem>> -> memref<80xi32, #tpu.memory_space<vmem>>
      %dma_start3A_93 = arith.constant 0 : i32
      %dma_start3A_94 = arith.constant 0 : i32
      %dma_start3A_95 = tpu.memref_slice %arg4[%dma_start3A_93, %dma_start3A_94] : memref<10000x128xf32, #tpu.memory_space<hbm>> -> memref<10000x128xf32, #tpu.memory_space<hbm>>
      tpu.enqueue_indirect_dma source(%dma_start3A_95 : memref<10000x128xf32, #tpu.memory_space<hbm>>) target(%arg10 : memref<80x128xf32, #tpu.memory_space<vmem>>) offsets(%dma_start3A_92 : memref<80xi32, #tpu.memory_space<vmem>>) semaphore(%arg13 : memref<!tpu.dma_semaphore, #tpu.memory_space<semaphore_mem>>)
      %mul3A_96 = arith.constant 10000 : i32
      %mul3A_97 = arith.muli %add3A, %mul3A_96 : i32
      %mul3A_98 = arith.constant 80 : i32
      %mul3A_99 = arith.muli %mul3A_78, %mul3A_98 : i32
      %add3A_100 = arith.addi %mul3A_97, %mul3A_99 : i32
      %dma_wait3A_101 = tpu.memref_slice %arg3[%add3A_100] : memref<320000xi32, #tpu.memory_space<hbm>> -> memref<80xi32, #tpu.memory_space<hbm>>
      %dma_wait3A_102 = tpu.memref_slice %arg3[%add3A_100] : memref<320000xi32, #tpu.memory_space<hbm>> -> memref<80xi32, #tpu.memory_space<hbm>>
      tpu.wait_dma2 semaphore(%arg14 : memref<!tpu.dma_semaphore, #tpu.memory_space<semaphore_mem>>) src(%dma_wait3A_102 : memref<80xi32, #tpu.memory_space<hbm>>) dst(%arg7 : memref<80xi32, #tpu.memory_space<vmem>>)
      %dma_wait3A_103 = arith.constant 0 : i32
      %dma_wait3A_104 = tpu.memref_slice %arg6[%mul3A_78, %dma_wait3A_103] : memref<125x80xi32, #tpu.memory_space<vmem>> -> memref<1x80xi32, #tpu.memory_space<vmem>>
      %dma_wait3A_105 = tpu.memref_squeeze %dma_wait3A_104 : memref<1x80xi32, #tpu.memory_space<vmem>> -> memref<80xi32, #tpu.memory_space<vmem>>
      %dma_wait3A_106 = arith.constant 0 : i32
      %dma_wait3A_107 = arith.constant 0 : i32
      %dma_wait3A_108 = tpu.memref_slice %arg4[%dma_wait3A_106, %dma_wait3A_107] : memref<10000x128xf32, #tpu.memory_space<hbm>> -> memref<10000x128xf32, #tpu.memory_space<hbm>>
      tpu.wait_indirect_dma semaphore(%arg12 : memref<!tpu.dma_semaphore, #tpu.memory_space<semaphore_mem>>) src(%dma_wait3A_108 : memref<10000x128xf32, #tpu.memory_space<hbm>>) dst(%arg9 : memref<80x128xf32, #tpu.memory_space<vmem>>)
      %dma_start3A_109 = arith.constant 0 : i32
      %dma_start3A_110 = arith.constant 0 : i32
      %dma_start3A_111 = tpu.memref_slice %arg11[%dma_start3A_109, %dma_start3A_110] : memref<10240x128xf32, #tpu.memory_space<vmem_shared>> -> memref<10240x128xf32, #tpu.memory_space<vmem_shared>>
      tpu.enqueue_indirect_dma source(%arg9 : memref<80x128xf32, #tpu.memory_space<vmem>>) target(%dma_start3A_111 : memref<10240x128xf32, #tpu.memory_space<vmem_shared>>) offsets(%arg7 : memref<80xi32, #tpu.memory_space<vmem>>) semaphore(%arg16 : memref<!tpu.dma_semaphore, #tpu.memory_space<semaphore_mem>>) {add = true}
      %add3A_112 = arith.constant 1 : i32
      %add3A_113 = arith.addi %mul3A_78, %add3A_112 : i32
      %mul3A_114 = arith.constant 10000 : i32
      %mul3A_115 = arith.muli %add3A, %mul3A_114 : i32
      %mul3A_116 = arith.constant 80 : i32
      %mul3A_117 = arith.muli %add3A_113, %mul3A_116 : i32
      %add3A_118 = arith.addi %mul3A_115, %mul3A_117 : i32
      %dma_wait3A_119 = tpu.memref_slice %arg3[%add3A_118] : memref<320000xi32, #tpu.memory_space<hbm>> -> memref<80xi32, #tpu.memory_space<hbm>>
      %dma_wait3A_120 = tpu.memref_slice %arg3[%add3A_118] : memref<320000xi32, #tpu.memory_space<hbm>> -> memref<80xi32, #tpu.memory_space<hbm>>
      tpu.wait_dma2 semaphore(%arg15 : memref<!tpu.dma_semaphore, #tpu.memory_space<semaphore_mem>>) src(%dma_wait3A_120 : memref<80xi32, #tpu.memory_space<hbm>>) dst(%arg8 : memref<80xi32, #tpu.memory_space<vmem>>)
      %dma_wait3A_121 = arith.constant 0 : i32
      %dma_wait3A_122 = tpu.memref_slice %arg6[%add3A_113, %dma_wait3A_121] : memref<125x80xi32, #tpu.memory_space<vmem>> -> memref<1x80xi32, #tpu.memory_space<vmem>>
      %dma_wait3A_123 = tpu.memref_squeeze %dma_wait3A_122 : memref<1x80xi32, #tpu.memory_space<vmem>> -> memref<80xi32, #tpu.memory_space<vmem>>
      %dma_wait3A_124 = arith.constant 0 : i32
      %dma_wait3A_125 = arith.constant 0 : i32
      %dma_wait3A_126 = tpu.memref_slice %arg4[%dma_wait3A_124, %dma_wait3A_125] : memref<10000x128xf32, #tpu.memory_space<hbm>> -> memref<10000x128xf32, #tpu.memory_space<hbm>>
      tpu.wait_indirect_dma semaphore(%arg13 : memref<!tpu.dma_semaphore, #tpu.memory_space<semaphore_mem>>) src(%dma_wait3A_126 : memref<10000x128xf32, #tpu.memory_space<hbm>>) dst(%arg10 : memref<80x128xf32, #tpu.memory_space<vmem>>)
      %lt3A = arith.constant 61 : i32
      %lt3A_127 = arith.cmpi slt, %scan3A_75, %lt3A : i32
      %convert_element_type3A_128 = arith.extui %lt3A_127 : i1 to i32
      %cond3A_129 = arith.constant 0 : i32
      %cond3A_130 = arith.cmpi ne, %convert_element_type3A_128, %cond3A_129 : i32
      scf.if %cond3A_130 {
        %dma_wait3A_135 = arith.constant 0 : i32
        %dma_wait3A_136 = arith.constant 0 : i32
        %dma_wait3A_137 = tpu.memref_slice %arg11[%dma_wait3A_135, %dma_wait3A_136] : memref<10240x128xf32, #tpu.memory_space<vmem_shared>> -> memref<10240x128xf32, #tpu.memory_space<vmem_shared>>
        tpu.wait_indirect_dma semaphore(%arg16 : memref<!tpu.dma_semaphore, #tpu.memory_space<semaphore_mem>>) src(%arg9 : memref<80x128xf32, #tpu.memory_space<vmem>>) dst(%dma_wait3A_137 : memref<10240x128xf32, #tpu.memory_space<vmem_shared>>)
        %add3A_138 = arith.constant 2 : i32
        %add3A_139 = arith.addi %mul3A_78, %add3A_138 : i32
        %mul3A_140 = arith.constant 10000 : i32
        %mul3A_141 = arith.muli %add3A, %mul3A_140 : i32
        %mul3A_142 = arith.constant 80 : i32
        %mul3A_143 = arith.muli %add3A_139, %mul3A_142 : i32
        %add3A_144 = arith.addi %mul3A_141, %mul3A_143 : i32
        %dma_start3A_145 = tpu.memref_slice %arg3[%add3A_144] : memref<320000xi32, #tpu.memory_space<hbm>> -> memref<80xi32, #tpu.memory_space<hbm>>
        %dma_start3A_146 = tpu.memref_slice %arg3[%add3A_144] : memref<320000xi32, #tpu.memory_space<hbm>> -> memref<80xi32, #tpu.memory_space<hbm>>
        tpu.enqueue_dma source(%dma_start3A_146 : memref<80xi32, #tpu.memory_space<hbm>>) target(%arg7 : memref<80xi32, #tpu.memory_space<vmem>>) target_semaphore(%arg14 : memref<!tpu.dma_semaphore, #tpu.memory_space<semaphore_mem>>)
        %dma_start3A_147 = arith.constant 0 : i32
        %dma_start3A_148 = tpu.memref_slice %arg6[%add3A_139, %dma_start3A_147] : memref<125x80xi32, #tpu.memory_space<vmem>> -> memref<1x80xi32, #tpu.memory_space<vmem>>
        %dma_start3A_149 = tpu.memref_squeeze %dma_start3A_148 : memref<1x80xi32, #tpu.memory_space<vmem>> -> memref<80xi32, #tpu.memory_space<vmem>>
        %dma_start3A_150 = arith.constant 0 : i32
        %dma_start3A_151 = arith.constant 0 : i32
        %dma_start3A_152 = tpu.memref_slice %arg4[%dma_start3A_150, %dma_start3A_151] : memref<10000x128xf32, #tpu.memory_space<hbm>> -> memref<10000x128xf32, #tpu.memory_space<hbm>>
        tpu.enqueue_indirect_dma source(%dma_start3A_152 : memref<10000x128xf32, #tpu.memory_space<hbm>>) target(%arg9 : memref<80x128xf32, #tpu.memory_space<vmem>>) offsets(%dma_start3A_149 : memref<80xi32, #tpu.memory_space<vmem>>) semaphore(%arg12 : memref<!tpu.dma_semaphore, #tpu.memory_space<semaphore_mem>>)
      } else {
      }
      %dma_start3A_131 = arith.constant 0 : i32
      %dma_start3A_132 = arith.constant 0 : i32
      %dma_start3A_133 = tpu.memref_slice %arg11[%dma_start3A_131, %dma_start3A_132] : memref<10240x128xf32, #tpu.memory_space<vmem_shared>> -> memref<10240x128xf32, #tpu.memory_space<vmem_shared>>
      tpu.enqueue_indirect_dma source(%arg10 : memref<80x128xf32, #tpu.memory_space<vmem>>) target(%dma_start3A_133 : memref<10240x128xf32, #tpu.memory_space<vmem_shared>>) offsets(%arg8 : memref<80xi32, #tpu.memory_space<vmem>>) semaphore(%arg17 : memref<!tpu.dma_semaphore, #tpu.memory_space<semaphore_mem>>) {add = true}
      %scan3A_134 = arith.constant 0 : i32
      scf.yield %scan3A_134 : i32
    }
    %scan3A_32 = arith.constant 62 : i32
    %dma_wait3A = arith.constant 0 : i32
    %dma_wait3A_33 = arith.constant 0 : i32
    %dma_wait3A_34 = tpu.memref_slice %arg11[%dma_wait3A, %dma_wait3A_33] : memref<10240x128xf32, #tpu.memory_space<vmem_shared>> -> memref<10240x128xf32, #tpu.memory_space<vmem_shared>>
    tpu.wait_indirect_dma semaphore(%arg16 : memref<!tpu.dma_semaphore, #tpu.memory_space<semaphore_mem>>) src(%arg9 : memref<80x128xf32, #tpu.memory_space<vmem>>) dst(%dma_wait3A_34 : memref<10240x128xf32, #tpu.memory_space<vmem_shared>>)
    %mul3A_35 = arith.constant 10000 : i32
    %mul3A_36 = arith.muli %add3A, %mul3A_35 : i32
    %add3A_37 = arith.constant 9920 : i32
    %add3A_38 = arith.addi %mul3A_36, %add3A_37 : i32
    %dma_start3A_39 = tpu.memref_slice %arg3[%add3A_38] : memref<320000xi32, #tpu.memory_space<hbm>> -> memref<80xi32, #tpu.memory_space<hbm>>
    %dma_start3A_40 = tpu.memref_slice %arg3[%add3A_38] : memref<320000xi32, #tpu.memory_space<hbm>> -> memref<80xi32, #tpu.memory_space<hbm>>
    tpu.enqueue_dma source(%dma_start3A_40 : memref<80xi32, #tpu.memory_space<hbm>>) target(%arg7 : memref<80xi32, #tpu.memory_space<vmem>>) target_semaphore(%arg14 : memref<!tpu.dma_semaphore, #tpu.memory_space<semaphore_mem>>)
    %dma_start3A_41 = arith.constant 124 : i32
    %dma_start3A_42 = arith.constant 0 : i32
    %dma_start3A_43 = tpu.memref_slice %arg6[%dma_start3A_41, %dma_start3A_42] : memref<125x80xi32, #tpu.memory_space<vmem>> -> memref<1x80xi32, #tpu.memory_space<vmem>>
    %dma_start3A_44 = tpu.memref_squeeze %dma_start3A_43 : memref<1x80xi32, #tpu.memory_space<vmem>> -> memref<80xi32, #tpu.memory_space<vmem>>
    %dma_start3A_45 = arith.constant 0 : i32
    %dma_start3A_46 = arith.constant 0 : i32
    %dma_start3A_47 = tpu.memref_slice %arg4[%dma_start3A_45, %dma_start3A_46] : memref<10000x128xf32, #tpu.memory_space<hbm>> -> memref<10000x128xf32, #tpu.memory_space<hbm>>
    tpu.enqueue_indirect_dma source(%dma_start3A_47 : memref<10000x128xf32, #tpu.memory_space<hbm>>) target(%arg9 : memref<80x128xf32, #tpu.memory_space<vmem>>) offsets(%dma_start3A_44 : memref<80xi32, #tpu.memory_space<vmem>>) semaphore(%arg12 : memref<!tpu.dma_semaphore, #tpu.memory_space<semaphore_mem>>)
    %mul3A_48 = arith.constant 10000 : i32
    %mul3A_49 = arith.muli %add3A, %mul3A_48 : i32
    %add3A_50 = arith.constant 9920 : i32
    %add3A_51 = arith.addi %mul3A_49, %add3A_50 : i32
    %dma_wait3A_52 = tpu.memref_slice %arg3[%add3A_51] : memref<320000xi32, #tpu.memory_space<hbm>> -> memref<80xi32, #tpu.memory_space<hbm>>
    %dma_wait3A_53 = tpu.memref_slice %arg3[%add3A_51] : memref<320000xi32, #tpu.memory_space<hbm>> -> memref<80xi32, #tpu.memory_space<hbm>>
    tpu.wait_dma2 semaphore(%arg14 : memref<!tpu.dma_semaphore, #tpu.memory_space<semaphore_mem>>) src(%dma_wait3A_53 : memref<80xi32, #tpu.memory_space<hbm>>) dst(%arg7 : memref<80xi32, #tpu.memory_space<vmem>>)
    %dma_wait3A_54 = arith.constant 124 : i32
    %dma_wait3A_55 = arith.constant 0 : i32
    %dma_wait3A_56 = tpu.memref_slice %arg6[%dma_wait3A_54, %dma_wait3A_55] : memref<125x80xi32, #tpu.memory_space<vmem>> -> memref<1x80xi32, #tpu.memory_space<vmem>>
    %dma_wait3A_57 = tpu.memref_squeeze %dma_wait3A_56 : memref<1x80xi32, #tpu.memory_space<vmem>> -> memref<80xi32, #tpu.memory_space<vmem>>
    %dma_wait3A_58 = arith.constant 0 : i32
    %dma_wait3A_59 = arith.constant 0 : i32
    %dma_wait3A_60 = tpu.memref_slice %arg4[%dma_wait3A_58, %dma_wait3A_59] : memref<10000x128xf32, #tpu.memory_space<hbm>> -> memref<10000x128xf32, #tpu.memory_space<hbm>>
    tpu.wait_indirect_dma semaphore(%arg12 : memref<!tpu.dma_semaphore, #tpu.memory_space<semaphore_mem>>) src(%dma_wait3A_60 : memref<10000x128xf32, #tpu.memory_space<hbm>>) dst(%arg9 : memref<80x128xf32, #tpu.memory_space<vmem>>)
    %dma_start3A_61 = arith.constant 0 : i32
    %dma_start3A_62 = arith.constant 0 : i32
    %dma_start3A_63 = tpu.memref_slice %arg11[%dma_start3A_61, %dma_start3A_62] : memref<10240x128xf32, #tpu.memory_space<vmem_shared>> -> memref<10240x128xf32, #tpu.memory_space<vmem_shared>>
    tpu.enqueue_indirect_dma source(%arg9 : memref<80x128xf32, #tpu.memory_space<vmem>>) target(%dma_start3A_63 : memref<10240x128xf32, #tpu.memory_space<vmem_shared>>) offsets(%arg7 : memref<80xi32, #tpu.memory_space<vmem>>) semaphore(%arg16 : memref<!tpu.dma_semaphore, #tpu.memory_space<semaphore_mem>>) {add = true}
    %dma_wait3A_64 = arith.constant 0 : i32
    %dma_wait3A_65 = arith.constant 0 : i32
    %dma_wait3A_66 = tpu.memref_slice %arg11[%dma_wait3A_64, %dma_wait3A_65] : memref<10240x128xf32, #tpu.memory_space<vmem_shared>> -> memref<10240x128xf32, #tpu.memory_space<vmem_shared>>
    tpu.wait_indirect_dma semaphore(%arg16 : memref<!tpu.dma_semaphore, #tpu.memory_space<semaphore_mem>>) src(%arg9 : memref<80x128xf32, #tpu.memory_space<vmem>>) dst(%dma_wait3A_66 : memref<10240x128xf32, #tpu.memory_space<vmem_shared>>)
    %dma_wait3A_67 = arith.constant 0 : i32
    %dma_wait3A_68 = arith.constant 0 : i32
    %dma_wait3A_69 = tpu.memref_slice %arg11[%dma_wait3A_67, %dma_wait3A_68] : memref<10240x128xf32, #tpu.memory_space<vmem_shared>> -> memref<10240x128xf32, #tpu.memory_space<vmem_shared>>
    tpu.wait_indirect_dma semaphore(%arg17 : memref<!tpu.dma_semaphore, #tpu.memory_space<semaphore_mem>>) src(%arg10 : memref<80x128xf32, #tpu.memory_space<vmem>>) dst(%dma_wait3A_69 : memref<10240x128xf32, #tpu.memory_space<vmem_shared>>)
    %barrier3A_70 = arith.constant 0 : index
    tpu.barrier barrier_id(%barrier3A_70)
    %mul3A_71 = arith.constant 640 : i32
    %mul3A_72 = arith.muli %arg1, %mul3A_71 : i32
    %mul3A_73 = arith.constant 640 : i32
    %mul3A_74 = arith.muli %arg1, %mul3A_73 : i32
    "tpu.region"() ({
      %run_scoped3A = tpu.sem_alloc : memref<!tpu.dma_semaphore, #tpu.memory_space<semaphore_mem>>
      %dma_start3A_75 = arith.constant 0 : i32
      %dma_start3A_76 = tpu.memref_slice %arg5[%arg0, %mul3A_74, %dma_start3A_75] : memref<2x10240x128xf32, #tpu.memory_space<hbm>> -> memref<1x640x128xf32, #tpu.memory_space<hbm>>
      %dma_start3A_77 = tpu.memref_squeeze %dma_start3A_76 : memref<1x640x128xf32, #tpu.memory_space<hbm>> -> memref<640x128xf32, #tpu.memory_space<hbm>>
      %dma_start3A_78 = arith.constant 0 : i32
      %dma_start3A_79 = tpu.memref_slice %arg11[%mul3A_72, %dma_start3A_78] : memref<10240x128xf32, #tpu.memory_space<vmem_shared>> -> memref<640x128xf32, #tpu.memory_space<vmem_shared>>
      tpu.enqueue_dma source(%dma_start3A_79 : memref<640x128xf32, #tpu.memory_space<vmem_shared>>) target(%dma_start3A_77 : memref<640x128xf32, #tpu.memory_space<hbm>>) target_semaphore(%run_scoped3A : memref<!tpu.dma_semaphore, #tpu.memory_space<semaphore_mem>>)
      %dma_wait3A_80 = arith.constant 0 : i32
      %dma_wait3A_81 = tpu.memref_slice %arg5[%arg0, %mul3A_74, %dma_wait3A_80] : memref<2x10240x128xf32, #tpu.memory_space<hbm>> -> memref<1x640x128xf32, #tpu.memory_space<hbm>>
      %dma_wait3A_82 = tpu.memref_squeeze %dma_wait3A_81 : memref<1x640x128xf32, #tpu.memory_space<hbm>> -> memref<640x128xf32, #tpu.memory_space<hbm>>
      %dma_wait3A_83 = arith.constant 0 : i32
      %dma_wait3A_84 = tpu.memref_slice %arg11[%mul3A_72, %dma_wait3A_83] : memref<10240x128xf32, #tpu.memory_space<vmem_shared>> -> memref<640x128xf32, #tpu.memory_space<vmem_shared>>
      tpu.wait_dma2 semaphore(%run_scoped3A : memref<!tpu.dma_semaphore, #tpu.memory_space<semaphore_mem>>) src(%dma_wait3A_84 : memref<640x128xf32, #tpu.memory_space<vmem_shared>>) dst(%dma_wait3A_82 : memref<640x128xf32, #tpu.memory_space<hbm>>)
      tpu.yield
    }) : () -> ()
    return
  }
}

#map = affine_map<(d0, d1) -> (0, 0, 0)>
#map1 = affine_map<(d0, d1) -> (0)>
#map2 = affine_map<(d0, d1) -> (0, 0)>
module attributes {stable_mosaic.version = 14 : i64} {
  func.func @_prop_sc(%arg0: i32, %arg1: i32, %arg2: memref<32x125x80xi32, #tpu.memory_space<hbm>>, %arg3: memref<320000xi32, #tpu.memory_space<hbm>>, %arg4: memref<10000x128xf32, #tpu.memory_space<hbm>>, %arg5: memref<2x10240x128xf32, #tpu.memory_space<hbm>>, %arg6: memref<125x80xi32, #tpu.memory_space<vmem>>, %arg7: memref<80xi32, #tpu.memory_space<vmem>>, %arg8: memref<80xi32, #tpu.memory_space<vmem>>, %arg9: memref<80x128xf32, #tpu.memory_space<vmem>>, %arg10: memref<80x128xf32, #tpu.memory_space<vmem>>, %arg11: memref<10240x128xf32, #tpu.memory_space<vmem_shared>>, %arg12: memref<!tpu.dma_semaphore, #tpu.memory_space<semaphore_mem>>, %arg13: memref<!tpu.dma_semaphore, #tpu.memory_space<semaphore_mem>>, %arg14: memref<!tpu.dma_semaphore, #tpu.memory_space<semaphore_mem>>, %arg15: memref<!tpu.dma_semaphore, #tpu.memory_space<semaphore_mem>>, %arg16: memref<!tpu.dma_semaphore, #tpu.memory_space<semaphore_mem>>, %arg17: memref<!tpu.dma_semaphore, #tpu.memory_space<semaphore_mem>>) attributes {dimension_semantics = [#tpu.dimension_semantics<core_parallel>, #tpu.dimension_semantics<subcore_parallel>], iteration_bounds = array<i64: 2, 16>, scalar_prefetch = 0 : i64, scratch_operands = 12 : i64, tpu.core_type = #tpu.core_type<sc_vector_subcore>, window_params = [{transform_indices = #map}, {transform_indices = #map1}, {transform_indices = #map2}, {transform_indices = #map}]} {
    %mul3A = arith.constant 2 : i32
    %mul3A_0 = arith.muli %arg1, %mul3A : i32
    %add3A = arith.addi %mul3A_0, %arg0 : i32
    "tpu.region"() ({
      %run_scoped3A = tpu.sem_alloc : memref<!tpu.dma_semaphore, #tpu.memory_space<semaphore_mem>>
      %dma_start3A_75 = arith.constant 0 : i32
      %dma_start3A_76 = arith.constant 0 : i32
      %dma_start3A_77 = tpu.memref_slice %arg2[%add3A, %dma_start3A_75, %dma_start3A_76] : memref<32x125x80xi32, #tpu.memory_space<hbm>> -> memref<1x125x80xi32, #tpu.memory_space<hbm>>
      %dma_start3A_78 = tpu.memref_squeeze %dma_start3A_77 : memref<1x125x80xi32, #tpu.memory_space<hbm>> -> memref<125x80xi32, #tpu.memory_space<hbm>>
      %dma_start3A_79 = arith.constant 0 : i32
      %dma_start3A_80 = arith.constant 0 : i32
      %dma_start3A_81 = tpu.memref_slice %arg2[%add3A, %dma_start3A_79, %dma_start3A_80] : memref<32x125x80xi32, #tpu.memory_space<hbm>> -> memref<1x125x80xi32, #tpu.memory_space<hbm>>
      %dma_start3A_82 = tpu.memref_squeeze %dma_start3A_81 : memref<1x125x80xi32, #tpu.memory_space<hbm>> -> memref<125x80xi32, #tpu.memory_space<hbm>>
      tpu.enqueue_dma source(%dma_start3A_82 : memref<125x80xi32, #tpu.memory_space<hbm>>) target(%arg6 : memref<125x80xi32, #tpu.memory_space<vmem>>) target_semaphore(%run_scoped3A : memref<!tpu.dma_semaphore, #tpu.memory_space<semaphore_mem>>)
      %dma_wait3A_83 = arith.constant 0 : i32
      %dma_wait3A_84 = arith.constant 0 : i32
      %dma_wait3A_85 = tpu.memref_slice %arg2[%add3A, %dma_wait3A_83, %dma_wait3A_84] : memref<32x125x80xi32, #tpu.memory_space<hbm>> -> memref<1x125x80xi32, #tpu.memory_space<hbm>>
      %dma_wait3A_86 = tpu.memref_squeeze %dma_wait3A_85 : memref<1x125x80xi32, #tpu.memory_space<hbm>> -> memref<125x80xi32, #tpu.memory_space<hbm>>
      %dma_wait3A_87 = arith.constant 0 : i32
      %dma_wait3A_88 = arith.constant 0 : i32
      %dma_wait3A_89 = tpu.memref_slice %arg2[%add3A, %dma_wait3A_87, %dma_wait3A_88] : memref<32x125x80xi32, #tpu.memory_space<hbm>> -> memref<1x125x80xi32, #tpu.memory_space<hbm>>
      %dma_wait3A_90 = tpu.memref_squeeze %dma_wait3A_89 : memref<1x125x80xi32, #tpu.memory_space<hbm>> -> memref<125x80xi32, #tpu.memory_space<hbm>>
      tpu.wait_dma2 semaphore(%run_scoped3A : memref<!tpu.dma_semaphore, #tpu.memory_space<semaphore_mem>>) src(%dma_wait3A_90 : memref<125x80xi32, #tpu.memory_space<hbm>>) dst(%arg6 : memref<125x80xi32, #tpu.memory_space<vmem>>)
      tpu.yield
    }) : () -> ()
    %scan3A = arith.constant 0 : i32
    %scan3A_1 = arith.constant 0 : i32
    %scan3A_2 = arith.constant 80 : i32
    %scan3A_3 = arith.addi %scan3A_1, %scan3A_2 : i32
    %scan3A_4 = arith.constant 1 : i32
    %scan3A_5 = scf.for %scan3A_75 = %scan3A_1 to %scan3A_3 step %scan3A_4 iter_args(%scan3A_76 = %scan3A) -> (i32)  : i32 {
      %broadcast_in_dim3A = arith.constant 0.000000e+00 : f32
      %broadcast_in_dim3A_77 = vector.broadcast %broadcast_in_dim3A : f32 to vector<16xf32>
      %swap3A = arith.index_cast %scan3A_75 : i32 to index
      %swap3A_78 = arith.constant 0 : index
      %swap3A_79 = tpu.vector_load %arg9[%swap3A, %swap3A_78] {strides = array<i32>} : memref<80x128xf32, #tpu.memory_space<vmem>>, vector<1x16xf32>,
      %swap3A_80 = vector.shape_cast %swap3A_79 : vector<1x16xf32> to vector<16xf32>
      %swap3A_81 = vector.shape_cast %broadcast_in_dim3A_77 : vector<16xf32> to vector<1x16xf32>
      tpu.vector_store %arg9[%swap3A, %swap3A_78], %swap3A_81 {strides = array<i32>} : memref<80x128xf32, #tpu.memory_space<vmem>>, vector<1x16xf32>,
      %broadcast_in_dim3A_82 = arith.constant 0.000000e+00 : f32
      %broadcast_in_dim3A_83 = vector.broadcast %broadcast_in_dim3A_82 : f32 to vector<16xf32>
      %swap3A_84 = arith.index_cast %scan3A_75 : i32 to index
      %swap3A_85 = arith.constant 16 : index
      %swap3A_86 = tpu.vector_load %arg9[%swap3A_84, %swap3A_85] {strides = array<i32>} : memref<80x128xf32, #tpu.memory_space<vmem>>, vector<1x16xf32>,
      %swap3A_87 = vector.shape_cast %swap3A_86 : vector<1x16xf32> to vector<16xf32>
      %swap3A_88 = vector.shape_cast %broadcast_in_dim3A_83 : vector<16xf32> to vector<1x16xf32>
      tpu.vector_store %arg9[%swap3A_84, %swap3A_85], %swap3A_88 {strides = array<i32>} : memref<80x128xf32, #tpu.memory_space<vmem>>, vector<1x16xf32>,
      %broadcast_in_dim3A_89 = arith.constant 0.000000e+00 : f32
      %broadcast_in_dim3A_90 = vector.broadcast %broadcast_in_dim3A_89 : f32 to vector<16xf32>
      %swap3A_91 = arith.index_cast %scan3A_75 : i32 to index
      %swap3A_92 = arith.constant 32 : index
      %swap3A_93 = tpu.vector_load %arg9[%swap3A_91, %swap3A_92] {strides = array<i32>} : memref<80x128xf32, #tpu.memory_space<vmem>>, vector<1x16xf32>,
      %swap3A_94 = vector.shape_cast %swap3A_93 : vector<1x16xf32> to vector<16xf32>
      %swap3A_95 = vector.shape_cast %broadcast_in_dim3A_90 : vector<16xf32> to vector<1x16xf32>
      tpu.vector_store %arg9[%swap3A_91, %swap3A_92], %swap3A_95 {strides = array<i32>} : memref<80x128xf32, #tpu.memory_space<vmem>>, vector<1x16xf32>,
      %broadcast_in_dim3A_96 = arith.constant 0.000000e+00 : f32
      %broadcast_in_dim3A_97 = vector.broadcast %broadcast_in_dim3A_96 : f32 to vector<16xf32>
      %swap3A_98 = arith.index_cast %scan3A_75 : i32 to index
      %swap3A_99 = arith.constant 48 : index
      %swap3A_100 = tpu.vector_load %arg9[%swap3A_98, %swap3A_99] {strides = array<i32>} : memref<80x128xf32, #tpu.memory_space<vmem>>, vector<1x16xf32>,
      %swap3A_101 = vector.shape_cast %swap3A_100 : vector<1x16xf32> to vector<16xf32>
      %swap3A_102 = vector.shape_cast %broadcast_in_dim3A_97 : vector<16xf32> to vector<1x16xf32>
      tpu.vector_store %arg9[%swap3A_98, %swap3A_99], %swap3A_102 {strides = array<i32>} : memref<80x128xf32, #tpu.memory_space<vmem>>, vector<1x16xf32>,
      %broadcast_in_dim3A_103 = arith.constant 0.000000e+00 : f32
      %broadcast_in_dim3A_104 = vector.broadcast %broadcast_in_dim3A_103 : f32 to vector<16xf32>
      %swap3A_105 = arith.index_cast %scan3A_75 : i32 to index
      %swap3A_106 = arith.constant 64 : index
      %swap3A_107 = tpu.vector_load %arg9[%swap3A_105, %swap3A_106] {strides = array<i32>} : memref<80x128xf32, #tpu.memory_space<vmem>>, vector<1x16xf32>,
      %swap3A_108 = vector.shape_cast %swap3A_107 : vector<1x16xf32> to vector<16xf32>
      %swap3A_109 = vector.shape_cast %broadcast_in_dim3A_104 : vector<16xf32> to vector<1x16xf32>
      tpu.vector_store %arg9[%swap3A_105, %swap3A_106], %swap3A_109 {strides = array<i32>} : memref<80x128xf32, #tpu.memory_space<vmem>>, vector<1x16xf32>,
      %broadcast_in_dim3A_110 = arith.constant 0.000000e+00 : f32
      %broadcast_in_dim3A_111 = vector.broadcast %broadcast_in_dim3A_110 : f32 to vector<16xf32>
      %swap3A_112 = arith.index_cast %scan3A_75 : i32 to index
      %swap3A_113 = arith.constant 80 : index
      %swap3A_114 = tpu.vector_load %arg9[%swap3A_112, %swap3A_113] {strides = array<i32>} : memref<80x128xf32, #tpu.memory_space<vmem>>, vector<1x16xf32>,
      %swap3A_115 = vector.shape_cast %swap3A_114 : vector<1x16xf32> to vector<16xf32>
      %swap3A_116 = vector.shape_cast %broadcast_in_dim3A_111 : vector<16xf32> to vector<1x16xf32>
      tpu.vector_store %arg9[%swap3A_112, %swap3A_113], %swap3A_116 {strides = array<i32>} : memref<80x128xf32, #tpu.memory_space<vmem>>, vector<1x16xf32>,
      %broadcast_in_dim3A_117 = arith.constant 0.000000e+00 : f32
      %broadcast_in_dim3A_118 = vector.broadcast %broadcast_in_dim3A_117 : f32 to vector<16xf32>
      %swap3A_119 = arith.index_cast %scan3A_75 : i32 to index
      %swap3A_120 = arith.constant 96 : index
      %swap3A_121 = tpu.vector_load %arg9[%swap3A_119, %swap3A_120] {strides = array<i32>} : memref<80x128xf32, #tpu.memory_space<vmem>>, vector<1x16xf32>,
      %swap3A_122 = vector.shape_cast %swap3A_121 : vector<1x16xf32> to vector<16xf32>
      %swap3A_123 = vector.shape_cast %broadcast_in_dim3A_118 : vector<16xf32> to vector<1x16xf32>
      tpu.vector_store %arg9[%swap3A_119, %swap3A_120], %swap3A_123 {strides = array<i32>} : memref<80x128xf32, #tpu.memory_space<vmem>>, vector<1x16xf32>,
      %broadcast_in_dim3A_124 = arith.constant 0.000000e+00 : f32
      %broadcast_in_dim3A_125 = vector.broadcast %broadcast_in_dim3A_124 : f32 to vector<16xf32>
      %swap3A_126 = arith.index_cast %scan3A_75 : i32 to index
      %swap3A_127 = arith.constant 112 : index
      %swap3A_128 = tpu.vector_load %arg9[%swap3A_126, %swap3A_127] {strides = array<i32>} : memref<80x128xf32, #tpu.memory_space<vmem>>, vector<1x16xf32>,
      %swap3A_129 = vector.shape_cast %swap3A_128 : vector<1x16xf32> to vector<16xf32>
      %swap3A_130 = vector.shape_cast %broadcast_in_dim3A_125 : vector<16xf32> to vector<1x16xf32>
      tpu.vector_store %arg9[%swap3A_126, %swap3A_127], %swap3A_130 {strides = array<i32>} : memref<80x128xf32, #tpu.memory_space<vmem>>, vector<1x16xf32>,
      %scan3A_131 = arith.constant 0 : i32
      scf.yield %scan3A_131 : i32
    }
    %scan3A_6 = arith.constant 80 : i32
    %scan3A_7 = arith.constant 0 : i32
    %scan3A_8 = arith.constant 0 : i32
    %scan3A_9 = arith.constant 8 : i32
    %scan3A_10 = arith.addi %scan3A_8, %scan3A_9 : i32
    %scan3A_11 = arith.constant 1 : i32
    %scan3A_12 = scf.for %scan3A_75 = %scan3A_8 to %scan3A_10 step %scan3A_11 iter_args(%scan3A_76 = %scan3A_7) -> (i32)  : i32 {
      %mul3A_77 = arith.constant 640 : i32
      %mul3A_78 = arith.muli %arg1, %mul3A_77 : i32
      %mul3A_79 = arith.constant 80 : i32
      %mul3A_80 = arith.muli %scan3A_75, %mul3A_79 : i32
      %add3A_81 = arith.addi %mul3A_78, %mul3A_80 : i32
      "tpu.region"() ({
        %run_scoped3A = tpu.sem_alloc : memref<!tpu.dma_semaphore, #tpu.memory_space<semaphore_mem>>
        %dma_start3A_83 = arith.constant 0 : i32
        %dma_start3A_84 = tpu.memref_slice %arg11[%add3A_81, %dma_start3A_83] : memref<10240x128xf32, #tpu.memory_space<vmem_shared>> -> memref<80x128xf32, #tpu.memory_space<vmem_shared>>
        %dma_start3A_85 = arith.constant 0 : i32
        %dma_start3A_86 = tpu.memref_slice %arg11[%add3A_81, %dma_start3A_85] : memref<10240x128xf32, #tpu.memory_space<vmem_shared>> -> memref<80x128xf32, #tpu.memory_space<vmem_shared>>
        tpu.enqueue_dma source(%arg9 : memref<80x128xf32, #tpu.memory_space<vmem>>) target(%dma_start3A_86 : memref<80x128xf32, #tpu.memory_space<vmem_shared>>) target_semaphore(%run_scoped3A : memref<!tpu.dma_semaphore, #tpu.memory_space<semaphore_mem>>)
        %dma_wait3A_87 = arith.constant 0 : i32
        %dma_wait3A_88 = tpu.memref_slice %arg11[%add3A_81, %dma_wait3A_87] : memref<10240x128xf32, #tpu.memory_space<vmem_shared>> -> memref<80x128xf32, #tpu.memory_space<vmem_shared>>
        %dma_wait3A_89 = arith.constant 0 : i32
        %dma_wait3A_90 = tpu.memref_slice %arg11[%add3A_81, %dma_wait3A_89] : memref<10240x128xf32, #tpu.memory_space<vmem_shared>> -> memref<80x128xf32, #tpu.memory_space<vmem_shared>>
        tpu.wait_dma2 semaphore(%run_scoped3A : memref<!tpu.dma_semaphore, #tpu.memory_space<semaphore_mem>>) src(%arg9 : memref<80x128xf32, #tpu.memory_space<vmem>>) dst(%dma_wait3A_90 : memref<80x128xf32, #tpu.memory_space<vmem_shared>>)
        tpu.yield
      }) : () -> ()
      %scan3A_82 = arith.constant 0 : i32
      scf.yield %scan3A_82 : i32
    }
    %scan3A_13 = arith.constant 8 : i32
    %barrier3A = arith.constant 0 : index
    tpu.barrier barrier_id(%barrier3A)
    %mul3A_14 = arith.constant 10000 : i32
    %mul3A_15 = arith.muli %add3A, %mul3A_14 : i32
    %add3A_16 = arith.constant 0 : i32
    %add3A_17 = arith.addi %mul3A_15, %add3A_16 : i32
    %dma_start3A = tpu.memref_slice %arg3[%add3A_17] : memref<320000xi32, #tpu.memory_space<hbm>> -> memref<80xi32, #tpu.memory_space<hbm>>
    %dma_start3A_18 = tpu.memref_slice %arg3[%add3A_17] : memref<320000xi32, #tpu.memory_space<hbm>> -> memref<80xi32, #tpu.memory_space<hbm>>
    tpu.enqueue_dma source(%dma_start3A_18 : memref<80xi32, #tpu.memory_space<hbm>>) target(%arg7 : memref<80xi32, #tpu.memory_space<vmem>>) target_semaphore(%arg14 : memref<!tpu.dma_semaphore, #tpu.memory_space<semaphore_mem>>)
    %dma_start3A_19 = arith.constant 0 : i32
    %dma_start3A_20 = arith.constant 0 : i32
    %dma_start3A_21 = tpu.memref_slice %arg6[%dma_start3A_19, %dma_start3A_20] : memref<125x80xi32, #tpu.memory_space<vmem>> -> memref<1x80xi32, #tpu.memory_space<vmem>>
    %dma_start3A_22 = tpu.memref_squeeze %dma_start3A_21 : memref<1x80xi32, #tpu.memory_space<vmem>> -> memref<80xi32, #tpu.memory_space<vmem>>
    %dma_start3A_23 = arith.constant 0 : i32
    %dma_start3A_24 = arith.constant 0 : i32
    %dma_start3A_25 = tpu.memref_slice %arg4[%dma_start3A_23, %dma_start3A_24] : memref<10000x128xf32, #tpu.memory_space<hbm>> -> memref<10000x128xf32, #tpu.memory_space<hbm>>
    tpu.enqueue_indirect_dma source(%dma_start3A_25 : memref<10000x128xf32, #tpu.memory_space<hbm>>) target(%arg9 : memref<80x128xf32, #tpu.memory_space<vmem>>) offsets(%dma_start3A_22 : memref<80xi32, #tpu.memory_space<vmem>>) semaphore(%arg12 : memref<!tpu.dma_semaphore, #tpu.memory_space<semaphore_mem>>)
    %scan3A_26 = arith.constant 0 : i32
    %scan3A_27 = arith.constant 0 : i32
    %scan3A_28 = arith.constant 62 : i32
    %scan3A_29 = arith.addi %scan3A_27, %scan3A_28 : i32
    %scan3A_30 = arith.constant 1 : i32
    %scan3A_31 = scf.for %scan3A_75 = %scan3A_27 to %scan3A_29 step %scan3A_30 iter_args(%scan3A_76 = %scan3A_26) -> (i32)  : i32 {
      %mul3A_77 = arith.constant 2 : i32
      %mul3A_78 = arith.muli %mul3A_77, %scan3A_75 : i32
      %gt3A = arith.constant 0 : i32
      %gt3A_79 = arith.cmpi sgt, %scan3A_75, %gt3A : i32
      %convert_element_type3A = arith.extui %gt3A_79 : i1 to i32
      %cond3A = arith.constant 0 : i32
      %cond3A_80 = arith.cmpi ne, %convert_element_type3A, %cond3A : i32
      scf.if %cond3A_80 {
        %dma_wait3A_135 = arith.constant 0 : i32
        %dma_wait3A_136 = arith.constant 0 : i32
        %dma_wait3A_137 = tpu.memref_slice %arg11[%dma_wait3A_135, %dma_wait3A_136] : memref<10240x128xf32, #tpu.memory_space<vmem_shared>> -> memref<10240x128xf32, #tpu.memory_space<vmem_shared>>
        tpu.wait_indirect_dma semaphore(%arg17 : memref<!tpu.dma_semaphore, #tpu.memory_space<semaphore_mem>>) src(%arg10 : memref<80x128xf32, #tpu.memory_space<vmem>>) dst(%dma_wait3A_137 : memref<10240x128xf32, #tpu.memory_space<vmem_shared>>)
      } else {
      }
      %add3A_81 = arith.constant 1 : i32
      %add3A_82 = arith.addi %mul3A_78, %add3A_81 : i32
      %mul3A_83 = arith.constant 10000 : i32
      %mul3A_84 = arith.muli %add3A, %mul3A_83 : i32
      %mul3A_85 = arith.constant 80 : i32
      %mul3A_86 = arith.muli %add3A_82, %mul3A_85 : i32
      %add3A_87 = arith.addi %mul3A_84, %mul3A_86 : i32
      %dma_start3A_88 = tpu.memref_slice %arg3[%add3A_87] : memref<320000xi32, #tpu.memory_space<hbm>> -> memref<80xi32, #tpu.memory_space<hbm>>
      %dma_start3A_89 = tpu.memref_slice %arg3[%add3A_87] : memref<320000xi32, #tpu.memory_space<hbm>> -> memref<80xi32, #tpu.memory_space<hbm>>
      tpu.enqueue_dma source(%dma_start3A_89 : memref<80xi32, #tpu.memory_space<hbm>>) target(%arg8 : memref<80xi32, #tpu.memory_space<vmem>>) target_semaphore(%arg15 : memref<!tpu.dma_semaphore, #tpu.memory_space<semaphore_mem>>)
      %dma_start3A_90 = arith.constant 0 : i32
      %dma_start3A_91 = tpu.memref_slice %arg6[%add3A_82, %dma_start3A_90] : memref<125x80xi32, #tpu.memory_space<vmem>> -> memref<1x80xi32, #tpu.memory_space<vmem>>
      %dma_start3A_92 = tpu.memref_squeeze %dma_start3A_91 : memref<1x80xi32, #tpu.memory_space<vmem>> -> memref<80xi32, #tpu.memory_space<vmem>>
      %dma_start3A_93 = arith.constant 0 : i32
      %dma_start3A_94 = arith.constant 0 : i32
      %dma_start3A_95 = tpu.memref_slice %arg4[%dma_start3A_93, %dma_start3A_94] : memref<10000x128xf32, #tpu.memory_space<hbm>> -> memref<10000x128xf32, #tpu.memory_space<hbm>>
      tpu.enqueue_indirect_dma source(%dma_start3A_95 : memref<10000x128xf32, #tpu.memory_space<hbm>>) target(%arg10 : memref<80x128xf32, #tpu.memory_space<vmem>>) offsets(%dma_start3A_92 : memref<80xi32, #tpu.memory_space<vmem>>) semaphore(%arg13 : memref<!tpu.dma_semaphore, #tpu.memory_space<semaphore_mem>>)
      %mul3A_96 = arith.constant 10000 : i32
      %mul3A_97 = arith.muli %add3A, %mul3A_96 : i32
      %mul3A_98 = arith.constant 80 : i32
      %mul3A_99 = arith.muli %mul3A_78, %mul3A_98 : i32
      %add3A_100 = arith.addi %mul3A_97, %mul3A_99 : i32
      %dma_wait3A_101 = tpu.memref_slice %arg3[%add3A_100] : memref<320000xi32, #tpu.memory_space<hbm>> -> memref<80xi32, #tpu.memory_space<hbm>>
      %dma_wait3A_102 = tpu.memref_slice %arg3[%add3A_100] : memref<320000xi32, #tpu.memory_space<hbm>> -> memref<80xi32, #tpu.memory_space<hbm>>
      tpu.wait_dma2 semaphore(%arg14 : memref<!tpu.dma_semaphore, #tpu.memory_space<semaphore_mem>>) src(%dma_wait3A_102 : memref<80xi32, #tpu.memory_space<hbm>>) dst(%arg7 : memref<80xi32, #tpu.memory_space<vmem>>)
      %dma_wait3A_103 = arith.constant 0 : i32
      %dma_wait3A_104 = tpu.memref_slice %arg6[%mul3A_78, %dma_wait3A_103] : memref<125x80xi32, #tpu.memory_space<vmem>> -> memref<1x80xi32, #tpu.memory_space<vmem>>
      %dma_wait3A_105 = tpu.memref_squeeze %dma_wait3A_104 : memref<1x80xi32, #tpu.memory_space<vmem>> -> memref<80xi32, #tpu.memory_space<vmem>>
      %dma_wait3A_106 = arith.constant 0 : i32
      %dma_wait3A_107 = arith.constant 0 : i32
      %dma_wait3A_108 = tpu.memref_slice %arg4[%dma_wait3A_106, %dma_wait3A_107] : memref<10000x128xf32, #tpu.memory_space<hbm>> -> memref<10000x128xf32, #tpu.memory_space<hbm>>
      tpu.wait_indirect_dma semaphore(%arg12 : memref<!tpu.dma_semaphore, #tpu.memory_space<semaphore_mem>>) src(%dma_wait3A_108 : memref<10000x128xf32, #tpu.memory_space<hbm>>) dst(%arg9 : memref<80x128xf32, #tpu.memory_space<vmem>>)
      %dma_start3A_109 = arith.constant 0 : i32
      %dma_start3A_110 = arith.constant 0 : i32
      %dma_start3A_111 = tpu.memref_slice %arg11[%dma_start3A_109, %dma_start3A_110] : memref<10240x128xf32, #tpu.memory_space<vmem_shared>> -> memref<10240x128xf32, #tpu.memory_space<vmem_shared>>
      tpu.enqueue_indirect_dma source(%arg9 : memref<80x128xf32, #tpu.memory_space<vmem>>) target(%dma_start3A_111 : memref<10240x128xf32, #tpu.memory_space<vmem_shared>>) offsets(%arg7 : memref<80xi32, #tpu.memory_space<vmem>>) semaphore(%arg16 : memref<!tpu.dma_semaphore, #tpu.memory_space<semaphore_mem>>) {add = true}
      %add3A_112 = arith.constant 1 : i32
      %add3A_113 = arith.addi %mul3A_78, %add3A_112 : i32
      %mul3A_114 = arith.constant 10000 : i32
      %mul3A_115 = arith.muli %add3A, %mul3A_114 : i32
      %mul3A_116 = arith.constant 80 : i32
      %mul3A_117 = arith.muli %add3A_113, %mul3A_116 : i32
      %add3A_118 = arith.addi %mul3A_115, %mul3A_117 : i32
      %dma_wait3A_119 = tpu.memref_slice %arg3[%add3A_118] : memref<320000xi32, #tpu.memory_space<hbm>> -> memref<80xi32, #tpu.memory_space<hbm>>
      %dma_wait3A_120 = tpu.memref_slice %arg3[%add3A_118] : memref<320000xi32, #tpu.memory_space<hbm>> -> memref<80xi32, #tpu.memory_space<hbm>>
      tpu.wait_dma2 semaphore(%arg15 : memref<!tpu.dma_semaphore, #tpu.memory_space<semaphore_mem>>) src(%dma_wait3A_120 : memref<80xi32, #tpu.memory_space<hbm>>) dst(%arg8 : memref<80xi32, #tpu.memory_space<vmem>>)
      %dma_wait3A_121 = arith.constant 0 : i32
      %dma_wait3A_122 = tpu.memref_slice %arg6[%add3A_113, %dma_wait3A_121] : memref<125x80xi32, #tpu.memory_space<vmem>> -> memref<1x80xi32, #tpu.memory_space<vmem>>
      %dma_wait3A_123 = tpu.memref_squeeze %dma_wait3A_122 : memref<1x80xi32, #tpu.memory_space<vmem>> -> memref<80xi32, #tpu.memory_space<vmem>>
      %dma_wait3A_124 = arith.constant 0 : i32
      %dma_wait3A_125 = arith.constant 0 : i32
      %dma_wait3A_126 = tpu.memref_slice %arg4[%dma_wait3A_124, %dma_wait3A_125] : memref<10000x128xf32, #tpu.memory_space<hbm>> -> memref<10000x128xf32, #tpu.memory_space<hbm>>
      tpu.wait_indirect_dma semaphore(%arg13 : memref<!tpu.dma_semaphore, #tpu.memory_space<semaphore_mem>>) src(%dma_wait3A_126 : memref<10000x128xf32, #tpu.memory_space<hbm>>) dst(%arg10 : memref<80x128xf32, #tpu.memory_space<vmem>>)
      %lt3A = arith.constant 61 : i32
      %lt3A_127 = arith.cmpi slt, %scan3A_75, %lt3A : i32
      %convert_element_type3A_128 = arith.extui %lt3A_127 : i1 to i32
      %cond3A_129 = arith.constant 0 : i32
      %cond3A_130 = arith.cmpi ne, %convert_element_type3A_128, %cond3A_129 : i32
      scf.if %cond3A_130 {
        %dma_wait3A_135 = arith.constant 0 : i32
        %dma_wait3A_136 = arith.constant 0 : i32
        %dma_wait3A_137 = tpu.memref_slice %arg11[%dma_wait3A_135, %dma_wait3A_136] : memref<10240x128xf32, #tpu.memory_space<vmem_shared>> -> memref<10240x128xf32, #tpu.memory_space<vmem_shared>>
        tpu.wait_indirect_dma semaphore(%arg16 : memref<!tpu.dma_semaphore, #tpu.memory_space<semaphore_mem>>) src(%arg9 : memref<80x128xf32, #tpu.memory_space<vmem>>) dst(%dma_wait3A_137 : memref<10240x128xf32, #tpu.memory_space<vmem_shared>>)
        %add3A_138 = arith.constant 2 : i32
        %add3A_139 = arith.addi %mul3A_78, %add3A_138 : i32
        %mul3A_140 = arith.constant 10000 : i32
        %mul3A_141 = arith.muli %add3A, %mul3A_140 : i32
        %mul3A_142 = arith.constant 80 : i32
        %mul3A_143 = arith.muli %add3A_139, %mul3A_142 : i32
        %add3A_144 = arith.addi %mul3A_141, %mul3A_143 : i32
        %dma_start3A_145 = tpu.memref_slice %arg3[%add3A_144] : memref<320000xi32, #tpu.memory_space<hbm>> -> memref<80xi32, #tpu.memory_space<hbm>>
        %dma_start3A_146 = tpu.memref_slice %arg3[%add3A_144] : memref<320000xi32, #tpu.memory_space<hbm>> -> memref<80xi32, #tpu.memory_space<hbm>>
        tpu.enqueue_dma source(%dma_start3A_146 : memref<80xi32, #tpu.memory_space<hbm>>) target(%arg7 : memref<80xi32, #tpu.memory_space<vmem>>) target_semaphore(%arg14 : memref<!tpu.dma_semaphore, #tpu.memory_space<semaphore_mem>>)
        %dma_start3A_147 = arith.constant 0 : i32
        %dma_start3A_148 = tpu.memref_slice %arg6[%add3A_139, %dma_start3A_147] : memref<125x80xi32, #tpu.memory_space<vmem>> -> memref<1x80xi32, #tpu.memory_space<vmem>>
        %dma_start3A_149 = tpu.memref_squeeze %dma_start3A_148 : memref<1x80xi32, #tpu.memory_space<vmem>> -> memref<80xi32, #tpu.memory_space<vmem>>
        %dma_start3A_150 = arith.constant 0 : i32
        %dma_start3A_151 = arith.constant 0 : i32
        %dma_start3A_152 = tpu.memref_slice %arg4[%dma_start3A_150, %dma_start3A_151] : memref<10000x128xf32, #tpu.memory_space<hbm>> -> memref<10000x128xf32, #tpu.memory_space<hbm>>
        tpu.enqueue_indirect_dma source(%dma_start3A_152 : memref<10000x128xf32, #tpu.memory_space<hbm>>) target(%arg9 : memref<80x128xf32, #tpu.memory_space<vmem>>) offsets(%dma_start3A_149 : memref<80xi32, #tpu.memory_space<vmem>>) semaphore(%arg12 : memref<!tpu.dma_semaphore, #tpu.memory_space<semaphore_mem>>)
      } else {
      }
      %dma_start3A_131 = arith.constant 0 : i32
      %dma_start3A_132 = arith.constant 0 : i32
      %dma_start3A_133 = tpu.memref_slice %arg11[%dma_start3A_131, %dma_start3A_132] : memref<10240x128xf32, #tpu.memory_space<vmem_shared>> -> memref<10240x128xf32, #tpu.memory_space<vmem_shared>>
      tpu.enqueue_indirect_dma source(%arg10 : memref<80x128xf32, #tpu.memory_space<vmem>>) target(%dma_start3A_133 : memref<10240x128xf32, #tpu.memory_space<vmem_shared>>) offsets(%arg8 : memref<80xi32, #tpu.memory_space<vmem>>) semaphore(%arg17 : memref<!tpu.dma_semaphore, #tpu.memory_space<semaphore_mem>>) {add = true}
      %scan3A_134 = arith.constant 0 : i32
      scf.yield %scan3A_134 : i32
    }
    %scan3A_32 = arith.constant 62 : i32
    %dma_wait3A = arith.constant 0 : i32
    %dma_wait3A_33 = arith.constant 0 : i32
    %dma_wait3A_34 = tpu.memref_slice %arg11[%dma_wait3A, %dma_wait3A_33] : memref<10240x128xf32, #tpu.memory_space<vmem_shared>> -> memref<10240x128xf32, #tpu.memory_space<vmem_shared>>
    tpu.wait_indirect_dma semaphore(%arg16 : memref<!tpu.dma_semaphore, #tpu.memory_space<semaphore_mem>>) src(%arg9 : memref<80x128xf32, #tpu.memory_space<vmem>>) dst(%dma_wait3A_34 : memref<10240x128xf32, #tpu.memory_space<vmem_shared>>)
    %mul3A_35 = arith.constant 10000 : i32
    %mul3A_36 = arith.muli %add3A, %mul3A_35 : i32
    %add3A_37 = arith.constant 9920 : i32
    %add3A_38 = arith.addi %mul3A_36, %add3A_37 : i32
    %dma_start3A_39 = tpu.memref_slice %arg3[%add3A_38] : memref<320000xi32, #tpu.memory_space<hbm>> -> memref<80xi32, #tpu.memory_space<hbm>>
    %dma_start3A_40 = tpu.memref_slice %arg3[%add3A_38] : memref<320000xi32, #tpu.memory_space<hbm>> -> memref<80xi32, #tpu.memory_space<hbm>>
    tpu.enqueue_dma source(%dma_start3A_40 : memref<80xi32, #tpu.memory_space<hbm>>) target(%arg7 : memref<80xi32, #tpu.memory_space<vmem>>) target_semaphore(%arg14 : memref<!tpu.dma_semaphore, #tpu.memory_space<semaphore_mem>>)
    %dma_start3A_41 = arith.constant 124 : i32
    %dma_start3A_42 = arith.constant 0 : i32
    %dma_start3A_43 = tpu.memref_slice %arg6[%dma_start3A_41, %dma_start3A_42] : memref<125x80xi32, #tpu.memory_space<vmem>> -> memref<1x80xi32, #tpu.memory_space<vmem>>
    %dma_start3A_44 = tpu.memref_squeeze %dma_start3A_43 : memref<1x80xi32, #tpu.memory_space<vmem>> -> memref<80xi32, #tpu.memory_space<vmem>>
    %dma_start3A_45 = arith.constant 0 : i32
    %dma_start3A_46 = arith.constant 0 : i32
    %dma_start3A_47 = tpu.memref_slice %arg4[%dma_start3A_45, %dma_start3A_46] : memref<10000x128xf32, #tpu.memory_space<hbm>> -> memref<10000x128xf32, #tpu.memory_space<hbm>>
    tpu.enqueue_indirect_dma source(%dma_start3A_47 : memref<10000x128xf32, #tpu.memory_space<hbm>>) target(%arg9 : memref<80x128xf32, #tpu.memory_space<vmem>>) offsets(%dma_start3A_44 : memref<80xi32, #tpu.memory_space<vmem>>) semaphore(%arg12 : memref<!tpu.dma_semaphore, #tpu.memory_space<semaphore_mem>>)
    %mul3A_48 = arith.constant 10000 : i32
    %mul3A_49 = arith.muli %add3A, %mul3A_48 : i32
    %add3A_50 = arith.constant 9920 : i32
    %add3A_51 = arith.addi %mul3A_49, %add3A_50 : i32
    %dma_wait3A_52 = tpu.memref_slice %arg3[%add3A_51] : memref<320000xi32, #tpu.memory_space<hbm>> -> memref<80xi32, #tpu.memory_space<hbm>>
    %dma_wait3A_53 = tpu.memref_slice %arg3[%add3A_51] : memref<320000xi32, #tpu.memory_space<hbm>> -> memref<80xi32, #tpu.memory_space<hbm>>
    tpu.wait_dma2 semaphore(%arg14 : memref<!tpu.dma_semaphore, #tpu.memory_space<semaphore_mem>>) src(%dma_wait3A_53 : memref<80xi32, #tpu.memory_space<hbm>>) dst(%arg7 : memref<80xi32, #tpu.memory_space<vmem>>)
    %dma_wait3A_54 = arith.constant 124 : i32
    %dma_wait3A_55 = arith.constant 0 : i32
    %dma_wait3A_56 = tpu.memref_slice %arg6[%dma_wait3A_54, %dma_wait3A_55] : memref<125x80xi32, #tpu.memory_space<vmem>> -> memref<1x80xi32, #tpu.memory_space<vmem>>
    %dma_wait3A_57 = tpu.memref_squeeze %dma_wait3A_56 : memref<1x80xi32, #tpu.memory_space<vmem>> -> memref<80xi32, #tpu.memory_space<vmem>>
    %dma_wait3A_58 = arith.constant 0 : i32
    %dma_wait3A_59 = arith.constant 0 : i32
    %dma_wait3A_60 = tpu.memref_slice %arg4[%dma_wait3A_58, %dma_wait3A_59] : memref<10000x128xf32, #tpu.memory_space<hbm>> -> memref<10000x128xf32, #tpu.memory_space<hbm>>
    tpu.wait_indirect_dma semaphore(%arg12 : memref<!tpu.dma_semaphore, #tpu.memory_space<semaphore_mem>>) src(%dma_wait3A_60 : memref<10000x128xf32, #tpu.memory_space<hbm>>) dst(%arg9 : memref<80x128xf32, #tpu.memory_space<vmem>>)
    %dma_start3A_61 = arith.constant 0 : i32
    %dma_start3A_62 = arith.constant 0 : i32
    %dma_start3A_63 = tpu.memref_slice %arg11[%dma_start3A_61, %dma_start3A_62] : memref<10240x128xf32, #tpu.memory_space<vmem_shared>> -> memref<10240x128xf32, #tpu.memory_space<vmem_shared>>
    tpu.enqueue_indirect_dma source(%arg9 : memref<80x128xf32, #tpu.memory_space<vmem>>) target(%dma_start3A_63 : memref<10240x128xf32, #tpu.memory_space<vmem_shared>>) offsets(%arg7 : memref<80xi32, #tpu.memory_space<vmem>>) semaphore(%arg16 : memref<!tpu.dma_semaphore, #tpu.memory_space<semaphore_mem>>) {add = true}
    %dma_wait3A_64 = arith.constant 0 : i32
    %dma_wait3A_65 = arith.constant 0 : i32
    %dma_wait3A_66 = tpu.memref_slice %arg11[%dma_wait3A_64, %dma_wait3A_65] : memref<10240x128xf32, #tpu.memory_space<vmem_shared>> -> memref<10240x128xf32, #tpu.memory_space<vmem_shared>>
    tpu.wait_indirect_dma semaphore(%arg16 : memref<!tpu.dma_semaphore, #tpu.memory_space<semaphore_mem>>) src(%arg9 : memref<80x128xf32, #tpu.memory_space<vmem>>) dst(%dma_wait3A_66 : memref<10240x128xf32, #tpu.memory_space<vmem_shared>>)
    %dma_wait3A_67 = arith.constant 0 : i32
    %dma_wait3A_68 = arith.constant 0 : i32
    %dma_wait3A_69 = tpu.memref_slice %arg11[%dma_wait3A_67, %dma_wait3A_68] : memref<10240x128xf32, #tpu.memory_space<vmem_shared>> -> memref<10240x128xf32, #tpu.memory_space<vmem_shared>>
    tpu.wait_indirect_dma semaphore(%arg17 : memref<!tpu.dma_semaphore, #tpu.memory_space<semaphore_mem>>) src(%arg10 : memref<80x128xf32, #tpu.memory_space<vmem>>) dst(%dma_wait3A_69 : memref<10240x128xf32, #tpu.memory_space<vmem_shared>>)
    %barrier3A_70 = arith.constant 0 : index
    tpu.barrier barrier_id(%barrier3A_70)
    %mul3A_71 = arith.constant 640 : i32
    %mul3A_72 = arith.muli %arg1, %mul3A_71 : i32
    %mul3A_73 = arith.constant 640 : i32
    %mul3A_74 = arith.muli %arg1, %mul3A_73 : i32
    "tpu.region"() ({
      %run_scoped3A = tpu.sem_alloc : memref<!tpu.dma_semaphore, #tpu.memory_space<semaphore_mem>>
      %dma_start3A_75 = arith.constant 0 : i32
      %dma_start3A_76 = tpu.memref_slice %arg5[%arg0, %mul3A_74, %dma_start3A_75] : memref<2x10240x128xf32, #tpu.memory_space<hbm>> -> memref<1x640x128xf32, #tpu.memory_space<hbm>>
      %dma_start3A_77 = tpu.memref_squeeze %dma_start3A_76 : memref<1x640x128xf32, #tpu.memory_space<hbm>> -> memref<640x128xf32, #tpu.memory_space<hbm>>
      %dma_start3A_78 = arith.constant 0 : i32
      %dma_start3A_79 = tpu.memref_slice %arg11[%mul3A_72, %dma_start3A_78] : memref<10240x128xf32, #tpu.memory_space<vmem_shared>> -> memref<640x128xf32, #tpu.memory_space<vmem_shared>>
      tpu.enqueue_dma source(%dma_start3A_79 : memref<640x128xf32, #tpu.memory_space<vmem_shared>>) target(%dma_start3A_77 : memref<640x128xf32, #tpu.memory_space<hbm>>) target_semaphore(%run_scoped3A : memref<!tpu.dma_semaphore, #tpu.memory_space<semaphore_mem>>)
      %dma_wait3A_80 = arith.constant 0 : i32
      %dma_wait3A_81 = tpu.memref_slice %arg5[%arg0, %mul3A_74, %dma_wait3A_80] : memref<2x10240x128xf32, #tpu.memory_space<hbm>> -> memref<1x640x128xf32, #tpu.memory_space<hbm>>
      %dma_wait3A_82 = tpu.memref_squeeze %dma_wait3A_81 : memref<1x640x128xf32, #tpu.memory_space<hbm>> -> memref<640x128xf32, #tpu.memory_space<hbm>>
      %dma_wait3A_83 = arith.constant 0 : i32
      %dma_wait3A_84 = tpu.memref_slice %arg11[%mul3A_72, %dma_wait3A_83] : memref<10240x128xf32, #tpu.memory_space<vmem_shared>> -> memref<640x128xf32, #tpu.memory_space<vmem_shared>>
      tpu.wait_dma2 semaphore(%run_scoped3A : memref<!tpu.dma_semaphore, #tpu.memory_space<semaphore_mem>>) src(%dma_wait3A_84 : memref<640x128xf32, #tpu.memory_space<vmem_shared>>) dst(%dma_wait3A_82 : memref<640x128xf32, #tpu.memory_space<hbm>>)
      tpu.yield
    }) : () -> ()
    return
  }
}

#map = affine_map<(d0, d1) -> (0, 0, 0)>
#map1 = affine_map<(d0, d1) -> (0)>
#map2 = affine_map<(d0, d1) -> (0, 0)>
module attributes {stable_mosaic.version = 14 : i64} {
  func.func @_prop_sc(%arg0: i32, %arg1: i32, %arg2: memref<32x125x80xi32, #tpu.memory_space<hbm>>, %arg3: memref<320000xi32, #tpu.memory_space<hbm>>, %arg4: memref<10000x128xf32, #tpu.memory_space<hbm>>, %arg5: memref<2x10240x128xf32, #tpu.memory_space<hbm>>, %arg6: memref<125x80xi32, #tpu.memory_space<vmem>>, %arg7: memref<80xi32, #tpu.memory_space<vmem>>, %arg8: memref<80xi32, #tpu.memory_space<vmem>>, %arg9: memref<80x128xf32, #tpu.memory_space<vmem>>, %arg10: memref<80x128xf32, #tpu.memory_space<vmem>>, %arg11: memref<10240x128xf32, #tpu.memory_space<vmem_shared>>, %arg12: memref<!tpu.dma_semaphore, #tpu.memory_space<semaphore_mem>>, %arg13: memref<!tpu.dma_semaphore, #tpu.memory_space<semaphore_mem>>, %arg14: memref<!tpu.dma_semaphore, #tpu.memory_space<semaphore_mem>>, %arg15: memref<!tpu.dma_semaphore, #tpu.memory_space<semaphore_mem>>, %arg16: memref<!tpu.dma_semaphore, #tpu.memory_space<semaphore_mem>>, %arg17: memref<!tpu.dma_semaphore, #tpu.memory_space<semaphore_mem>>) attributes {dimension_semantics = [#tpu.dimension_semantics<core_parallel>, #tpu.dimension_semantics<subcore_parallel>], iteration_bounds = array<i64: 2, 16>, scalar_prefetch = 0 : i64, scratch_operands = 12 : i64, tpu.core_type = #tpu.core_type<sc_vector_subcore>, window_params = [{transform_indices = #map}, {transform_indices = #map1}, {transform_indices = #map2}, {transform_indices = #map}]} {
    %mul3A = arith.constant 2 : i32
    %mul3A_0 = arith.muli %arg1, %mul3A : i32
    %add3A = arith.addi %mul3A_0, %arg0 : i32
    "tpu.region"() ({
      %run_scoped3A = tpu.sem_alloc : memref<!tpu.dma_semaphore, #tpu.memory_space<semaphore_mem>>
      %dma_start3A_75 = arith.constant 0 : i32
      %dma_start3A_76 = arith.constant 0 : i32
      %dma_start3A_77 = tpu.memref_slice %arg2[%add3A, %dma_start3A_75, %dma_start3A_76] : memref<32x125x80xi32, #tpu.memory_space<hbm>> -> memref<1x125x80xi32, #tpu.memory_space<hbm>>
      %dma_start3A_78 = tpu.memref_squeeze %dma_start3A_77 : memref<1x125x80xi32, #tpu.memory_space<hbm>> -> memref<125x80xi32, #tpu.memory_space<hbm>>
      %dma_start3A_79 = arith.constant 0 : i32
      %dma_start3A_80 = arith.constant 0 : i32
      %dma_start3A_81 = tpu.memref_slice %arg2[%add3A, %dma_start3A_79, %dma_start3A_80] : memref<32x125x80xi32, #tpu.memory_space<hbm>> -> memref<1x125x80xi32, #tpu.memory_space<hbm>>
      %dma_start3A_82 = tpu.memref_squeeze %dma_start3A_81 : memref<1x125x80xi32, #tpu.memory_space<hbm>> -> memref<125x80xi32, #tpu.memory_space<hbm>>
      tpu.enqueue_dma source(%dma_start3A_82 : memref<125x80xi32, #tpu.memory_space<hbm>>) target(%arg6 : memref<125x80xi32, #tpu.memory_space<vmem>>) target_semaphore(%run_scoped3A : memref<!tpu.dma_semaphore, #tpu.memory_space<semaphore_mem>>)
      %dma_wait3A_83 = arith.constant 0 : i32
      %dma_wait3A_84 = arith.constant 0 : i32
      %dma_wait3A_85 = tpu.memref_slice %arg2[%add3A, %dma_wait3A_83, %dma_wait3A_84] : memref<32x125x80xi32, #tpu.memory_space<hbm>> -> memref<1x125x80xi32, #tpu.memory_space<hbm>>
      %dma_wait3A_86 = tpu.memref_squeeze %dma_wait3A_85 : memref<1x125x80xi32, #tpu.memory_space<hbm>> -> memref<125x80xi32, #tpu.memory_space<hbm>>
      %dma_wait3A_87 = arith.constant 0 : i32
      %dma_wait3A_88 = arith.constant 0 : i32
      %dma_wait3A_89 = tpu.memref_slice %arg2[%add3A, %dma_wait3A_87, %dma_wait3A_88] : memref<32x125x80xi32, #tpu.memory_space<hbm>> -> memref<1x125x80xi32, #tpu.memory_space<hbm>>
      %dma_wait3A_90 = tpu.memref_squeeze %dma_wait3A_89 : memref<1x125x80xi32, #tpu.memory_space<hbm>> -> memref<125x80xi32, #tpu.memory_space<hbm>>
      tpu.wait_dma2 semaphore(%run_scoped3A : memref<!tpu.dma_semaphore, #tpu.memory_space<semaphore_mem>>) src(%dma_wait3A_90 : memref<125x80xi32, #tpu.memory_space<hbm>>) dst(%arg6 : memref<125x80xi32, #tpu.memory_space<vmem>>)
      tpu.yield
    }) : () -> ()
    %scan3A = arith.constant 0 : i32
    %scan3A_1 = arith.constant 0 : i32
    %scan3A_2 = arith.constant 80 : i32
    %scan3A_3 = arith.addi %scan3A_1, %scan3A_2 : i32
    %scan3A_4 = arith.constant 1 : i32
    %scan3A_5 = scf.for %scan3A_75 = %scan3A_1 to %scan3A_3 step %scan3A_4 iter_args(%scan3A_76 = %scan3A) -> (i32)  : i32 {
      %broadcast_in_dim3A = arith.constant 0.000000e+00 : f32
      %broadcast_in_dim3A_77 = vector.broadcast %broadcast_in_dim3A : f32 to vector<16xf32>
      %swap3A = arith.index_cast %scan3A_75 : i32 to index
      %swap3A_78 = arith.constant 0 : index
      %swap3A_79 = tpu.vector_load %arg9[%swap3A, %swap3A_78] {strides = array<i32>} : memref<80x128xf32, #tpu.memory_space<vmem>>, vector<1x16xf32>,
      %swap3A_80 = vector.shape_cast %swap3A_79 : vector<1x16xf32> to vector<16xf32>
      %swap3A_81 = vector.shape_cast %broadcast_in_dim3A_77 : vector<16xf32> to vector<1x16xf32>
      tpu.vector_store %arg9[%swap3A, %swap3A_78], %swap3A_81 {strides = array<i32>} : memref<80x128xf32, #tpu.memory_space<vmem>>, vector<1x16xf32>,
      %broadcast_in_dim3A_82 = arith.constant 0.000000e+00 : f32
      %broadcast_in_dim3A_83 = vector.broadcast %broadcast_in_dim3A_82 : f32 to vector<16xf32>
      %swap3A_84 = arith.index_cast %scan3A_75 : i32 to index
      %swap3A_85 = arith.constant 16 : index
      %swap3A_86 = tpu.vector_load %arg9[%swap3A_84, %swap3A_85] {strides = array<i32>} : memref<80x128xf32, #tpu.memory_space<vmem>>, vector<1x16xf32>,
      %swap3A_87 = vector.shape_cast %swap3A_86 : vector<1x16xf32> to vector<16xf32>
      %swap3A_88 = vector.shape_cast %broadcast_in_dim3A_83 : vector<16xf32> to vector<1x16xf32>
      tpu.vector_store %arg9[%swap3A_84, %swap3A_85], %swap3A_88 {strides = array<i32>} : memref<80x128xf32, #tpu.memory_space<vmem>>, vector<1x16xf32>,
      %broadcast_in_dim3A_89 = arith.constant 0.000000e+00 : f32
      %broadcast_in_dim3A_90 = vector.broadcast %broadcast_in_dim3A_89 : f32 to vector<16xf32>
      %swap3A_91 = arith.index_cast %scan3A_75 : i32 to index
      %swap3A_92 = arith.constant 32 : index
      %swap3A_93 = tpu.vector_load %arg9[%swap3A_91, %swap3A_92] {strides = array<i32>} : memref<80x128xf32, #tpu.memory_space<vmem>>, vector<1x16xf32>,
      %swap3A_94 = vector.shape_cast %swap3A_93 : vector<1x16xf32> to vector<16xf32>
      %swap3A_95 = vector.shape_cast %broadcast_in_dim3A_90 : vector<16xf32> to vector<1x16xf32>
      tpu.vector_store %arg9[%swap3A_91, %swap3A_92], %swap3A_95 {strides = array<i32>} : memref<80x128xf32, #tpu.memory_space<vmem>>, vector<1x16xf32>,
      %broadcast_in_dim3A_96 = arith.constant 0.000000e+00 : f32
      %broadcast_in_dim3A_97 = vector.broadcast %broadcast_in_dim3A_96 : f32 to vector<16xf32>
      %swap3A_98 = arith.index_cast %scan3A_75 : i32 to index
      %swap3A_99 = arith.constant 48 : index
      %swap3A_100 = tpu.vector_load %arg9[%swap3A_98, %swap3A_99] {strides = array<i32>} : memref<80x128xf32, #tpu.memory_space<vmem>>, vector<1x16xf32>,
      %swap3A_101 = vector.shape_cast %swap3A_100 : vector<1x16xf32> to vector<16xf32>
      %swap3A_102 = vector.shape_cast %broadcast_in_dim3A_97 : vector<16xf32> to vector<1x16xf32>
      tpu.vector_store %arg9[%swap3A_98, %swap3A_99], %swap3A_102 {strides = array<i32>} : memref<80x128xf32, #tpu.memory_space<vmem>>, vector<1x16xf32>,
      %broadcast_in_dim3A_103 = arith.constant 0.000000e+00 : f32
      %broadcast_in_dim3A_104 = vector.broadcast %broadcast_in_dim3A_103 : f32 to vector<16xf32>
      %swap3A_105 = arith.index_cast %scan3A_75 : i32 to index
      %swap3A_106 = arith.constant 64 : index
      %swap3A_107 = tpu.vector_load %arg9[%swap3A_105, %swap3A_106] {strides = array<i32>} : memref<80x128xf32, #tpu.memory_space<vmem>>, vector<1x16xf32>,
      %swap3A_108 = vector.shape_cast %swap3A_107 : vector<1x16xf32> to vector<16xf32>
      %swap3A_109 = vector.shape_cast %broadcast_in_dim3A_104 : vector<16xf32> to vector<1x16xf32>
      tpu.vector_store %arg9[%swap3A_105, %swap3A_106], %swap3A_109 {strides = array<i32>} : memref<80x128xf32, #tpu.memory_space<vmem>>, vector<1x16xf32>,
      %broadcast_in_dim3A_110 = arith.constant 0.000000e+00 : f32
      %broadcast_in_dim3A_111 = vector.broadcast %broadcast_in_dim3A_110 : f32 to vector<16xf32>
      %swap3A_112 = arith.index_cast %scan3A_75 : i32 to index
      %swap3A_113 = arith.constant 80 : index
      %swap3A_114 = tpu.vector_load %arg9[%swap3A_112, %swap3A_113] {strides = array<i32>} : memref<80x128xf32, #tpu.memory_space<vmem>>, vector<1x16xf32>,
      %swap3A_115 = vector.shape_cast %swap3A_114 : vector<1x16xf32> to vector<16xf32>
      %swap3A_116 = vector.shape_cast %broadcast_in_dim3A_111 : vector<16xf32> to vector<1x16xf32>
      tpu.vector_store %arg9[%swap3A_112, %swap3A_113], %swap3A_116 {strides = array<i32>} : memref<80x128xf32, #tpu.memory_space<vmem>>, vector<1x16xf32>,
      %broadcast_in_dim3A_117 = arith.constant 0.000000e+00 : f32
      %broadcast_in_dim3A_118 = vector.broadcast %broadcast_in_dim3A_117 : f32 to vector<16xf32>
      %swap3A_119 = arith.index_cast %scan3A_75 : i32 to index
      %swap3A_120 = arith.constant 96 : index
      %swap3A_121 = tpu.vector_load %arg9[%swap3A_119, %swap3A_120] {strides = array<i32>} : memref<80x128xf32, #tpu.memory_space<vmem>>, vector<1x16xf32>,
      %swap3A_122 = vector.shape_cast %swap3A_121 : vector<1x16xf32> to vector<16xf32>
      %swap3A_123 = vector.shape_cast %broadcast_in_dim3A_118 : vector<16xf32> to vector<1x16xf32>
      tpu.vector_store %arg9[%swap3A_119, %swap3A_120], %swap3A_123 {strides = array<i32>} : memref<80x128xf32, #tpu.memory_space<vmem>>, vector<1x16xf32>,
      %broadcast_in_dim3A_124 = arith.constant 0.000000e+00 : f32
      %broadcast_in_dim3A_125 = vector.broadcast %broadcast_in_dim3A_124 : f32 to vector<16xf32>
      %swap3A_126 = arith.index_cast %scan3A_75 : i32 to index
      %swap3A_127 = arith.constant 112 : index
      %swap3A_128 = tpu.vector_load %arg9[%swap3A_126, %swap3A_127] {strides = array<i32>} : memref<80x128xf32, #tpu.memory_space<vmem>>, vector<1x16xf32>,
      %swap3A_129 = vector.shape_cast %swap3A_128 : vector<1x16xf32> to vector<16xf32>
      %swap3A_130 = vector.shape_cast %broadcast_in_dim3A_125 : vector<16xf32> to vector<1x16xf32>
      tpu.vector_store %arg9[%swap3A_126, %swap3A_127], %swap3A_130 {strides = array<i32>} : memref<80x128xf32, #tpu.memory_space<vmem>>, vector<1x16xf32>,
      %scan3A_131 = arith.constant 0 : i32
      scf.yield %scan3A_131 : i32
    }
    %scan3A_6 = arith.constant 80 : i32
    %scan3A_7 = arith.constant 0 : i32
    %scan3A_8 = arith.constant 0 : i32
    %scan3A_9 = arith.constant 8 : i32
    %scan3A_10 = arith.addi %scan3A_8, %scan3A_9 : i32
    %scan3A_11 = arith.constant 1 : i32
    %scan3A_12 = scf.for %scan3A_75 = %scan3A_8 to %scan3A_10 step %scan3A_11 iter_args(%scan3A_76 = %scan3A_7) -> (i32)  : i32 {
      %mul3A_77 = arith.constant 640 : i32
      %mul3A_78 = arith.muli %arg1, %mul3A_77 : i32
      %mul3A_79 = arith.constant 80 : i32
      %mul3A_80 = arith.muli %scan3A_75, %mul3A_79 : i32
      %add3A_81 = arith.addi %mul3A_78, %mul3A_80 : i32
      "tpu.region"() ({
        %run_scoped3A = tpu.sem_alloc : memref<!tpu.dma_semaphore, #tpu.memory_space<semaphore_mem>>
        %dma_start3A_83 = arith.constant 0 : i32
        %dma_start3A_84 = tpu.memref_slice %arg11[%add3A_81, %dma_start3A_83] : memref<10240x128xf32, #tpu.memory_space<vmem_shared>> -> memref<80x128xf32, #tpu.memory_space<vmem_shared>>
        %dma_start3A_85 = arith.constant 0 : i32
        %dma_start3A_86 = tpu.memref_slice %arg11[%add3A_81, %dma_start3A_85] : memref<10240x128xf32, #tpu.memory_space<vmem_shared>> -> memref<80x128xf32, #tpu.memory_space<vmem_shared>>
        tpu.enqueue_dma source(%arg9 : memref<80x128xf32, #tpu.memory_space<vmem>>) target(%dma_start3A_86 : memref<80x128xf32, #tpu.memory_space<vmem_shared>>) target_semaphore(%run_scoped3A : memref<!tpu.dma_semaphore, #tpu.memory_space<semaphore_mem>>)
        %dma_wait3A_87 = arith.constant 0 : i32
        %dma_wait3A_88 = tpu.memref_slice %arg11[%add3A_81, %dma_wait3A_87] : memref<10240x128xf32, #tpu.memory_space<vmem_shared>> -> memref<80x128xf32, #tpu.memory_space<vmem_shared>>
        %dma_wait3A_89 = arith.constant 0 : i32
        %dma_wait3A_90 = tpu.memref_slice %arg11[%add3A_81, %dma_wait3A_89] : memref<10240x128xf32, #tpu.memory_space<vmem_shared>> -> memref<80x128xf32, #tpu.memory_space<vmem_shared>>
        tpu.wait_dma2 semaphore(%run_scoped3A : memref<!tpu.dma_semaphore, #tpu.memory_space<semaphore_mem>>) src(%arg9 : memref<80x128xf32, #tpu.memory_space<vmem>>) dst(%dma_wait3A_90 : memref<80x128xf32, #tpu.memory_space<vmem_shared>>)
        tpu.yield
      }) : () -> ()
      %scan3A_82 = arith.constant 0 : i32
      scf.yield %scan3A_82 : i32
    }
    %scan3A_13 = arith.constant 8 : i32
    %barrier3A = arith.constant 0 : index
    tpu.barrier barrier_id(%barrier3A)
    %mul3A_14 = arith.constant 10000 : i32
    %mul3A_15 = arith.muli %add3A, %mul3A_14 : i32
    %add3A_16 = arith.constant 0 : i32
    %add3A_17 = arith.addi %mul3A_15, %add3A_16 : i32
    %dma_start3A = tpu.memref_slice %arg3[%add3A_17] : memref<320000xi32, #tpu.memory_space<hbm>> -> memref<80xi32, #tpu.memory_space<hbm>>
    %dma_start3A_18 = tpu.memref_slice %arg3[%add3A_17] : memref<320000xi32, #tpu.memory_space<hbm>> -> memref<80xi32, #tpu.memory_space<hbm>>
    tpu.enqueue_dma source(%dma_start3A_18 : memref<80xi32, #tpu.memory_space<hbm>>) target(%arg7 : memref<80xi32, #tpu.memory_space<vmem>>) target_semaphore(%arg14 : memref<!tpu.dma_semaphore, #tpu.memory_space<semaphore_mem>>)
    %dma_start3A_19 = arith.constant 0 : i32
    %dma_start3A_20 = arith.constant 0 : i32
    %dma_start3A_21 = tpu.memref_slice %arg6[%dma_start3A_19, %dma_start3A_20] : memref<125x80xi32, #tpu.memory_space<vmem>> -> memref<1x80xi32, #tpu.memory_space<vmem>>
    %dma_start3A_22 = tpu.memref_squeeze %dma_start3A_21 : memref<1x80xi32, #tpu.memory_space<vmem>> -> memref<80xi32, #tpu.memory_space<vmem>>
    %dma_start3A_23 = arith.constant 0 : i32
    %dma_start3A_24 = arith.constant 0 : i32
    %dma_start3A_25 = tpu.memref_slice %arg4[%dma_start3A_23, %dma_start3A_24] : memref<10000x128xf32, #tpu.memory_space<hbm>> -> memref<10000x128xf32, #tpu.memory_space<hbm>>
    tpu.enqueue_indirect_dma source(%dma_start3A_25 : memref<10000x128xf32, #tpu.memory_space<hbm>>) target(%arg9 : memref<80x128xf32, #tpu.memory_space<vmem>>) offsets(%dma_start3A_22 : memref<80xi32, #tpu.memory_space<vmem>>) semaphore(%arg12 : memref<!tpu.dma_semaphore, #tpu.memory_space<semaphore_mem>>)
    %scan3A_26 = arith.constant 0 : i32
    %scan3A_27 = arith.constant 0 : i32
    %scan3A_28 = arith.constant 62 : i32
    %scan3A_29 = arith.addi %scan3A_27, %scan3A_28 : i32
    %scan3A_30 = arith.constant 1 : i32
    %scan3A_31 = scf.for %scan3A_75 = %scan3A_27 to %scan3A_29 step %scan3A_30 iter_args(%scan3A_76 = %scan3A_26) -> (i32)  : i32 {
      %mul3A_77 = arith.constant 2 : i32
      %mul3A_78 = arith.muli %mul3A_77, %scan3A_75 : i32
      %gt3A = arith.constant 0 : i32
      %gt3A_79 = arith.cmpi sgt, %scan3A_75, %gt3A : i32
      %convert_element_type3A = arith.extui %gt3A_79 : i1 to i32
      %cond3A = arith.constant 0 : i32
      %cond3A_80 = arith.cmpi ne, %convert_element_type3A, %cond3A : i32
      scf.if %cond3A_80 {
        %dma_wait3A_135 = arith.constant 0 : i32
        %dma_wait3A_136 = arith.constant 0 : i32
        %dma_wait3A_137 = tpu.memref_slice %arg11[%dma_wait3A_135, %dma_wait3A_136] : memref<10240x128xf32, #tpu.memory_space<vmem_shared>> -> memref<10240x128xf32, #tpu.memory_space<vmem_shared>>
        tpu.wait_indirect_dma semaphore(%arg17 : memref<!tpu.dma_semaphore, #tpu.memory_space<semaphore_mem>>) src(%arg10 : memref<80x128xf32, #tpu.memory_space<vmem>>) dst(%dma_wait3A_137 : memref<10240x128xf32, #tpu.memory_space<vmem_shared>>)
      } else {
      }
      %add3A_81 = arith.constant 1 : i32
      %add3A_82 = arith.addi %mul3A_78, %add3A_81 : i32
      %mul3A_83 = arith.constant 10000 : i32
      %mul3A_84 = arith.muli %add3A, %mul3A_83 : i32
      %mul3A_85 = arith.constant 80 : i32
      %mul3A_86 = arith.muli %add3A_82, %mul3A_85 : i32
      %add3A_87 = arith.addi %mul3A_84, %mul3A_86 : i32
      %dma_start3A_88 = tpu.memref_slice %arg3[%add3A_87] : memref<320000xi32, #tpu.memory_space<hbm>> -> memref<80xi32, #tpu.memory_space<hbm>>
      %dma_start3A_89 = tpu.memref_slice %arg3[%add3A_87] : memref<320000xi32, #tpu.memory_space<hbm>> -> memref<80xi32, #tpu.memory_space<hbm>>
      tpu.enqueue_dma source(%dma_start3A_89 : memref<80xi32, #tpu.memory_space<hbm>>) target(%arg8 : memref<80xi32, #tpu.memory_space<vmem>>) target_semaphore(%arg15 : memref<!tpu.dma_semaphore, #tpu.memory_space<semaphore_mem>>)
      %dma_start3A_90 = arith.constant 0 : i32
      %dma_start3A_91 = tpu.memref_slice %arg6[%add3A_82, %dma_start3A_90] : memref<125x80xi32, #tpu.memory_space<vmem>> -> memref<1x80xi32, #tpu.memory_space<vmem>>
      %dma_start3A_92 = tpu.memref_squeeze %dma_start3A_91 : memref<1x80xi32, #tpu.memory_space<vmem>> -> memref<80xi32, #tpu.memory_space<vmem>>
      %dma_start3A_93 = arith.constant 0 : i32
      %dma_start3A_94 = arith.constant 0 : i32
      %dma_start3A_95 = tpu.memref_slice %arg4[%dma_start3A_93, %dma_start3A_94] : memref<10000x128xf32, #tpu.memory_space<hbm>> -> memref<10000x128xf32, #tpu.memory_space<hbm>>
      tpu.enqueue_indirect_dma source(%dma_start3A_95 : memref<10000x128xf32, #tpu.memory_space<hbm>>) target(%arg10 : memref<80x128xf32, #tpu.memory_space<vmem>>) offsets(%dma_start3A_92 : memref<80xi32, #tpu.memory_space<vmem>>) semaphore(%arg13 : memref<!tpu.dma_semaphore, #tpu.memory_space<semaphore_mem>>)
      %mul3A_96 = arith.constant 10000 : i32
      %mul3A_97 = arith.muli %add3A, %mul3A_96 : i32
      %mul3A_98 = arith.constant 80 : i32
      %mul3A_99 = arith.muli %mul3A_78, %mul3A_98 : i32
      %add3A_100 = arith.addi %mul3A_97, %mul3A_99 : i32
      %dma_wait3A_101 = tpu.memref_slice %arg3[%add3A_100] : memref<320000xi32, #tpu.memory_space<hbm>> -> memref<80xi32, #tpu.memory_space<hbm>>
      %dma_wait3A_102 = tpu.memref_slice %arg3[%add3A_100] : memref<320000xi32, #tpu.memory_space<hbm>> -> memref<80xi32, #tpu.memory_space<hbm>>
      tpu.wait_dma2 semaphore(%arg14 : memref<!tpu.dma_semaphore, #tpu.memory_space<semaphore_mem>>) src(%dma_wait3A_102 : memref<80xi32, #tpu.memory_space<hbm>>) dst(%arg7 : memref<80xi32, #tpu.memory_space<vmem>>)
      %dma_wait3A_103 = arith.constant 0 : i32
      %dma_wait3A_104 = tpu.memref_slice %arg6[%mul3A_78, %dma_wait3A_103] : memref<125x80xi32, #tpu.memory_space<vmem>> -> memref<1x80xi32, #tpu.memory_space<vmem>>
      %dma_wait3A_105 = tpu.memref_squeeze %dma_wait3A_104 : memref<1x80xi32, #tpu.memory_space<vmem>> -> memref<80xi32, #tpu.memory_space<vmem>>
      %dma_wait3A_106 = arith.constant 0 : i32
      %dma_wait3A_107 = arith.constant 0 : i32
      %dma_wait3A_108 = tpu.memref_slice %arg4[%dma_wait3A_106, %dma_wait3A_107] : memref<10000x128xf32, #tpu.memory_space<hbm>> -> memref<10000x128xf32, #tpu.memory_space<hbm>>
      tpu.wait_indirect_dma semaphore(%arg12 : memref<!tpu.dma_semaphore, #tpu.memory_space<semaphore_mem>>) src(%dma_wait3A_108 : memref<10000x128xf32, #tpu.memory_space<hbm>>) dst(%arg9 : memref<80x128xf32, #tpu.memory_space<vmem>>)
      %dma_start3A_109 = arith.constant 0 : i32
      %dma_start3A_110 = arith.constant 0 : i32
      %dma_start3A_111 = tpu.memref_slice %arg11[%dma_start3A_109, %dma_start3A_110] : memref<10240x128xf32, #tpu.memory_space<vmem_shared>> -> memref<10240x128xf32, #tpu.memory_space<vmem_shared>>
      tpu.enqueue_indirect_dma source(%arg9 : memref<80x128xf32, #tpu.memory_space<vmem>>) target(%dma_start3A_111 : memref<10240x128xf32, #tpu.memory_space<vmem_shared>>) offsets(%arg7 : memref<80xi32, #tpu.memory_space<vmem>>) semaphore(%arg16 : memref<!tpu.dma_semaphore, #tpu.memory_space<semaphore_mem>>) {add = true}
      %add3A_112 = arith.constant 1 : i32
      %add3A_113 = arith.addi %mul3A_78, %add3A_112 : i32
      %mul3A_114 = arith.constant 10000 : i32
      %mul3A_115 = arith.muli %add3A, %mul3A_114 : i32
      %mul3A_116 = arith.constant 80 : i32
      %mul3A_117 = arith.muli %add3A_113, %mul3A_116 : i32
      %add3A_118 = arith.addi %mul3A_115, %mul3A_117 : i32
      %dma_wait3A_119 = tpu.memref_slice %arg3[%add3A_118] : memref<320000xi32, #tpu.memory_space<hbm>> -> memref<80xi32, #tpu.memory_space<hbm>>
      %dma_wait3A_120 = tpu.memref_slice %arg3[%add3A_118] : memref<320000xi32, #tpu.memory_space<hbm>> -> memref<80xi32, #tpu.memory_space<hbm>>
      tpu.wait_dma2 semaphore(%arg15 : memref<!tpu.dma_semaphore, #tpu.memory_space<semaphore_mem>>) src(%dma_wait3A_120 : memref<80xi32, #tpu.memory_space<hbm>>) dst(%arg8 : memref<80xi32, #tpu.memory_space<vmem>>)
      %dma_wait3A_121 = arith.constant 0 : i32
      %dma_wait3A_122 = tpu.memref_slice %arg6[%add3A_113, %dma_wait3A_121] : memref<125x80xi32, #tpu.memory_space<vmem>> -> memref<1x80xi32, #tpu.memory_space<vmem>>
      %dma_wait3A_123 = tpu.memref_squeeze %dma_wait3A_122 : memref<1x80xi32, #tpu.memory_space<vmem>> -> memref<80xi32, #tpu.memory_space<vmem>>
      %dma_wait3A_124 = arith.constant 0 : i32
      %dma_wait3A_125 = arith.constant 0 : i32
      %dma_wait3A_126 = tpu.memref_slice %arg4[%dma_wait3A_124, %dma_wait3A_125] : memref<10000x128xf32, #tpu.memory_space<hbm>> -> memref<10000x128xf32, #tpu.memory_space<hbm>>
      tpu.wait_indirect_dma semaphore(%arg13 : memref<!tpu.dma_semaphore, #tpu.memory_space<semaphore_mem>>) src(%dma_wait3A_126 : memref<10000x128xf32, #tpu.memory_space<hbm>>) dst(%arg10 : memref<80x128xf32, #tpu.memory_space<vmem>>)
      %lt3A = arith.constant 61 : i32
      %lt3A_127 = arith.cmpi slt, %scan3A_75, %lt3A : i32
      %convert_element_type3A_128 = arith.extui %lt3A_127 : i1 to i32
      %cond3A_129 = arith.constant 0 : i32
      %cond3A_130 = arith.cmpi ne, %convert_element_type3A_128, %cond3A_129 : i32
      scf.if %cond3A_130 {
        %dma_wait3A_135 = arith.constant 0 : i32
        %dma_wait3A_136 = arith.constant 0 : i32
        %dma_wait3A_137 = tpu.memref_slice %arg11[%dma_wait3A_135, %dma_wait3A_136] : memref<10240x128xf32, #tpu.memory_space<vmem_shared>> -> memref<10240x128xf32, #tpu.memory_space<vmem_shared>>
        tpu.wait_indirect_dma semaphore(%arg16 : memref<!tpu.dma_semaphore, #tpu.memory_space<semaphore_mem>>) src(%arg9 : memref<80x128xf32, #tpu.memory_space<vmem>>) dst(%dma_wait3A_137 : memref<10240x128xf32, #tpu.memory_space<vmem_shared>>)
        %add3A_138 = arith.constant 2 : i32
        %add3A_139 = arith.addi %mul3A_78, %add3A_138 : i32
        %mul3A_140 = arith.constant 10000 : i32
        %mul3A_141 = arith.muli %add3A, %mul3A_140 : i32
        %mul3A_142 = arith.constant 80 : i32
        %mul3A_143 = arith.muli %add3A_139, %mul3A_142 : i32
        %add3A_144 = arith.addi %mul3A_141, %mul3A_143 : i32
        %dma_start3A_145 = tpu.memref_slice %arg3[%add3A_144] : memref<320000xi32, #tpu.memory_space<hbm>> -> memref<80xi32, #tpu.memory_space<hbm>>
        %dma_start3A_146 = tpu.memref_slice %arg3[%add3A_144] : memref<320000xi32, #tpu.memory_space<hbm>> -> memref<80xi32, #tpu.memory_space<hbm>>
        tpu.enqueue_dma source(%dma_start3A_146 : memref<80xi32, #tpu.memory_space<hbm>>) target(%arg7 : memref<80xi32, #tpu.memory_space<vmem>>) target_semaphore(%arg14 : memref<!tpu.dma_semaphore, #tpu.memory_space<semaphore_mem>>)
        %dma_start3A_147 = arith.constant 0 : i32
        %dma_start3A_148 = tpu.memref_slice %arg6[%add3A_139, %dma_start3A_147] : memref<125x80xi32, #tpu.memory_space<vmem>> -> memref<1x80xi32, #tpu.memory_space<vmem>>
        %dma_start3A_149 = tpu.memref_squeeze %dma_start3A_148 : memref<1x80xi32, #tpu.memory_space<vmem>> -> memref<80xi32, #tpu.memory_space<vmem>>
        %dma_start3A_150 = arith.constant 0 : i32
        %dma_start3A_151 = arith.constant 0 : i32
        %dma_start3A_152 = tpu.memref_slice %arg4[%dma_start3A_150, %dma_start3A_151] : memref<10000x128xf32, #tpu.memory_space<hbm>> -> memref<10000x128xf32, #tpu.memory_space<hbm>>
        tpu.enqueue_indirect_dma source(%dma_start3A_152 : memref<10000x128xf32, #tpu.memory_space<hbm>>) target(%arg9 : memref<80x128xf32, #tpu.memory_space<vmem>>) offsets(%dma_start3A_149 : memref<80xi32, #tpu.memory_space<vmem>>) semaphore(%arg12 : memref<!tpu.dma_semaphore, #tpu.memory_space<semaphore_mem>>)
      } else {
      }
      %dma_start3A_131 = arith.constant 0 : i32
      %dma_start3A_132 = arith.constant 0 : i32
      %dma_start3A_133 = tpu.memref_slice %arg11[%dma_start3A_131, %dma_start3A_132] : memref<10240x128xf32, #tpu.memory_space<vmem_shared>> -> memref<10240x128xf32, #tpu.memory_space<vmem_shared>>
      tpu.enqueue_indirect_dma source(%arg10 : memref<80x128xf32, #tpu.memory_space<vmem>>) target(%dma_start3A_133 : memref<10240x128xf32, #tpu.memory_space<vmem_shared>>) offsets(%arg8 : memref<80xi32, #tpu.memory_space<vmem>>) semaphore(%arg17 : memref<!tpu.dma_semaphore, #tpu.memory_space<semaphore_mem>>) {add = true}
      %scan3A_134 = arith.constant 0 : i32
      scf.yield %scan3A_134 : i32
    }
    %scan3A_32 = arith.constant 62 : i32
    %dma_wait3A = arith.constant 0 : i32
    %dma_wait3A_33 = arith.constant 0 : i32
    %dma_wait3A_34 = tpu.memref_slice %arg11[%dma_wait3A, %dma_wait3A_33] : memref<10240x128xf32, #tpu.memory_space<vmem_shared>> -> memref<10240x128xf32, #tpu.memory_space<vmem_shared>>
    tpu.wait_indirect_dma semaphore(%arg16 : memref<!tpu.dma_semaphore, #tpu.memory_space<semaphore_mem>>) src(%arg9 : memref<80x128xf32, #tpu.memory_space<vmem>>) dst(%dma_wait3A_34 : memref<10240x128xf32, #tpu.memory_space<vmem_shared>>)
    %mul3A_35 = arith.constant 10000 : i32
    %mul3A_36 = arith.muli %add3A, %mul3A_35 : i32
    %add3A_37 = arith.constant 9920 : i32
    %add3A_38 = arith.addi %mul3A_36, %add3A_37 : i32
    %dma_start3A_39 = tpu.memref_slice %arg3[%add3A_38] : memref<320000xi32, #tpu.memory_space<hbm>> -> memref<80xi32, #tpu.memory_space<hbm>>
    %dma_start3A_40 = tpu.memref_slice %arg3[%add3A_38] : memref<320000xi32, #tpu.memory_space<hbm>> -> memref<80xi32, #tpu.memory_space<hbm>>
    tpu.enqueue_dma source(%dma_start3A_40 : memref<80xi32, #tpu.memory_space<hbm>>) target(%arg7 : memref<80xi32, #tpu.memory_space<vmem>>) target_semaphore(%arg14 : memref<!tpu.dma_semaphore, #tpu.memory_space<semaphore_mem>>)
    %dma_start3A_41 = arith.constant 124 : i32
    %dma_start3A_42 = arith.constant 0 : i32
    %dma_start3A_43 = tpu.memref_slice %arg6[%dma_start3A_41, %dma_start3A_42] : memref<125x80xi32, #tpu.memory_space<vmem>> -> memref<1x80xi32, #tpu.memory_space<vmem>>
    %dma_start3A_44 = tpu.memref_squeeze %dma_start3A_43 : memref<1x80xi32, #tpu.memory_space<vmem>> -> memref<80xi32, #tpu.memory_space<vmem>>
    %dma_start3A_45 = arith.constant 0 : i32
    %dma_start3A_46 = arith.constant 0 : i32
    %dma_start3A_47 = tpu.memref_slice %arg4[%dma_start3A_45, %dma_start3A_46] : memref<10000x128xf32, #tpu.memory_space<hbm>> -> memref<10000x128xf32, #tpu.memory_space<hbm>>
    tpu.enqueue_indirect_dma source(%dma_start3A_47 : memref<10000x128xf32, #tpu.memory_space<hbm>>) target(%arg9 : memref<80x128xf32, #tpu.memory_space<vmem>>) offsets(%dma_start3A_44 : memref<80xi32, #tpu.memory_space<vmem>>) semaphore(%arg12 : memref<!tpu.dma_semaphore, #tpu.memory_space<semaphore_mem>>)
    %mul3A_48 = arith.constant 10000 : i32
    %mul3A_49 = arith.muli %add3A, %mul3A_48 : i32
    %add3A_50 = arith.constant 9920 : i32
    %add3A_51 = arith.addi %mul3A_49, %add3A_50 : i32
    %dma_wait3A_52 = tpu.memref_slice %arg3[%add3A_51] : memref<320000xi32, #tpu.memory_space<hbm>> -> memref<80xi32, #tpu.memory_space<hbm>>
    %dma_wait3A_53 = tpu.memref_slice %arg3[%add3A_51] : memref<320000xi32, #tpu.memory_space<hbm>> -> memref<80xi32, #tpu.memory_space<hbm>>
    tpu.wait_dma2 semaphore(%arg14 : memref<!tpu.dma_semaphore, #tpu.memory_space<semaphore_mem>>) src(%dma_wait3A_53 : memref<80xi32, #tpu.memory_space<hbm>>) dst(%arg7 : memref<80xi32, #tpu.memory_space<vmem>>)
    %dma_wait3A_54 = arith.constant 124 : i32
    %dma_wait3A_55 = arith.constant 0 : i32
    %dma_wait3A_56 = tpu.memref_slice %arg6[%dma_wait3A_54, %dma_wait3A_55] : memref<125x80xi32, #tpu.memory_space<vmem>> -> memref<1x80xi32, #tpu.memory_space<vmem>>
    %dma_wait3A_57 = tpu.memref_squeeze %dma_wait3A_56 : memref<1x80xi32, #tpu.memory_space<vmem>> -> memref<80xi32, #tpu.memory_space<vmem>>
    %dma_wait3A_58 = arith.constant 0 : i32
    %dma_wait3A_59 = arith.constant 0 : i32
    %dma_wait3A_60 = tpu.memref_slice %arg4[%dma_wait3A_58, %dma_wait3A_59] : memref<10000x128xf32, #tpu.memory_space<hbm>> -> memref<10000x128xf32, #tpu.memory_space<hbm>>
    tpu.wait_indirect_dma semaphore(%arg12 : memref<!tpu.dma_semaphore, #tpu.memory_space<semaphore_mem>>) src(%dma_wait3A_60 : memref<10000x128xf32, #tpu.memory_space<hbm>>) dst(%arg9 : memref<80x128xf32, #tpu.memory_space<vmem>>)
    %dma_start3A_61 = arith.constant 0 : i32
    %dma_start3A_62 = arith.constant 0 : i32
    %dma_start3A_63 = tpu.memref_slice %arg11[%dma_start3A_61, %dma_start3A_62] : memref<10240x128xf32, #tpu.memory_space<vmem_shared>> -> memref<10240x128xf32, #tpu.memory_space<vmem_shared>>
    tpu.enqueue_indirect_dma source(%arg9 : memref<80x128xf32, #tpu.memory_space<vmem>>) target(%dma_start3A_63 : memref<10240x128xf32, #tpu.memory_space<vmem_shared>>) offsets(%arg7 : memref<80xi32, #tpu.memory_space<vmem>>) semaphore(%arg16 : memref<!tpu.dma_semaphore, #tpu.memory_space<semaphore_mem>>) {add = true}
    %dma_wait3A_64 = arith.constant 0 : i32
    %dma_wait3A_65 = arith.constant 0 : i32
    %dma_wait3A_66 = tpu.memref_slice %arg11[%dma_wait3A_64, %dma_wait3A_65] : memref<10240x128xf32, #tpu.memory_space<vmem_shared>> -> memref<10240x128xf32, #tpu.memory_space<vmem_shared>>
    tpu.wait_indirect_dma semaphore(%arg16 : memref<!tpu.dma_semaphore, #tpu.memory_space<semaphore_mem>>) src(%arg9 : memref<80x128xf32, #tpu.memory_space<vmem>>) dst(%dma_wait3A_66 : memref<10240x128xf32, #tpu.memory_space<vmem_shared>>)
    %dma_wait3A_67 = arith.constant 0 : i32
    %dma_wait3A_68 = arith.constant 0 : i32
    %dma_wait3A_69 = tpu.memref_slice %arg11[%dma_wait3A_67, %dma_wait3A_68] : memref<10240x128xf32, #tpu.memory_space<vmem_shared>> -> memref<10240x128xf32, #tpu.memory_space<vmem_shared>>
    tpu.wait_indirect_dma semaphore(%arg17 : memref<!tpu.dma_semaphore, #tpu.memory_space<semaphore_mem>>) src(%arg10 : memref<80x128xf32, #tpu.memory_space<vmem>>) dst(%dma_wait3A_69 : memref<10240x128xf32, #tpu.memory_space<vmem_shared>>)
    %barrier3A_70 = arith.constant 0 : index
    tpu.barrier barrier_id(%barrier3A_70)
    %mul3A_71 = arith.constant 640 : i32
    %mul3A_72 = arith.muli %arg1, %mul3A_71 : i32
    %mul3A_73 = arith.constant 640 : i32
    %mul3A_74 = arith.muli %arg1, %mul3A_73 : i32
    "tpu.region"() ({
      %run_scoped3A = tpu.sem_alloc : memref<!tpu.dma_semaphore, #tpu.memory_space<semaphore_mem>>
      %dma_start3A_75 = arith.constant 0 : i32
      %dma_start3A_76 = tpu.memref_slice %arg5[%arg0, %mul3A_74, %dma_start3A_75] : memref<2x10240x128xf32, #tpu.memory_space<hbm>> -> memref<1x640x128xf32, #tpu.memory_space<hbm>>
      %dma_start3A_77 = tpu.memref_squeeze %dma_start3A_76 : memref<1x640x128xf32, #tpu.memory_space<hbm>> -> memref<640x128xf32, #tpu.memory_space<hbm>>
      %dma_start3A_78 = arith.constant 0 : i32
      %dma_start3A_79 = tpu.memref_slice %arg11[%mul3A_72, %dma_start3A_78] : memref<10240x128xf32, #tpu.memory_space<vmem_shared>> -> memref<640x128xf32, #tpu.memory_space<vmem_shared>>
      tpu.enqueue_dma source(%dma_start3A_79 : memref<640x128xf32, #tpu.memory_space<vmem_shared>>) target(%dma_start3A_77 : memref<640x128xf32, #tpu.memory_space<hbm>>) target_semaphore(%run_scoped3A : memref<!tpu.dma_semaphore, #tpu.memory_space<semaphore_mem>>)
      %dma_wait3A_80 = arith.constant 0 : i32
      %dma_wait3A_81 = tpu.memref_slice %arg5[%arg0, %mul3A_74, %dma_wait3A_80] : memref<2x10240x128xf32, #tpu.memory_space<hbm>> -> memref<1x640x128xf32, #tpu.memory_space<hbm>>
      %dma_wait3A_82 = tpu.memref_squeeze %dma_wait3A_81 : memref<1x640x128xf32, #tpu.memory_space<hbm>> -> memref<640x128xf32, #tpu.memory_space<hbm>>
      %dma_wait3A_83 = arith.constant 0 : i32
      %dma_wait3A_84 = tpu.memref_slice %arg11[%mul3A_72, %dma_wait3A_83] : memref<10240x128xf32, #tpu.memory_space<vmem_shared>> -> memref<640x128xf32, #tpu.memory_space<vmem_shared>>
      tpu.wait_dma2 semaphore(%run_scoped3A : memref<!tpu.dma_semaphore, #tpu.memory_space<semaphore_mem>>) src(%dma_wait3A_84 : memref<640x128xf32, #tpu.memory_space<vmem_shared>>) dst(%dma_wait3A_82 : memref<640x128xf32, #tpu.memory_space<hbm>>)
      tpu.yield
    }) : () -> ()
    return
  }
}

module attributes {stable_mosaic.version = 14 : i64} {
  func.func @_init_tc(%arg0: i32, %arg1: memref<2000x1xf32, #tpu.memory_space<vmem>>, %arg2: memref<2000x1xf32, #tpu.memory_space<vmem>>, %arg3: memref<2000x128xf32, #tpu.memory_space<vmem>>, %arg4: memref<2000x128xf32, #tpu.memory_space<vmem>>, %arg5: memref<2000x1xf32, #tpu.memory_space<vmem>>, %arg6: memref<2000x1xf32, #tpu.memory_space<vmem>>) attributes {dimension_semantics = [#tpu.dimension_semantics<arbitrary>], iteration_bounds = array<i64: 5>, scalar_prefetch = 0 : i64, scratch_operands = 0 : i64, tpu.core_type = #tpu.core_type<tc>, window_params = [{transform_indices = @transform_0, window_bounds = array<i64: 2000, 1>}, {transform_indices = @transform_1, window_bounds = array<i64: 2000, 1>}, {transform_indices = @transform_2, window_bounds = array<i64: 2000, 128>}, {transform_indices = @transform_3, window_bounds = array<i64: 2000, 128>}, {transform_indices = @transform_4, window_bounds = array<i64: 2000, 1>}, {transform_indices = @transform_5, window_bounds = array<i64: 2000, 1>}]} {
    %get3A = arith.constant 0 : index
    %get3A_0 = arith.constant 0 : index
    %get3A_1 = vector.load %arg1[%get3A, %get3A_0] : memref<2000x1xf32, #tpu.memory_space<vmem>>, vector<2000x1xf32>
    %get3A_2 = arith.constant 0 : index
    %get3A_3 = arith.constant 0 : index
    %get3A_4 = vector.load %arg2[%get3A_2, %get3A_3] : memref<2000x1xf32, #tpu.memory_space<vmem>>, vector<2000x1xf32>
    %add3A = arith.addf %get3A_1, %get3A_4 : vector<2000x1xf32>
    %add3A_5 = arith.constant 1.000000e+00 : f32
    %add3A_6 = vector.broadcast %add3A_5 : f32 to vector<2000x1xf32>
    %add3A_7 = arith.addf %add3A, %add3A_6 : vector<2000x1xf32>
    %rsqrt3A = math.rsqrt %add3A_7 : vector<2000x1xf32>
    %swap3A = arith.constant 0 : index
    %swap3A_8 = arith.constant 0 : index
    %swap3A_9 = vector.load %arg5[%swap3A, %swap3A_8] : memref<2000x1xf32, #tpu.memory_space<vmem>>, vector<2000x1xf32>
    tpu.vector_store %arg5[%swap3A, %swap3A_8], %rsqrt3A {strides = array<i32>} : memref<2000x1xf32, #tpu.memory_space<vmem>>, vector<2000x1xf32>,
    %div3A = arith.constant 1.000000e+00 : f32
    %div3A_10 = vector.broadcast %div3A : f32 to vector<2000x1xf32>
    %div3A_11 = arith.divf %div3A_10, %add3A_7 : vector<2000x1xf32>
    %swap3A_12 = arith.constant 0 : index
    %swap3A_13 = arith.constant 0 : index
    %swap3A_14 = vector.load %arg6[%swap3A_12, %swap3A_13] : memref<2000x1xf32, #tpu.memory_space<vmem>>, vector<2000x1xf32>
    tpu.vector_store %arg6[%swap3A_12, %swap3A_13], %div3A_11 {strides = array<i32>} : memref<2000x1xf32, #tpu.memory_space<vmem>>, vector<2000x1xf32>,
    %get3A_15 = arith.constant 0 : index
    %get3A_16 = arith.constant 0 : index
    %get3A_17 = vector.load %arg3[%get3A_15, %get3A_16] : memref<2000x128xf32, #tpu.memory_space<vmem>>, vector<2000x128xf32>
    %mul3A = vector.broadcast %rsqrt3A : vector<2000x1xf32> to vector<2000x128xf32>
    %mul3A_18 = arith.mulf %get3A_17, %mul3A : vector<2000x128xf32>
    %swap3A_19 = arith.constant 0 : index
    %swap3A_20 = arith.constant 0 : index
    %swap3A_21 = vector.load %arg4[%swap3A_19, %swap3A_20] : memref<2000x128xf32, #tpu.memory_space<vmem>>, vector<2000x128xf32>
    tpu.vector_store %arg4[%swap3A_19, %swap3A_20], %mul3A_18 {strides = array<i32>} : memref<2000x128xf32, #tpu.memory_space<vmem>>, vector<2000x128xf32>,
    return
  }
  func.func @transform_0(%arg0: i32) -> (i32, i32) {
    %c0_i32 = arith.constant 0 : i32
    %c0_i32_0 = arith.constant 0 : i32
    return %arg0, %c0_i32 : i32, i32
  }
  func.func @transform_1(%arg0: i32) -> (i32, i32) {
    %c0_i32 = arith.constant 0 : i32
    %c0_i32_0 = arith.constant 0 : i32
    return %arg0, %c0_i32 : i32, i32
  }
  func.func @transform_2(%arg0: i32) -> (i32, i32) {
    %c0_i32 = arith.constant 0 : i32
    %c0_i32_0 = arith.constant 0 : i32
    return %arg0, %c0_i32 : i32, i32
  }
  func.func @transform_3(%arg0: i32) -> (i32, i32) {
    %c0_i32 = arith.constant 0 : i32
    %c0_i32_0 = arith.constant 0 : i32
    return %arg0, %c0_i32 : i32, i32
  }
  func.func @transform_4(%arg0: i32) -> (i32, i32) {
    %c0_i32 = arith.constant 0 : i32
    %c0_i32_0 = arith.constant 0 : i32
    return %arg0, %c0_i32 : i32, i32
  }
  func.func @transform_5(%arg0: i32) -> (i32, i32) {
    %c0_i32 = arith.constant 0 : i32
    %c0_i32_0 = arith.constant 0 : i32
    return %arg0, %c0_i32 : i32, i32
  }
}

module attributes {stable_mosaic.version = 14 : i64} {
  func.func @_upd_tc(%arg0: i32, %arg1: memref<1x2000x128xf32, #tpu.memory_space<vmem>>, %arg2: memref<1x2000x128xf32, #tpu.memory_space<vmem>>, %arg3: memref<2000x128xf32, #tpu.memory_space<vmem>>, %arg4: memref<2000x1xf32, #tpu.memory_space<vmem>>, %arg5: memref<2000x128xf32, #tpu.memory_space<vmem>>) attributes {dimension_semantics = [#tpu.dimension_semantics<arbitrary>], iteration_bounds = array<i64: 5>, scalar_prefetch = 0 : i64, scratch_operands = 0 : i64, tpu.core_type = #tpu.core_type<tc>, window_params = [{transform_indices = @transform_0, window_bounds = array<i64: 1, 2000, 128>}, {transform_indices = @transform_1, window_bounds = array<i64: 1, 2000, 128>}, {transform_indices = @transform_2, window_bounds = array<i64: 2000, 128>}, {transform_indices = @transform_3, window_bounds = array<i64: 2000, 1>}, {transform_indices = @transform_4, window_bounds = array<i64: 2000, 128>}]} {
    %get3A = arith.constant 0 : index
    %get3A_0 = arith.constant 0 : index
    %get3A_1 = arith.constant 0 : index
    %get3A_2 = vector.load %arg1[%get3A, %get3A_0, %get3A_1] : memref<1x2000x128xf32, #tpu.memory_space<vmem>>, vector<1x2000x128xf32>
    %get3A_3 = vector.shape_cast %get3A_2 : vector<1x2000x128xf32> to vector<2000x128xf32>
    %get3A_4 = arith.constant 0 : index
    %get3A_5 = arith.constant 0 : index
    %get3A_6 = arith.constant 0 : index
    %get3A_7 = vector.load %arg2[%get3A_4, %get3A_5, %get3A_6] : memref<1x2000x128xf32, #tpu.memory_space<vmem>>, vector<1x2000x128xf32>
    %get3A_8 = vector.shape_cast %get3A_7 : vector<1x2000x128xf32> to vector<2000x128xf32>
    %add3A = arith.addf %get3A_3, %get3A_8 : vector<2000x128xf32>
    %get3A_9 = arith.constant 0 : index
    %get3A_10 = arith.constant 0 : index
    %get3A_11 = vector.load %arg3[%get3A_9, %get3A_10] : memref<2000x128xf32, #tpu.memory_space<vmem>>, vector<2000x128xf32>
    %add3A_12 = arith.addf %add3A, %get3A_11 : vector<2000x128xf32>
    %get3A_13 = arith.constant 0 : index
    %get3A_14 = arith.constant 0 : index
    %get3A_15 = vector.load %arg4[%get3A_13, %get3A_14] : memref<2000x1xf32, #tpu.memory_space<vmem>>, vector<2000x1xf32>
    %mul3A = vector.broadcast %get3A_15 : vector<2000x1xf32> to vector<2000x128xf32>
    %mul3A_16 = arith.mulf %add3A_12, %mul3A : vector<2000x128xf32>
    %swap3A = arith.constant 0 : index
    %swap3A_17 = arith.constant 0 : index
    %swap3A_18 = vector.load %arg5[%swap3A, %swap3A_17] : memref<2000x128xf32, #tpu.memory_space<vmem>>, vector<2000x128xf32>
    tpu.vector_store %arg5[%swap3A, %swap3A_17], %mul3A_16 {strides = array<i32>} : memref<2000x128xf32, #tpu.memory_space<vmem>>, vector<2000x128xf32>,
    return
  }
  func.func @transform_0(%arg0: i32) -> (i32, i32, i32) {
    %c0_i32 = arith.constant 0 : i32
    %c0_i32_0 = arith.constant 0 : i32
    %c0_i32_1 = arith.constant 0 : i32
    return %c0_i32, %arg0, %c0_i32_0 : i32, i32, i32
  }
  func.func @transform_1(%arg0: i32) -> (i32, i32, i32) {
    %c1_i32 = arith.constant 1 : i32
    %c0_i32 = arith.constant 0 : i32
    %c0_i32_0 = arith.constant 0 : i32
    return %c1_i32, %arg0, %c0_i32 : i32, i32, i32
  }
  func.func @transform_2(%arg0: i32) -> (i32, i32) {
    %c0_i32 = arith.constant 0 : i32
    %c0_i32_0 = arith.constant 0 : i32
    return %arg0, %c0_i32 : i32, i32
  }
  func.func @transform_3(%arg0: i32) -> (i32, i32) {
    %c0_i32 = arith.constant 0 : i32
    %c0_i32_0 = arith.constant 0 : i32
    return %arg0, %c0_i32 : i32, i32
  }
  func.func @transform_4(%arg0: i32) -> (i32, i32) {
    %c0_i32 = arith.constant 0 : i32
    %c0_i32_0 = arith.constant 0 : i32
    return %arg0, %c0_i32 : i32, i32
  }
}

module attributes {stable_mosaic.version = 14 : i64} {
  func.func @_mlp_tc(%arg0: i32, %arg1: memref<1x2000x128xf32, #tpu.memory_space<vmem>>, %arg2: memref<1x2000x128xf32, #tpu.memory_space<vmem>>, %arg3: memref<2000x128xf32, #tpu.memory_space<vmem>>, %arg4: memref<2000x1xf32, #tpu.memory_space<vmem>>, %arg5: memref<128x128xf32, #tpu.memory_space<vmem>>, %arg6: memref<1x128xf32, #tpu.memory_space<vmem>>, %arg7: memref<128x128xf32, #tpu.memory_space<vmem>>, %arg8: memref<1x128xf32, #tpu.memory_space<vmem>>, %arg9: memref<128x128xf32, #tpu.memory_space<vmem>>, %arg10: memref<1x128xf32, #tpu.memory_space<vmem>>, %arg11: memref<128x128xf32, #tpu.memory_space<vmem>>, %arg12: memref<2000x128xf32, #tpu.memory_space<vmem>>) attributes {dimension_semantics = [#tpu.dimension_semantics<arbitrary>], iteration_bounds = array<i64: 5>, scalar_prefetch = 0 : i64, scratch_operands = 0 : i64, tpu.core_type = #tpu.core_type<tc>, window_params = [{transform_indices = @transform_0, window_bounds = array<i64: 1, 2000, 128>}, {transform_indices = @transform_1, window_bounds = array<i64: 1, 2000, 128>}, {transform_indices = @transform_2, window_bounds = array<i64: 2000, 128>}, {transform_indices = @transform_3, window_bounds = array<i64: 2000, 1>}, {pipeline_mode = #tpu.pipeline_mode<synchronous>, transform_indices = @transform_4, window_bounds = array<i64: 128, 128>}, {pipeline_mode = #tpu.pipeline_mode<synchronous>, transform_indices = @transform_5, window_bounds = array<i64: 1, 128>}, {pipeline_mode = #tpu.pipeline_mode<synchronous>, transform_indices = @transform_6, window_bounds = array<i64: 128, 128>}, {pipeline_mode = #tpu.pipeline_mode<synchronous>, transform_indices = @transform_7, window_bounds = array<i64: 1, 128>}, {pipeline_mode = #tpu.pipeline_mode<synchronous>, transform_indices = @transform_8, window_bounds = array<i64: 128, 128>}, {pipeline_mode = #tpu.pipeline_mode<synchronous>, transform_indices = @transform_9, window_bounds = array<i64: 1, 128>}, {pipeline_mode = #tpu.pipeline_mode<synchronous>, transform_indices = @transform_10, window_bounds = array<i64: 128, 128>}, {transform_indices = @transform_11, window_bounds = array<i64: 2000, 128>}]} {
    %get3A = arith.constant 0 : index
    %get3A_0 = arith.constant 0 : index
    %get3A_1 = arith.constant 0 : index
    %get3A_2 = vector.load %arg1[%get3A, %get3A_0, %get3A_1] : memref<1x2000x128xf32, #tpu.memory_space<vmem>>, vector<1x2000x128xf32>
    %get3A_3 = vector.shape_cast %get3A_2 : vector<1x2000x128xf32> to vector<2000x128xf32>
    %get3A_4 = arith.constant 0 : index
    %get3A_5 = arith.constant 0 : index
    %get3A_6 = arith.constant 0 : index
    %get3A_7 = vector.load %arg2[%get3A_4, %get3A_5, %get3A_6] : memref<1x2000x128xf32, #tpu.memory_space<vmem>>, vector<1x2000x128xf32>
    %get3A_8 = vector.shape_cast %get3A_7 : vector<1x2000x128xf32> to vector<2000x128xf32>
    %add3A = arith.addf %get3A_3, %get3A_8 : vector<2000x128xf32>
    %get3A_9 = arith.constant 0 : index
    %get3A_10 = arith.constant 0 : index
    %get3A_11 = vector.load %arg3[%get3A_9, %get3A_10] : memref<2000x128xf32, #tpu.memory_space<vmem>>, vector<2000x128xf32>
    %add3A_12 = arith.addf %add3A, %get3A_11 : vector<2000x128xf32>
    %get3A_13 = arith.constant 0 : index
    %get3A_14 = arith.constant 0 : index
    %get3A_15 = vector.load %arg4[%get3A_13, %get3A_14] : memref<2000x1xf32, #tpu.memory_space<vmem>>, vector<2000x1xf32>
    %mul3A = vector.broadcast %get3A_15 : vector<2000x1xf32> to vector<2000x128xf32>
    %mul3A_16 = arith.mulf %add3A_12, %mul3A : vector<2000x128xf32>
    %get3A_17 = arith.constant 0 : index
    %get3A_18 = arith.constant 0 : index
    %get3A_19 = vector.load %arg5[%get3A_17, %get3A_18] : memref<128x128xf32, #tpu.memory_space<vmem>>, vector<128x128xf32>
    %dot_general3A = arith.constant dense<0.000000e+00> : vector<2000x128xf32>
    %dot_general3A_20 = tpu.matmul %mul3A_16, %get3A_19, %dot_general3A {dimension_numbers = #tpu.dot_dimension_numbers<[1], [0], [0], [1], [0, 0, 1, 1], [], []>, transpose_lhs_hint = false} : vector<2000x128xf32>, vector<128x128xf32>, vector<2000x128xf32> -> vector<2000x128xf32>
    %get3A_21 = arith.constant 0 : index
    %get3A_22 = arith.constant 0 : index
    %get3A_23 = vector.load %arg6[%get3A_21, %get3A_22] : memref<1x128xf32, #tpu.memory_space<vmem>>, vector<1x128xf32>
    %add3A_24 = vector.broadcast %get3A_23 : vector<1x128xf32> to vector<2000x128xf32>
    %add3A_25 = arith.addf %dot_general3A_20, %add3A_24 : vector<2000x128xf32>
    %get3A_26 = arith.constant 0 : index
    %get3A_27 = arith.constant 0 : index
    %get3A_28 = vector.load %arg7[%get3A_26, %get3A_27] : memref<128x128xf32, #tpu.memory_space<vmem>>, vector<128x128xf32>
    %dot_general3A_29 = arith.constant dense<0.000000e+00> : vector<2000x128xf32>
    %dot_general3A_30 = tpu.matmul %add3A_25, %get3A_28, %dot_general3A_29 {dimension_numbers = #tpu.dot_dimension_numbers<[1], [0], [0], [1], [0, 0, 1, 1], [], []>, transpose_lhs_hint = false} : vector<2000x128xf32>, vector<128x128xf32>, vector<2000x128xf32> -> vector<2000x128xf32>
    %get3A_31 = arith.constant 0 : index
    %get3A_32 = arith.constant 0 : index
    %get3A_33 = vector.load %arg8[%get3A_31, %get3A_32] : memref<1x128xf32, #tpu.memory_space<vmem>>, vector<1x128xf32>
    %add3A_34 = vector.broadcast %get3A_33 : vector<1x128xf32> to vector<2000x128xf32>
    %add3A_35 = arith.addf %dot_general3A_30, %add3A_34 : vector<2000x128xf32>
    %max3A = arith.constant 0.000000e+00 : f32
    %max3A_36 = vector.broadcast %max3A : f32 to vector<2000x128xf32>
    %max3A_37 = arith.maximumf %add3A_35, %max3A_36 : vector<2000x128xf32>
    %get3A_38 = arith.constant 0 : index
    %get3A_39 = arith.constant 0 : index
    %get3A_40 = vector.load %arg9[%get3A_38, %get3A_39] : memref<128x128xf32, #tpu.memory_space<vmem>>, vector<128x128xf32>
    %dot_general3A_41 = arith.constant dense<0.000000e+00> : vector<2000x128xf32>
    %dot_general3A_42 = tpu.matmul %max3A_37, %get3A_40, %dot_general3A_41 {dimension_numbers = #tpu.dot_dimension_numbers<[1], [0], [0], [1], [0, 0, 1, 1], [], []>, transpose_lhs_hint = false} : vector<2000x128xf32>, vector<128x128xf32>, vector<2000x128xf32> -> vector<2000x128xf32>
    %get3A_43 = arith.constant 0 : index
    %get3A_44 = arith.constant 0 : index
    %get3A_45 = vector.load %arg10[%get3A_43, %get3A_44] : memref<1x128xf32, #tpu.memory_space<vmem>>, vector<1x128xf32>
    %add3A_46 = vector.broadcast %get3A_45 : vector<1x128xf32> to vector<2000x128xf32>
    %add3A_47 = arith.addf %dot_general3A_42, %add3A_46 : vector<2000x128xf32>
    %max3A_48 = arith.constant 0.000000e+00 : f32
    %max3A_49 = vector.broadcast %max3A_48 : f32 to vector<2000x128xf32>
    %max3A_50 = arith.maximumf %add3A_47, %max3A_49 : vector<2000x128xf32>
    %get3A_51 = arith.constant 0 : index
    %get3A_52 = arith.constant 0 : index
    %get3A_53 = vector.load %arg11[%get3A_51, %get3A_52] : memref<128x128xf32, #tpu.memory_space<vmem>>, vector<128x128xf32>
    %dot_general3A_54 = arith.constant dense<0.000000e+00> : vector<2000x128xf32>
    %dot_general3A_55 = tpu.matmul %max3A_50, %get3A_53, %dot_general3A_54 {dimension_numbers = #tpu.dot_dimension_numbers<[1], [0], [0], [1], [0, 0, 1, 1], [], []>, transpose_lhs_hint = false} : vector<2000x128xf32>, vector<128x128xf32>, vector<2000x128xf32> -> vector<2000x128xf32>
    %iota3A = tpu.iota {dimensions = array<i32: 1>} : vector<2000x128xi32>
    %lt3A = arith.constant 40 : i32
    %lt3A_56 = vector.broadcast %lt3A : i32 to vector<2000x128xi32>
    %lt3A_57 = arith.cmpi slt, %iota3A, %lt3A_56 : vector<2000x128xi32>
    %jit3A = arith.constant -1.000000e+30 : f32
    %broadcast_in_dim3A = vector.broadcast %jit3A : f32 to vector<2000x128xf32>
    %select_n3A = arith.select %lt3A_57, %dot_general3A_55, %broadcast_in_dim3A : vector<2000x128xi1>, vector<2000x128xf32>
    %reduce_max3A = arith.constant dense<0xFF800000> : vector<2000xf32>
    %reduce_max3A_58 = vector.multi_reduction <maximumf>, %select_n3A, %reduce_max3A [1] : vector<2000x128xf32> to vector<2000xf32>
    %broadcast_in_dim3A_59 = vector.shape_cast %reduce_max3A_58 : vector<2000xf32> to vector<2000x1xf32>
    %sub3A = vector.broadcast %broadcast_in_dim3A_59 : vector<2000x1xf32> to vector<2000x128xf32>
    %sub3A_60 = arith.subf %select_n3A, %sub3A : vector<2000x128xf32>
    %exp3A = math.exp %sub3A_60 : vector<2000x128xf32>
    %reduce_sum3A = arith.constant dense<0.000000e+00> : vector<2000xf32>
    %reduce_sum3A_61 = vector.multi_reduction <add>, %exp3A, %reduce_sum3A [1] : vector<2000x128xf32> to vector<2000xf32>
    %broadcast_in_dim3A_62 = vector.shape_cast %reduce_sum3A_61 : vector<2000xf32> to vector<2000x1xf32>
    %log3A = math.log %broadcast_in_dim3A_62 : vector<2000x1xf32>
    %add3A_63 = arith.addf %log3A, %broadcast_in_dim3A_59 : vector<2000x1xf32>
    %sub3A_64 = vector.broadcast %add3A_63 : vector<2000x1xf32> to vector<2000x128xf32>
    %sub3A_65 = arith.subf %select_n3A, %sub3A_64 : vector<2000x128xf32>
    %swap3A = arith.constant 0 : index
    %swap3A_66 = arith.constant 0 : index
    %swap3A_67 = vector.load %arg12[%swap3A, %swap3A_66] : memref<2000x128xf32, #tpu.memory_space<vmem>>, vector<2000x128xf32>
    tpu.vector_store %arg12[%swap3A, %swap3A_66], %sub3A_65 {strides = array<i32>} : memref<2000x128xf32, #tpu.memory_space<vmem>>, vector<2000x128xf32>,
    return
  }
  func.func @transform_0(%arg0: i32) -> (i32, i32, i32) {
    %c0_i32 = arith.constant 0 : i32
    %c0_i32_0 = arith.constant 0 : i32
    %c0_i32_1 = arith.constant 0 : i32
    return %c0_i32, %arg0, %c0_i32_0 : i32, i32, i32
  }
  func.func @transform_1(%arg0: i32) -> (i32, i32, i32) {
    %c1_i32 = arith.constant 1 : i32
    %c0_i32 = arith.constant 0 : i32
    %c0_i32_0 = arith.constant 0 : i32
    return %c1_i32, %arg0, %c0_i32 : i32, i32, i32
  }
  func.func @transform_2(%arg0: i32) -> (i32, i32) {
    %c0_i32 = arith.constant 0 : i32
    %c0_i32_0 = arith.constant 0 : i32
    return %arg0, %c0_i32 : i32, i32
  }
  func.func @transform_3(%arg0: i32) -> (i32, i32) {
    %c0_i32 = arith.constant 0 : i32
    %c0_i32_0 = arith.constant 0 : i32
    return %arg0, %c0_i32 : i32, i32
  }
  func.func @transform_4(%arg0: i32) -> (i32, i32) {
    %c0_i32 = arith.constant 0 : i32
    %c0_i32_0 = arith.constant 0 : i32
    %c0_i32_1 = arith.constant 0 : i32
    return %c0_i32, %c0_i32_0 : i32, i32
  }
  func.func @transform_5(%arg0: i32) -> (i32, i32) {
    %c0_i32 = arith.constant 0 : i32
    %c0_i32_0 = arith.constant 0 : i32
    %c0_i32_1 = arith.constant 0 : i32
    return %c0_i32, %c0_i32_0 : i32, i32
  }
  func.func @transform_6(%arg0: i32) -> (i32, i32) {
    %c0_i32 = arith.constant 0 : i32
    %c0_i32_0 = arith.constant 0 : i32
    %c0_i32_1 = arith.constant 0 : i32
    return %c0_i32, %c0_i32_0 : i32, i32
  }
  func.func @transform_7(%arg0: i32) -> (i32, i32) {
    %c0_i32 = arith.constant 0 : i32
    %c0_i32_0 = arith.constant 0 : i32
    %c0_i32_1 = arith.constant 0 : i32
    return %c0_i32, %c0_i32_0 : i32, i32
  }
  func.func @transform_8(%arg0: i32) -> (i32, i32) {
    %c0_i32 = arith.constant 0 : i32
    %c0_i32_0 = arith.constant 0 : i32
    %c0_i32_1 = arith.constant 0 : i32
    return %c0_i32, %c0_i32_0 : i32, i32
  }
  func.func @transform_9(%arg0: i32) -> (i32, i32) {
    %c0_i32 = arith.constant 0 : i32
    %c0_i32_0 = arith.constant 0 : i32
    %c0_i32_1 = arith.constant 0 : i32
    return %c0_i32, %c0_i32_0 : i32, i32
  }
  func.func @transform_10(%arg0: i32) -> (i32, i32) {
    %c0_i32 = arith.constant 0 : i32
    %c0_i32_0 = arith.constant 0 : i32
    %c0_i32_1 = arith.constant 0 : i32
    return %c0_i32, %c0_i32_0 : i32, i32
  }
  func.func @transform_11(%arg0: i32) -> (i32, i32) {
    %c0_i32 = arith.constant 0 : i32
    %c0_i32_0 = arith.constant 0 : i32
    return %arg0, %c0_i32 : i32, i32
  }
}

</mosaic_0001>

<sc_bundles>
// kernel: kernel.12.cloned.1.call-start
scs
__scs_entry_jumppad:
0x0: {  	(pc) =	sbr.rel $0x88, $3  }
0x1: {  	(tag) =	ssettag $0x0;
	lr =	simm.s32 $0x1  }
0x2: {  	[smem:$0x3F98] =	sst lr;
	_ =	strace $0xD0000000  }
0x3: {  	_ = 	snop  }
0x4: {  	_ = 	snop  }
0x5: {  	_ = 	snop  }
0x6: {  	_ = 	snop  }
0x7: {  	_ = 	snop  }
__scs_overlays_trampoline_lowered:
0x8: {  	[smem:$0x3FA7] =	sst s0  }
0x9: {  	[smem:$0x3FA8] =	sst s1  }
0xa: {  	[smem:$0x3FA9] =	sst s2  }
0xb: {  	[smem:$0x3FAA] =	sst s3  }
0xc: {  	[smem:$0x3FAB] =	sst s4  }
0xd: {  	[smem:$0x3FAC] =	sst s5  }
0xe: {  	[smem:$0x3FAD] =	sst s6  }
0xf: {  	[smem:$0x3FAE] =	sst s7  }
0x10: {  	[smem:$0x3FAF] =	sst s8  }
0x11: {  	[smem:$0x3FB0] =	sst s9;
	s0 =	simm.s32 @!p0 $0x0  }
0x12: {  	s1 =	sld [smem:$0x3F96];
	s0 =	simm.s32 @p0 $0x1  }
0x13: {  	[smem:$0x3FB1] =	sst s0;
	s0 =	simm.s32 @!p1 $0x0  }
0x14: {  	s2 =	sld [smem:$0x3F95];
	s0 =	simm.s32 @p1 $0x1  }
0x15: {  	[smem:$0x3FB2] =	sst s0;
	s0 =	simm.s32 @!p2 $0x0  }
0x16: {  	s3 =	sld [smem:$0x3FDB];
	s0 =	simm.s32 @p2 $0x1  }
0x17: {  	s4 =	simm.s32 $0x1BF5;
	[smem:$0x3FB4] =	sst s0  }
0x18: {  	s0 =	sld [smem:$0x3F97];
	_ =	swait.ge [sflag:s4], $0x0  }
0x19: {  	s7 =	sld [smem:$0x3F98]  }
0x1a: {  	s8 =	sadd.s32 $0xFFFFE003, lr  }
0x1b: {  	s9 =	sadd.s32 $0xFFFFFEF7, lr;
	s5 =	simm.s32 $0xFFFFFFFF;
	p2 =	slt.u32 s8, $0xFFFFF086  }
0x1c: {  	p1 =	slt.u32 s9, $0xF7A;
	s5 =	simm.s32 @!p2 $0x0  }
0x1d: {  	s5 =	simm.s32 @p1 $0x1;
	p0 =	seq.s32 s7, s2  }
0x1e: {  	s7 =	smul.u32 @!p0 $0xF7A, s2;
	p2 =	seq.s32 @!p0 s5, $0x0  }
0x1f: {  	s9 =	smul.u32 $0xF7A, s1;
	s8 =	simm.s32 @!p0 $0x1BF5;
	p2 =	por !p2, p0  }
0x20: {  	[sflag:s8] =	ssyncset.s32 @!p0 $0xFFFFF086;
	s6 =	sadd.s32 @!p0 s3, s7;
	s7 =	simm.s32 @!p0 $0x108  }
0x21: {  	s3 =	sadd.s32 s3, s9;
	s6 =	sadd.s32 @!p0 $0x88, s6;
	s7 =	simm.s32 @p2 $0x1082  }
0x22: {  	[simem:s7], [sflag:s8] =	dma.local @!p0 [hbm:s6], $0xF7A  }
0x23: {  	s9 =	sor.u32 $0xD0000000, s2;
	s6 =	simm.s32 $0x108;
	_ =	swait.ge @!p0 [sflag:s8], $0x0  }
0x24: {  	s3 =	sadd.s32 $0x88, s3;
	s6 =	simm.s32 @!p1 $0x1082;
	[sflag:s4] =	ssyncset.s32 $0xFFFFF086  }
0x25: {  	[simem:s6], [sflag:s4] =	dma.local [hbm:s3], $0xF7A  }
0x26: {  	[smem:$0x3F98] =	sst s1;
	(tag) =	ssettag s2;
	_ =	strace s9  }
0x27: {  	s1 =	sld [smem:$0x3FA8]  }
0x28: {  	s2 =	sld [smem:$0x3FA9]  }
0x29: {  	s4 =	sld [smem:$0x3FAB]  }
0x2a: {  	p0 =	seq.s32 s5, $0x0;
	s5 =	sld [smem:$0x3FAC]  }
0x2b: {  	s6 =	sld [smem:$0x3FAD]  }
0x2c: {  	s7 =	sld [smem:$0x3FAE]  }
0x2d: {  	s3 =	simm.s32 $0x108;
	s8 =	sld [smem:$0x3FAF]  }
0x2e: {  	s3 =	simm.s32 @!p0 $0x1082;
	s9 =	sld [smem:$0x3FB0]  }
0x2f: {  	lr =	sadd.s32 s0, s3;
	s0 =	sld [smem:$0x3FA7]  }
0x30: {  	s3 =	sld [smem:$0x3FAA]  }
0x31: {  	[smem:$0x3FB3] =	sst s10  }
0x32: {  	s10 =	sld [smem:$0x3FB1];
	_ =	sdelay $0x3  }
0x33: {  	p0 =	seq.s32 s10, $0x1;
	s10 =	sld [smem:$0x3FB3];
	_ =	sdelay $0x3  }
0x34: {  	[smem:$0x3FB3] =	sst s10  }
0x35: {  	s10 =	sld [smem:$0x3FB2];
	_ =	sdelay $0x3  }
0x36: {  	p1 =	seq.s32 s10, $0x1;
	s10 =	sld [smem:$0x3FB3];
	_ =	sdelay $0x3  }
0x37: {  	[smem:$0x3FB3] =	sst s10  }
0x38: {  	s10 =	sld [smem:$0x3FB4]  }
0x39: {  	_ = 	snop;
	(pc) =	sbr.ind lr, $3  }
0x3a: {  	_ = 	snop  }
0x3b: {  	_ = 	snop  }
0x3c: {  	p2 =	seq.s32 s10, $0x1;
	s10 =	sld [smem:$0x3FB3]  }
0x3d: {  	_ =	shalt  }
0x3e: {  	_ =	shalt  }
0x3f: {  	_ =	shalt  }
0x40: {  	_ =	shalt  }
0x41: {  	_ =	shalt  }
0x42: {  	_ =	shalt  }
0x43: {  	_ =	shalt  }
0x44: {  	_ =	shalt  }
0x45: {  	_ =	shalt  }
0x46: {  	_ =	shalt  }
0x47: {  	_ =	shalt  }
0x48: {  	_ =	shalt  }
0x49: {  	_ =	shalt  }
0x4a: {  	_ =	shalt  }
0x4b: {  	_ =	shalt  }
0x4c: {  	_ =	shalt  }
0x4d: {  	_ =	shalt  }
0x4e: {  	_ =	shalt  }
0x4f: {  	_ =	shalt  }
0x50: {  	_ =	shalt  }
0x51: {  	_ =	shalt  }
0x52: {  	_ =	shalt  }
0x53: {  	_ =	shalt  }
0x54: {  	_ =	shalt  }
0x55: {  	_ =	shalt  }
0x56: {  	_ =	shalt  }
0x57: {  	_ =	shalt  }
0x58: {  	_ =	shalt  }
0x59: {  	_ =	shalt  }
0x5a: {  	_ =	shalt  }
0x5b: {  	_ =	shalt  }
0x5c: {  	_ =	shalt  }
0x5d: {  	_ =	shalt  }
0x5e: {  	_ =	shalt  }
0x5f: {  	_ =	shalt  }
0x60: {  	_ =	shalt  }
0x61: {  	_ =	shalt  }
0x62: {  	_ =	shalt  }
0x63: {  	_ =	shalt  }
0x64: {  	_ =	shalt  }
0x65: {  	_ =	shalt  }
0x66: {  	_ =	shalt  }
0x67: {  	_ =	shalt  }
0x68: {  	_ =	shalt  }
0x69: {  	_ =	shalt  }
0x6a: {  	_ =	shalt  }
0x6b: {  	_ =	shalt  }
0x6c: {  	_ =	shalt  }
0x6d: {  	_ =	shalt  }
0x6e: {  	_ =	shalt  }
0x6f: {  	_ =	shalt  }
0x70: {  	_ =	shalt  }
0x71: {  	_ =	shalt  }
0x72: {  	_ =	shalt  }
0x73: {  	_ =	shalt  }
0x74: {  	_ =	shalt  }
0x75: {  	_ =	shalt  }
0x76: {  	_ =	shalt  }
0x77: {  	_ =	shalt  }
0x78: {  	_ =	shalt  }
0x79: {  	_ =	shalt  }
0x7a: {  	_ =	shalt  }
0x7b: {  	_ =	shalt  }
0x7c: {  	_ =	shalt  }
0x7d: {  	_ =	shalt  }
0x7e: {  	_ =	shalt  }
0x7f: {  	_ =	shalt  }
0x80: {  	_ =	shalt  }
0x81: {  	_ =	shalt  }
0x82: {  	_ =	shalt  }
0x83: {  	_ =	shalt  }
0x84: {  	_ =	shalt  }
0x85: {  	_ =	shalt  }
0x86: {  	_ =	shalt  }
0x87: {  	_ =	shalt  }
.Lfunc_end0:
.L_simem_size_0:
called_computation_lowered:
.L_overlay_start_0:
0x88: {  	s2 =	sld [smem:$0x3FD9]  }
0x89: {  	s3 =	sld [smem:$0x3FFE];
	_ =	sdelay $0x1  }
0x8a: {  	s1 =	srdreg.scid  }
0x8b: {  	s0 =	sand.u32 $0x1, s1  }
0x8c: {  	s17 =	sshll.u32 s0, $0xA;
	s2 =	sadd.s32 s3, s2  }
0x8d: {  	s2 =	sadd.s32 s2, s17  }
0x8e: {  	[smem:$0x3FBF] =	sst s2  }
0x8f: {  	_ = 	snop  }
0x90: {  	s2 =	sld [smem:$0x3FD0];
	(tm) =	ssettm $0x1  }
0x91: {  	s18 =	sld [smem:$0x3FFB];
	_ =	sdelay $0x3  }
0x92: {  	_ =	strace s18  }
0x93: {  	s3 =	sld [smem:$0x3FFC];
	_ =	sdelay $0x3  }
0x94: {  	_ =	strace s3  }
0x95: {  	s3 =	sld [smem:$0x3FFD];
	_ =	sdelay $0x3  }
0x96: {  	_ =	strace s3  }
0x97: {  	_ =	strace $0x8FFFFFFF  }
0x98: {  	s19 =	sld [smem:$0x3FDB];
	_ =	sdelay $0x1  }
0x99: {  	s4 =	simm.s32 $_scs_section_size  }
0x9a: {  	s5 =	simm.s32 $_size__tile_overlayer_lowered;
	s6 =	simm.s32 $_tile_overlayer_lowered  }
0x9b: {  	s22 =	simm.s32 $0x1BFF;
	s21 =	sshll.u32 s6, $0x1;
	s3 =	sadd.s32 s4, s19  }
0x9c: {  	s7 =	simm.s32 $0x0;
	s20 =	sshll.u32 s5, $0x1;
	s5 =	sadd.s32 s21, s3  }
0x9d: {  	[timem:s7], [sflag:s22] =	dma.local [hbm:s5], s20  }
0x9e: {  	_ =	swait.ge [sflag:s22], s20  }
0x9f: {  	s4 =	ssub.s32 $0x0, s20;
	[sflag:s22] =	ssyncset.done $0x0  }
0xa0: {  	[sflag:s22] =	ssyncadd.s32 s4;
	_ =	sdelay $0x1  }
0xa1: {  	s23 =	simm.s32 $0x1B8B  }
0xa2: {  	_ =	swait.ge [sflag:s23], $0x1  }
0xa3: {  	[sflag:s23] =	ssyncset.done $0x0  }
0xa4: {  	s25 =	simm.s32 $0x1B8E;
	s24 =	sld [smem:$0x3FFE];
	[sflag:s23] =	ssyncadd.s32 $0xFFFFFFFF  }
0xa5: {  	s26 =	simm.s32 $execute0_lowered;
	[smem:$0x3FD2] =	sst s25  }
0xa6: {  	s5 =	sshll.u32 s26, $0x1;
	_ =	strace $0x80000046;
	[dreg:$0x1] =	wrdreg $0xFFFFFFFF  }
0xa7: {  	s28 =	simm.s32 $_size_execute0_lowered;
	s3 =	sadd.s32 s3, s5;
	[dreg:$0x0] =	wrdreg $0x0  }
0xa8: {  	s5 =	sshll.u32 s28, $0x1;
	[dreg:$0x2] =	wrdreg s3  }
0xa9: {  	[dreg:$0x3] =	wrdreg s5  }
0xaa: {  	[dreg:$0x4] =	wrdreg $0xC0  }
0xab: {  	_ =	task [dreg:s7], $0x5FFFF  }
0xac: {  	[dreg:$0x1] =	wrdreg $0xFFFFFFFF  }
0xad: {  	[dreg:$0x0] =	wrdreg $0x60  }
0xae: {  	[dreg:$0x2] =	wrdreg s2  }
0xaf: {  	[dreg:$0x3] =	wrdreg s24  }
0xb0: {  	[dreg:$0x4] =	wrdreg $0x51000  }
0xb1: {  	[dreg:$0x5] =	wrdreg $0x9  }
0xb2: {  	_ =	task.clear_ibuf [dreg:s7], $0x6FFFF;
	_ =	strace $0x90000046  }
0xb3: {  	s29 =	simm.s32 $0x9;
	_ =	strace $0x80000048  }
0xb4: {  	_ =	swait.ge [sflag:s29], $0x1  }
0xb5: {  	[sflag:s29] =	ssyncadd.s32 $0xFFFFFFFF  }
0xb6: {  	_ =	strace $0x90000048  }
0xb7: {  	_ =	sfence  }
0xb8: {  	s30 =	sld [smem:$0x0];
	_ =	sdelay $0x2  }
0xb9: {  	s31 =	sshll.u32 s1, $0xD;
	s1 =	sshrl.u32 s1, $0x2  }
0xba: {  	s3 =	sand.u32 $0x4000, s31;
	s1 =	sadd.s32 s1, s30  }
0xbb: {  	s0 =	sor.u32 s3, s0;
	s1 =	sshll.u32 s1, $0x11  }
0xbc: {  	s0 =	sor.u32 s1, s0  }
0xbd: {  	s0 =	sadd.s32 $0x8F2B, s0  }
0xbe: {  	[sflag:s0] =	ssyncadd.remote.s32 $0x1  }
0xbf: {  	_ =	sfence.sel $0xFFFF  }
0xc0: {  	[dreg:$0x0] =	wrdreg $0xFFFFFFFF;
	(pc) =	sbr.abs _section_cstart, $3  }
0xc1: {  	[dreg:$0x1] =	wrdreg $0xFFFFFFFF  }
0xc2: {  	_ =	task.clear_ibuf [dreg:s7], $0x2FFFF;
	_ =	strace $0x9FFFFFFF  }
0xc3: {  	(tm) =	ssettm $0x7FFFFFFF  }
tec
execute0_lowered:
.L_overlay_start_1:
0x0: {  	(tag) =	ssettag $0x1  }
0x1: {  	s1 =	rddreg [dreg:$0x0]  }
0x2: {  	s0 =	srdreg.scid;
	s4 =	rddreg [dreg:$0x1]  }
0x3: {  	s2 =	rddreg [dreg:$0x2];
	s3 =	simm.s32 $0x0;
	s20 =	simm.s32 $0x100  }
0x4: {  	s21 =	simm.s32 $0x5;
	s22 =	simm.s32 $0x80;
	s11 =	sand.u32 $0x1, s0  }
0x5: {  	s23 =	simm.s32 $0x1;
	s0 =	stileid.u32;
	s5 =	smul.u32 $0x140000, s11  }
0x6: {  	s24 =	simm.s32 $0x50;
	s28 =	simm.s32 $0x3;
	s6 =	smul.u32 $0x14000, s0  }
0x7: {  	s29 =	simm.s32 $0x4;
	s30 =	simm.s32 $0x0;
	s9 =	smul.u32 $0x50000, s0  }
0x8: {  	[smem:$0x7FF] =	sst s3;
	s7 =	sshll.u32 s0, $0x1;
	s16 =	smul.u32 $0x4E20, s0  }
0x9: {  	_ =	strace $0x80000047;
	s26 =	ssub.s32 $0x2, s11;
	s17 =	smul.u32 $0x2710, s11  }
0xa: {  	s7 =	sor.u32 s11, s7;
	s8 =	sshrl.u32 s26, $0x1;
	s5 =	sadd.s32 s6, s5  }
0xb: {  	s25 =	smul.u32 $0x2710, s7;
	s8 =	ssub.s32 s26, s8;
	s31 =	sshrl.u32 s9, $0x2  }
0xc: {  	s17 =	sadd.s32 s17, s16;
	s26 =	simm.s32 $0x2;
	s5 =	sshrl.u32 s5, $0x3  }
0xd: {  	s7 =	sadd.s32 s31, s2;
	s8 =	smax.u32 s8, $0x1;
	s18 =	sadd.s32 $0x140, s17  }
0xe: {  	s19 =	sadd.s32 $0xF0, s17;
	s6 =	sshrl.u32 s25, $0x3;
	s10 =	sadd.s32 s5, s4  }
0xf: {  	s9 =	sadd.s32 $0x2800, s7;
	s11 =	sadd.s32 $0x7800, s7;
	s12 =	sadd.s32 $0xA000, s7  }
.Ltmp0:
0x10: {  	s13 =	sadd.s32 $0xC800, s7;
	s14 =	sadd.s32 $0xF000, s7;
	(pc) =	sbr.rel .LBB2_1-.Ltmp0, $4  }
0x11: {  	s15 =	sadd.s32 $0x11800, s7;
	s18 =	sshrl.u32 s18, $0x3;
	s19 =	sshrl.u32 s19, $0x3  }
0x12: {  	s25 =	simm.s32 $0x2900;
	s4 =	sadd.s32 s1, s6;
	s6 =	sadd.s32 $0x2E00, s10  }
0x13: {  	s10 =	sadd.s32 $0x5000, s7;
	s18 =	sadd.s32 s18, s1;
	s19 =	sadd.s32 s19, s1  }
0x14: {  	v0 =	vimm.f32 $0.0e+00;
	v1 =	vimm.f32 $1.000000000e+00;
	s5 =	sadd.s32 $0x4D8, s4;
	s16 =	sadd.s32 $0xA, s4;
	s17 =	sadd.s32 $0x14, s4  }
.LBB2_8:
0x15: {  	[spmem:s2] =	stream.indirect.scatter.add.f32 [tilespmem:s25], [sflag:$0x4], $0x80, s22, s24, $0xb8;
	[tilespmem:$0x19100] =	vst v63  }
0x16: {  	_ =	swait.ge [sflag:s28], $0x2800  }
0x17: {  	[sflag:s28] =	ssyncset.done $0x0  }
0x18: {  	[sflag:s28] =	ssyncadd.s32 $0xFFFFD800  }
0x19: {  	[tilespmem:s3], [sflag:$0x1] =	stream.linear.gather [hbm4b:s5+s3], $0x50, $0x38;
	[tilespmem:$0x19100] =	vst v63  }
0x1a: {  	_ =	swait.ge [sflag:s23], $0x50  }
0x1b: {  	[sflag:s23] =	ssyncset.done $0x0  }
0x1c: {  	[sflag:s23] =	ssyncadd.s32 $0xFFFFFFB0  }
0x1d: {  	[spmem:s2] =	stream.indirect.scatter.add.f32 [tilespmem:s25], [sflag:$0x3], $0x80, s3, s24, $0xb8;
	[tilespmem:$0x19100] =	vst v63  }
0x1e: {  	_ =	swait.ge [sflag:s28], $0x2800  }
0x1f: {  	[sflag:s28] =	ssyncset.done $0x0  }
0x20: {  	[sflag:s28] =	ssyncadd.s32 $0xFFFFD800  }
0x21: {  	_ =	swait.ge [sflag:s29], $0x2800  }
0x22: {  	s1 =	sshll.u32 s0, $0x6;
	s30 =	sadd.s32 $0x1, s30;
	[sflag:s29] =	ssyncset.done $0x0  }
0x23: {  	s31 =	sshrl.u32 s7, $0x3;
	p0 =	sne.s32 s30, s8;
	[sflag:s29] =	ssyncadd.s32 $0xFFFFD800  }
.Ltmp1:
0x24: {  	s1 =	sor.u32 $0x1C05, s1;
	[bflag:$0x0] =	sbarrier.arrive $0xFFFF;
	(pc) =	sbr.rel @!p0 .LBB2_9-.Ltmp1, $4  }
0x25: {  	[hbm:s6], [sflag:s1] =	dma.local [spmem:s31], $0x2800  }
0x26: {  	_ =	swait.ge [sflag:s21], $0x2800  }
0x27: {  	[sflag:s21] =	ssyncset.done $0x0  }
0x28: {  	[sflag:s21] =	ssyncadd.s32 $0xFFFFD800  }
.LBB2_1:
0x29: {  	s31 =	simm.s32 $0x0;
	s1 =	simm.s32 $0x200  }
.LBB2_2:
0x2a: {  	p0 =	sne.s32 s1, $0x9E00;
	[tilespmem:s31+$0x170] =	vst v0  }
0x2b: {  	[tilespmem:s31+$0x100] =	vst v0  }
0x2c: {  	[tilespmem:s31+$0x110] =	vst v0  }
.Ltmp2:
0x2d: {  	[tilespmem:s31+$0x120] =	vst v0;
	(pc) =	sbr.rel @p0 .LBB2_2-.Ltmp2, $4  }
0x2e: {  	[tilespmem:s31+$0x130] =	vst v0  }
0x2f: {  	[tilespmem:s31+$0x140] =	vst v0  }
0x30: {  	[tilespmem:s31+$0x150] =	vst v0  }
0x31: {  	[tilespmem:s31+$0x160] =	vst v0;
	s31 =	sshra.s32 s1, $0x2;
	s1 =	sadd.s32 $0x200, s1  }
0x32: {  	[tilespmem:s31+$0x170] =	vst v0  }
0x33: {  	[tilespmem:s31+$0x100] =	vst v0  }
0x34: {  	[tilespmem:s31+$0x110] =	vst v0  }
0x35: {  	[tilespmem:s31+$0x120] =	vst v0  }
0x36: {  	[tilespmem:s31+$0x130] =	vst v0  }
0x37: {  	[tilespmem:s31+$0x140] =	vst v0  }
0x38: {  	[tilespmem:s31+$0x150] =	vst v0  }
0x39: {  	[tilespmem:s31+$0x160] =	vst v0;
	s31 =	simm.s32 $0x0;
	s1 =	simm.s32 $0x200  }
.LBB2_4:
0x3a: {  	p0 =	sne.s32 s1, $0x9E00;
	[tilespmem:s31+$0x2970] =	vst v1  }
0x3b: {  	[tilespmem:s31+$0x2900] =	vst v1  }
0x3c: {  	[tilespmem:s31+$0x2910] =	vst v1  }
.Ltmp3:
0x3d: {  	[tilespmem:s31+$0x2920] =	vst v1;
	(pc) =	sbr.rel @p0 .LBB2_4-.Ltmp3, $4  }
0x3e: {  	[tilespmem:s31+$0x2930] =	vst v1  }
0x3f: {  	[tilespmem:s31+$0x2940] =	vst v1  }
0x40: {  	[tilespmem:s31+$0x2950] =	vst v1  }
0x41: {  	[tilespmem:s31+$0x2960] =	vst v1;
	s31 =	sshra.s32 s1, $0x2;
	s1 =	sadd.s32 $0x200, s1  }
0x42: {  	[tilespmem:s31+$0x2970] =	vst v1  }
0x43: {  	[tilespmem:s31+$0x2900] =	vst v1  }
0x44: {  	[tilespmem:s31+$0x2910] =	vst v1  }
0x45: {  	[tilespmem:s31+$0x2920] =	vst v1  }
0x46: {  	[tilespmem:s31+$0x2930] =	vst v1  }
0x47: {  	[tilespmem:s31+$0x2940] =	vst v1  }
0x48: {  	[tilespmem:s31+$0x2950] =	vst v1  }
0x49: {  	[tilespmem:s31+$0x2960] =	vst v1  }
0x4a: {  	[spmem:s7] =	stream.linear.scatter [tilespmem:s20], [sflag:$0x5], $0x2800, $0x38;
	[tilespmem:$0x19100] =	vst v63  }
0x4b: {  	_ =	swait.ge [sflag:s21], $0x2800  }
0x4c: {  	[sflag:s21] =	ssyncset.done $0x0  }
0x4d: {  	[sflag:s21] =	ssyncadd.s32 $0xFFFFD800  }
0x4e: {  	[spmem:s9] =	stream.linear.scatter [tilespmem:s20], [sflag:$0x5], $0x2800, $0x38;
	[tilespmem:$0x19100] =	vst v63  }
0x4f: {  	_ =	swait.ge [sflag:s21], $0x2800  }
0x50: {  	[sflag:s21] =	ssyncset.done $0x0  }
0x51: {  	[sflag:s21] =	ssyncadd.s32 $0xFFFFD800  }
0x52: {  	[spmem:s10] =	stream.linear.scatter [tilespmem:s20], [sflag:$0x5], $0x2800, $0x38;
	[tilespmem:$0x19100] =	vst v63  }
0x53: {  	_ =	swait.ge [sflag:s21], $0x2800  }
0x54: {  	[sflag:s21] =	ssyncset.done $0x0  }
0x55: {  	[sflag:s21] =	ssyncadd.s32 $0xFFFFD800  }
0x56: {  	[spmem:s11] =	stream.linear.scatter [tilespmem:s20], [sflag:$0x5], $0x2800, $0x38;
	[tilespmem:$0x19100] =	vst v63  }
0x57: {  	_ =	swait.ge [sflag:s21], $0x2800  }
0x58: {  	[sflag:s21] =	ssyncset.done $0x0  }
0x59: {  	[sflag:s21] =	ssyncadd.s32 $0xFFFFD800  }
0x5a: {  	[spmem:s12] =	stream.linear.scatter [tilespmem:s20], [sflag:$0x5], $0x2800, $0x38;
	[tilespmem:$0x19100] =	vst v63  }
0x5b: {  	_ =	swait.ge [sflag:s21], $0x2800  }
0x5c: {  	[sflag:s21] =	ssyncset.done $0x0  }
0x5d: {  	[sflag:s21] =	ssyncadd.s32 $0xFFFFD800  }
0x5e: {  	[spmem:s13] =	stream.linear.scatter [tilespmem:s20], [sflag:$0x5], $0x2800, $0x38;
	[tilespmem:$0x19100] =	vst v63  }
0x5f: {  	_ =	swait.ge [sflag:s21], $0x2800  }
0x60: {  	[sflag:s21] =	ssyncset.done $0x0  }
0x61: {  	[sflag:s21] =	ssyncadd.s32 $0xFFFFD800  }
0x62: {  	[spmem:s14] =	stream.linear.scatter [tilespmem:s20], [sflag:$0x5], $0x2800, $0x38;
	[tilespmem:$0x19100] =	vst v63  }
0x63: {  	_ =	swait.ge [sflag:s21], $0x2800  }
0x64: {  	[sflag:s21] =	ssyncset.done $0x0  }
0x65: {  	[sflag:s21] =	ssyncadd.s32 $0xFFFFD800  }
0x66: {  	[spmem:s15] =	stream.linear.scatter [tilespmem:s20], [sflag:$0x5], $0x2800, $0x38;
	[tilespmem:$0x19100] =	vst v63  }
0x67: {  	_ =	swait.ge [sflag:s21], $0x2800  }
0x68: {  	[sflag:s21] =	ssyncset.done $0x0  }
0x69: {  	[sflag:s21] =	ssyncadd.s32 $0xFFFFD800  }
0x6a: {  	s31 =	simm.s32 $0x0;
	[bflag:$0x0] =	sbarrier.arrive $0xFFFF  }
0x6b: {  	[tilespmem:s31], [sflag:$0x1] =	stream.linear.gather [hbm4b:s4+s31], $0x50, $0x38;
	[tilespmem:$0x19100] =	vst v63  }
0x6c: {  	_ = 	snop  }
0x6d: {  	[tilespmem:s22], [sflag:$0x2] =	stream.linear.gather [hbm4b:s16+s31], $0x50, $0x38;
	[tilespmem:$0x19100] =	vst v63  }
0x6e: {  	_ =	swait.ge [sflag:s23], $0x50  }
0x6f: {  	[sflag:s23] =	ssyncset.done $0x0  }
0x70: {  	[sflag:s23] =	ssyncadd.s32 $0xFFFFFFB0  }
0x71: {  	[spmem:s2] =	stream.indirect.scatter.add.f32 [tilespmem:s25], [sflag:$0x3], $0x80, s31, s24, $0xb8;
	[tilespmem:$0x19100] =	vst v63  }
0x72: {  	_ =	swait.ge [sflag:s26], $0x50  }
0x73: {  	[sflag:s26] =	ssyncset.done $0x0  }
0x74: {  	[sflag:s26] =	ssyncadd.s32 $0xFFFFFFB0  }
0x75: {  	_ =	swait.ge [sflag:s28], $0x2800  }
0x76: {  	[sflag:s28] =	ssyncset.done $0x0  }
0x77: {  	[sflag:s28] =	ssyncadd.s32 $0xFFFFD800  }
0x78: {  	[tilespmem:s31], [sflag:$0x1] =	stream.linear.gather [hbm4b:s17+s31], $0x50, $0x38;
	[tilespmem:$0x19100] =	vst v63  }
0x79: {  	_ = 	snop  }
0x7a: {  	[spmem:s2] =	stream.indirect.scatter.add.f32 [tilespmem:s25], [sflag:$0x4], $0x80, s22, s24, $0xb8;
	[tilespmem:$0x19100] =	vst v63  }
.LBB2_6:
0x7b: {  	_ =	swait.ge [sflag:s29], $0x2800  }
0x7c: {  	[sflag:s29] =	ssyncset.done $0x0  }
0x7d: {  	s1 =	sadd.s32 s31, s19;
	[sflag:s29] =	ssyncadd.s32 $0xFFFFD800  }
0x7e: {  	[tilespmem:s22], [sflag:$0x2] =	stream.linear.gather [hbm4b:s1+s3], $0x50, $0x38;
	[tilespmem:$0x19100] =	vst v63  }
0x7f: {  	_ =	swait.ge [sflag:s23], $0x50  }
0x80: {  	p0 =	seq.s32 s31, $0x4B0;
	[sflag:s23] =	ssyncset.done $0x0  }
.Ltmp4:
0x81: {  	[sflag:s23] =	ssyncadd.s32 $0xFFFFFFB0;
	(pc) =	sbr.rel @p0 .LBB2_8-.Ltmp4, $4  }
0x82: {  	[spmem:s2] =	stream.indirect.scatter.add.f32 [tilespmem:s25], [sflag:$0x3], $0x80, s3, s24, $0xb8;
	[tilespmem:$0x19100] =	vst v63  }
0x83: {  	_ =	swait.ge [sflag:s26], $0x50  }
0x84: {  	[sflag:s26] =	ssyncset.done $0x0  }
0x85: {  	[sflag:s26] =	ssyncadd.s32 $0xFFFFFFB0  }
0x86: {  	_ =	swait.ge [sflag:s28], $0x2800  }
.Ltmp5:
0x87: {  	[sflag:s28] =	ssyncset.done $0x0;
	(pc) =	sbr.rel .LBB2_6-.Ltmp5, $4  }
0x88: {  	s1 =	sadd.s32 s31, s18;
	[sflag:s28] =	ssyncadd.s32 $0xFFFFD800  }
0x89: {  	[tilespmem:s3], [sflag:$0x1] =	stream.linear.gather [hbm4b:s1+s3], $0x50, $0x38;
	[tilespmem:$0x19100] =	vst v63  }
0x8a: {  	s31 =	sadd.s32 $0x14, s31  }
0x8b: {  	[spmem:s2] =	stream.indirect.scatter.add.f32 [tilespmem:s25], [sflag:$0x4], $0x80, s22, s24, $0xb8;
	[tilespmem:$0x19100] =	vst v63  }
.LBB2_9:
0x8c: {  	_ =	sfence.sel $0x180000  }
0x8d: {  	[bflag:$0x0] =	sbarrier.arrive $0xFFFF  }
0x8e: {  	_ =	strace $0x90000047  }
0x8f: {  	[bflag:$0x2] =	sbarrier.arrive $0xFFFF  }
0x90: {  	p0 =	sne.s32 s0, $0x0;
	s0 =	rddreg [dreg:$0x3]  }
0x91: {  	s0 =	sadd.s32 @!p0 $0x100000, s0  }
0x92: {  	[sflag:s0] =	ssyncadd.tile.s32 @!p0 $0x1;
	_ =	shalt  }
.Lfunc_end2:
_tile_overlayer_lowered:
.L_overlay_start_2:
0x93: {  	(tag) =	ssettag $0x2  }
0x94: {  	s0 =	rddreg [dreg:$0x0];
	s2 =	stileid.u32  }
0x95: {  	s1 =	rddreg [dreg:$0x1];
	p0 =	sne.s32 s2, $0x0  }
0x96: {  	s3 =	rddreg [dreg:$0x2];
	[bflag:$0x3] =	sbarrier.arrive $0xFFFF;
	s2 =	simm.s32 @!p0 $0x1C05  }
0x97: {  	[timem:s3], [sflag:s2] =	dma.local @!p0 [hbm:s0], s1  }
0x98: {  	s0 =	simm.s32 @!p0 $0x5  }
0x99: {  	_ =	swait.ge @!p0 [sflag:s0], s1  }
0x9a: {  	s1 =	ssub.s32 @!p0 $0x0, s1;
	[sflag:s0] =	ssyncset.done @!p0 $0x0  }
0x9b: {  	[sflag:s0] =	ssyncadd.s32 @!p0 s1  }
0x9c: {  	[bflag:$0x3] =	sbarrier.arrive $0xFFFF  }
0x9d: {  	_ =	shalt  }

// kernel: kernel.15.cloned.1.call-start
scs
__scs_entry_jumppad:
0x0: {  	(pc) =	sbr.rel $0x88, $3  }
0x1: {  	(tag) =	ssettag $0x0;
	lr =	simm.s32 $0x1  }
0x2: {  	[smem:$0x3F98] =	sst lr;
	_ =	strace $0xD0000000  }
0x3: {  	_ = 	snop  }
0x4: {  	_ = 	snop  }
0x5: {  	_ = 	snop  }
0x6: {  	_ = 	snop  }
0x7: {  	_ = 	snop  }
__scs_overlays_trampoline_lowered:
0x8: {  	[smem:$0x3FA7] =	sst s0  }
0x9: {  	[smem:$0x3FA8] =	sst s1  }
0xa: {  	[smem:$0x3FA9] =	sst s2  }
0xb: {  	[smem:$0x3FAA] =	sst s3  }
0xc: {  	[smem:$0x3FAB] =	sst s4  }
0xd: {  	[smem:$0x3FAC] =	sst s5  }
0xe: {  	[smem:$0x3FAD] =	sst s6  }
0xf: {  	[smem:$0x3FAE] =	sst s7  }
0x10: {  	[smem:$0x3FAF] =	sst s8  }
0x11: {  	[smem:$0x3FB0] =	sst s9;
	s0 =	simm.s32 @!p0 $0x0  }
0x12: {  	s1 =	sld [smem:$0x3F96];
	s0 =	simm.s32 @p0 $0x1  }
0x13: {  	[smem:$0x3FB1] =	sst s0;
	s0 =	simm.s32 @!p1 $0x0  }
0x14: {  	s2 =	sld [smem:$0x3F95];
	s0 =	simm.s32 @p1 $0x1  }
0x15: {  	[smem:$0x3FB2] =	sst s0;
	s0 =	simm.s32 @!p2 $0x0  }
0x16: {  	s3 =	sld [smem:$0x3FDB];
	s0 =	simm.s32 @p2 $0x1  }
0x17: {  	s4 =	simm.s32 $0x1BF5;
	[smem:$0x3FB4] =	sst s0  }
0x18: {  	s0 =	sld [smem:$0x3F97];
	_ =	swait.ge [sflag:s4], $0x0  }
0x19: {  	s7 =	sld [smem:$0x3F98]  }
0x1a: {  	s8 =	sadd.s32 $0xFFFFE003, lr  }
0x1b: {  	s9 =	sadd.s32 $0xFFFFFEF7, lr;
	s5 =	simm.s32 $0xFFFFFFFF;
	p2 =	slt.u32 s8, $0xFFFFF086  }
0x1c: {  	p1 =	slt.u32 s9, $0xF7A;
	s5 =	simm.s32 @!p2 $0x0  }
0x1d: {  	s5 =	simm.s32 @p1 $0x1;
	p0 =	seq.s32 s7, s2  }
0x1e: {  	s7 =	smul.u32 @!p0 $0xF7A, s2;
	p2 =	seq.s32 @!p0 s5, $0x0  }
0x1f: {  	s9 =	smul.u32 $0xF7A, s1;
	s8 =	simm.s32 @!p0 $0x1BF5;
	p2 =	por !p2, p0  }
0x20: {  	[sflag:s8] =	ssyncset.s32 @!p0 $0xFFFFF086;
	s6 =	sadd.s32 @!p0 s3, s7;
	s7 =	simm.s32 @!p0 $0x108  }
0x21: {  	s3 =	sadd.s32 s3, s9;
	s6 =	sadd.s32 @!p0 $0x88, s6;
	s7 =	simm.s32 @p2 $0x1082  }
0x22: {  	[simem:s7], [sflag:s8] =	dma.local @!p0 [hbm:s6], $0xF7A  }
0x23: {  	s9 =	sor.u32 $0xD0000000, s2;
	s6 =	simm.s32 $0x108;
	_ =	swait.ge @!p0 [sflag:s8], $0x0  }
0x24: {  	s3 =	sadd.s32 $0x88, s3;
	s6 =	simm.s32 @!p1 $0x1082;
	[sflag:s4] =	ssyncset.s32 $0xFFFFF086  }
0x25: {  	[simem:s6], [sflag:s4] =	dma.local [hbm:s3], $0xF7A  }
0x26: {  	[smem:$0x3F98] =	sst s1;
	(tag) =	ssettag s2;
	_ =	strace s9  }
0x27: {  	s1 =	sld [smem:$0x3FA8]  }
0x28: {  	s2 =	sld [smem:$0x3FA9]  }
0x29: {  	s4 =	sld [smem:$0x3FAB]  }
0x2a: {  	p0 =	seq.s32 s5, $0x0;
	s5 =	sld [smem:$0x3FAC]  }
0x2b: {  	s6 =	sld [smem:$0x3FAD]  }
0x2c: {  	s7 =	sld [smem:$0x3FAE]  }
0x2d: {  	s3 =	simm.s32 $0x108;
	s8 =	sld [smem:$0x3FAF]  }
0x2e: {  	s3 =	simm.s32 @!p0 $0x1082;
	s9 =	sld [smem:$0x3FB0]  }
0x2f: {  	lr =	sadd.s32 s0, s3;
	s0 =	sld [smem:$0x3FA7]  }
0x30: {  	s3 =	sld [smem:$0x3FAA]  }
0x31: {  	[smem:$0x3FB3] =	sst s10  }
0x32: {  	s10 =	sld [smem:$0x3FB1];
	_ =	sdelay $0x3  }
0x33: {  	p0 =	seq.s32 s10, $0x1;
	s10 =	sld [smem:$0x3FB3];
	_ =	sdelay $0x3  }
0x34: {  	[smem:$0x3FB3] =	sst s10  }
0x35: {  	s10 =	sld [smem:$0x3FB2];
	_ =	sdelay $0x3  }
0x36: {  	p1 =	seq.s32 s10, $0x1;
	s10 =	sld [smem:$0x3FB3];
	_ =	sdelay $0x3  }
0x37: {  	[smem:$0x3FB3] =	sst s10  }
0x38: {  	s10 =	sld [smem:$0x3FB4]  }
0x39: {  	_ = 	snop;
	(pc) =	sbr.ind lr, $3  }
0x3a: {  	_ = 	snop  }
0x3b: {  	_ = 	snop  }
0x3c: {  	p2 =	seq.s32 s10, $0x1;
	s10 =	sld [smem:$0x3FB3]  }
0x3d: {  	_ =	shalt  }
0x3e: {  	_ =	shalt  }
0x3f: {  	_ =	shalt  }
0x40: {  	_ =	shalt  }
0x41: {  	_ =	shalt  }
0x42: {  	_ =	shalt  }
0x43: {  	_ =	shalt  }
0x44: {  	_ =	shalt  }
0x45: {  	_ =	shalt  }
0x46: {  	_ =	shalt  }
0x47: {  	_ =	shalt  }
0x48: {  	_ =	shalt  }
0x49: {  	_ =	shalt  }
0x4a: {  	_ =	shalt  }
0x4b: {  	_ =	shalt  }
0x4c: {  	_ =	shalt  }
0x4d: {  	_ =	shalt  }
0x4e: {  	_ =	shalt  }
0x4f: {  	_ =	shalt  }
0x50: {  	_ =	shalt  }
0x51: {  	_ =	shalt  }
0x52: {  	_ =	shalt  }
0x53: {  	_ =	shalt  }
0x54: {  	_ =	shalt  }
0x55: {  	_ =	shalt  }
0x56: {  	_ =	shalt  }
0x57: {  	_ =	shalt  }
0x58: {  	_ =	shalt  }
0x59: {  	_ =	shalt  }
0x5a: {  	_ =	shalt  }
0x5b: {  	_ =	shalt  }
0x5c: {  	_ =	shalt  }
0x5d: {  	_ =	shalt  }
0x5e: {  	_ =	shalt  }
0x5f: {  	_ =	shalt  }
0x60: {  	_ =	shalt  }
0x61: {  	_ =	shalt  }
0x62: {  	_ =	shalt  }
0x63: {  	_ =	shalt  }
0x64: {  	_ =	shalt  }
0x65: {  	_ =	shalt  }
0x66: {  	_ =	shalt  }
0x67: {  	_ =	shalt  }
0x68: {  	_ =	shalt  }
0x69: {  	_ =	shalt  }
0x6a: {  	_ =	shalt  }
0x6b: {  	_ =	shalt  }
0x6c: {  	_ =	shalt  }
0x6d: {  	_ =	shalt  }
0x6e: {  	_ =	shalt  }
0x6f: {  	_ =	shalt  }
0x70: {  	_ =	shalt  }
0x71: {  	_ =	shalt  }
0x72: {  	_ =	shalt  }
0x73: {  	_ =	shalt  }
0x74: {  	_ =	shalt  }
0x75: {  	_ =	shalt  }
0x76: {  	_ =	shalt  }
0x77: {  	_ =	shalt  }
0x78: {  	_ =	shalt  }
0x79: {  	_ =	shalt  }
0x7a: {  	_ =	shalt  }
0x7b: {  	_ =	shalt  }
0x7c: {  	_ =	shalt  }
0x7d: {  	_ =	shalt  }
0x7e: {  	_ =	shalt  }
0x7f: {  	_ =	shalt  }
0x80: {  	_ =	shalt  }
0x81: {  	_ =	shalt  }
0x82: {  	_ =	shalt  }
0x83: {  	_ =	shalt  }
0x84: {  	_ =	shalt  }
0x85: {  	_ =	shalt  }
0x86: {  	_ =	shalt  }
0x87: {  	_ =	shalt  }
.Lfunc_end0:
.L_simem_size_0:
called_computation.1_lowered:
.L_overlay_start_0:
0x88: {  	s2 =	sld [smem:$0x3FD9]  }
0x89: {  	s3 =	sld [smem:$0x3FFE];
	_ =	sdelay $0x1  }
0x8a: {  	s1 =	srdreg.scid  }
0x8b: {  	s0 =	sand.u32 $0x1, s1  }
0x8c: {  	s17 =	sshll.u32 s0, $0xA;
	s2 =	sadd.s32 s3, s2  }
0x8d: {  	s2 =	sadd.s32 s2, s17  }
0x8e: {  	[smem:$0x3FBF] =	sst s2  }
0x8f: {  	_ = 	snop  }
0x90: {  	s2 =	sld [smem:$0x3FD0];
	(tm) =	ssettm $0x1  }
0x91: {  	s18 =	sld [smem:$0x3FFB];
	_ =	sdelay $0x3  }
0x92: {  	_ =	strace s18  }
0x93: {  	s3 =	sld [smem:$0x3FFC];
	_ =	sdelay $0x3  }
0x94: {  	_ =	strace s3  }
0x95: {  	s3 =	sld [smem:$0x3FFD];
	_ =	sdelay $0x3  }
0x96: {  	_ =	strace s3  }
0x97: {  	_ =	strace $0x8FFFFFFF  }
0x98: {  	s19 =	sld [smem:$0x3FDB];
	_ =	sdelay $0x1  }
0x99: {  	s4 =	simm.s32 $_scs_section_size  }
0x9a: {  	s5 =	simm.s32 $_size__tile_overlayer_lowered;
	s6 =	simm.s32 $_tile_overlayer_lowered  }
0x9b: {  	s22 =	simm.s32 $0x1BFF;
	s21 =	sshll.u32 s6, $0x1;
	s3 =	sadd.s32 s4, s19  }
0x9c: {  	s7 =	simm.s32 $0x0;
	s20 =	sshll.u32 s5, $0x1;
	s5 =	sadd.s32 s21, s3  }
0x9d: {  	[timem:s7], [sflag:s22] =	dma.local [hbm:s5], s20  }
0x9e: {  	_ =	swait.ge [sflag:s22], s20  }
0x9f: {  	s4 =	ssub.s32 $0x0, s20;
	[sflag:s22] =	ssyncset.done $0x0  }
0xa0: {  	[sflag:s22] =	ssyncadd.s32 s4;
	_ =	sdelay $0x1  }
0xa1: {  	s23 =	simm.s32 $0x1B8B  }
0xa2: {  	_ =	swait.ge [sflag:s23], $0x1  }
0xa3: {  	[sflag:s23] =	ssyncset.done $0x0  }
0xa4: {  	s25 =	simm.s32 $0x1B8E;
	s24 =	sld [smem:$0x3FFE];
	[sflag:s23] =	ssyncadd.s32 $0xFFFFFFFF  }
0xa5: {  	s26 =	simm.s32 $execute0_lowered;
	[smem:$0x3FD2] =	sst s25  }
0xa6: {  	s5 =	sshll.u32 s26, $0x1;
	_ =	strace $0x80000049;
	[dreg:$0x1] =	wrdreg $0xFFFFFFFF  }
0xa7: {  	s28 =	simm.s32 $_size_execute0_lowered;
	s3 =	sadd.s32 s3, s5;
	[dreg:$0x0] =	wrdreg $0x0  }
0xa8: {  	s5 =	sshll.u32 s28, $0x1;
	[dreg:$0x2] =	wrdreg s3  }
0xa9: {  	[dreg:$0x3] =	wrdreg s5  }
0xaa: {  	[dreg:$0x4] =	wrdreg $0xC0  }
0xab: {  	_ =	task [dreg:s7], $0x5FFFF  }
0xac: {  	[dreg:$0x1] =	wrdreg $0xFFFFFFFF  }
0xad: {  	[dreg:$0x0] =	wrdreg $0x60  }
0xae: {  	[dreg:$0x2] =	wrdreg s24  }
0xaf: {  	[dreg:$0x3] =	wrdreg s2  }
0xb0: {  	[dreg:$0x4] =	wrdreg $0x91000  }
0xb1: {  	[dreg:$0x5] =	wrdreg $0x9  }
0xb2: {  	_ =	task.clear_ibuf [dreg:s7], $0x6FFFF;
	_ =	strace $0x90000049  }
0xb3: {  	s29 =	simm.s32 $0x9;
	_ =	strace $0x8000004B  }
0xb4: {  	_ =	swait.ge [sflag:s29], $0x1  }
0xb5: {  	[sflag:s29] =	ssyncadd.s32 $0xFFFFFFFF  }
0xb6: {  	_ =	strace $0x9000004B  }
0xb7: {  	_ =	sfence  }
0xb8: {  	s30 =	sld [smem:$0x0];
	_ =	sdelay $0x2  }
0xb9: {  	s31 =	sshll.u32 s1, $0xD;
	s1 =	sshrl.u32 s1, $0x2  }
0xba: {  	s3 =	sand.u32 $0x4000, s31;
	s1 =	sadd.s32 s1, s30  }
0xbb: {  	s0 =	sor.u32 s3, s0;
	s1 =	sshll.u32 s1, $0x11  }
0xbc: {  	s0 =	sor.u32 s1, s0  }
0xbd: {  	s0 =	sadd.s32 $0x8F2B, s0  }
0xbe: {  	[sflag:s0] =	ssyncadd.remote.s32 $0x1  }
0xbf: {  	_ =	sfence.sel $0xFFFF  }
0xc0: {  	[dreg:$0x0] =	wrdreg $0xFFFFFFFF;
	(pc) =	sbr.abs _section_cstart, $3  }
0xc1: {  	[dreg:$0x1] =	wrdreg $0xFFFFFFFF  }
0xc2: {  	_ =	task.clear_ibuf [dreg:s7], $0x2FFFF;
	_ =	strace $0x9FFFFFFF  }
0xc3: {  	(tm) =	ssettm $0x7FFFFFFF  }
tec
execute0_lowered:
.L_overlay_start_1:
0x0: {  	(tag) =	ssettag $0x1  }
0x1: {  	s0 =	rddreg [dreg:$0x0]  }
0x2: {  	s1 =	rddreg [dreg:$0x1]  }
0x3: {  	s2 =	rddreg [dreg:$0x2]  }
0x4: {  	s3 =	srdreg.scid;
	s11 =	stileid.u32;
	s29 =	simm.s32 $0x6900  }
0x5: {  	s30 =	simm.s32 $0x3;
	s31 =	simm.s32 $0x1;
	s7 =	smul.u32 $0x14000, s11  }
0x6: {  	s28 =	simm.s32 $0x5;
	s5 =	sand.u32 $0x1, s3;
	s10 =	smul.u32 $0x50000, s11  }
0x7: {  	s3 =	simm.s32 $0x0;
	s6 =	sshll.u32 s11, $0x1;
	s25 =	smul.u32 $0x4E20, s11  }
0x8: {  	s4 =	smul.u32 $0x140000, s5;
	[smem:$0x7FF] =	sst s3;
	s6 =	sor.u32 s5, s6  }
0x9: {  	s21 =	ssub.s32 $0x2, s5;
	s5 =	smul.u32 $0x2710, s5;
	_ =	strace $0x8000004A  }
0xa: {  	s8 =	sshll.u32 s6, $0xB;
	s6 =	smul.u32 $0x2710, s6;
	s9 =	sshrl.u32 s21, $0x1  }
0xb: {  	s23 =	sshrl.u32 s10, $0x2;
	s4 =	sadd.s32 s7, s4;
	s19 =	sadd.s32 s8, s0  }
0xc: {  	s8 =	ssub.s32 s21, s9;
	s9 =	sadd.s32 s23, s2;
	s23 =	simm.s32 $0x4100  }
0xd: {  	s20 =	sshrl.u32 s4, $0x3;
	s4 =	sadd.s32 $0x2E00, s0;
	s6 =	sshrl.u32 s6, $0x3  }
0xe: {  	s7 =	sadd.s32 $0x52E00, s19;
	s24 =	smax.u32 s8, $0x1;
	s26 =	sadd.s32 $0x2800, s9  }
0xf: {  	s12 =	sadd.s32 $0x5000, s9;
	s13 =	sadd.s32 $0x7800, s9;
	s14 =	sadd.s32 $0xA000, s9  }
0x10: {  	s15 =	sadd.s32 $0xC800, s9;
	s16 =	sadd.s32 $0xF000, s9;
	[dreg:$0x4] =	wrdreg s7  }
0x11: {  	s17 =	sadd.s32 $0x11800, s9;
	s0 =	sadd.s32 s20, s0;
	[dreg:$0x7] =	wrdreg s24  }
0x12: {  	s6 =	sadd.s32 s1, s6;
	[dreg:$0x8] =	wrdreg s26;
	s24 =	simm.s32 $0x4000  }
0x13: {  	s26 =	simm.s32 $0x4080;
	s7 =	simm.s32 $0x0;
	s22 =	sadd.s32 $0x4D8, s6  }
0x14: {  	s0 =	sadd.s32 $0x62E00, s0;
	s18 =	sadd.s32 $0xA, s6;
	s19 =	sadd.s32 $0x14, s6  }
.Ltmp0:
0x15: {  	[dreg:$0x6] =	wrdreg s0;
	s0 =	sadd.s32 s5, s25;
	(pc) =	sbr.rel .LBB2_1-.Ltmp0, $4  }
0x16: {  	[dreg:$0x5] =	wrdreg s22;
	s5 =	sadd.s32 $0xF0, s0;
	s0 =	sadd.s32 $0x140, s0  }
0x17: {  	s22 =	simm.s32 $0x7;
	s5 =	sshrl.u32 s5, $0x3;
	s0 =	sshrl.u32 s0, $0x3  }
0x18: {  	s25 =	simm.s32 $0x50;
	s20 =	sadd.s32 s5, s1;
	s21 =	sadd.s32 s0, s1  }
0x19: {  	v0 =	vimm.f32 $0.0e+00;
	s0 =	simm.s32 $0x4;
	s1 =	simm.s32 $0x2;
	s5 =	simm.s32 $0x6  }
.LBB2_6:
0x1a: {  	[spmem:s2] =	stream.indirect.scatter.add.f32 [tilespmem:s29], [sflag:$0x6], $0x80, s26, s25, $0xb8;
	[tilespmem:$0x1D100] =	vst v63  }
0x1b: {  	_ =	swait.ge [sflag:s28], $0x2800  }
0x1c: {  	[sflag:s28] =	ssyncset.done $0x0  }
0x1d: {  	s8 =	rddreg [dreg:$0x5];
	[sflag:s28] =	ssyncadd.s32 $0xFFFFD800  }
0x1e: {  	[tilespmem:s24], [sflag:$0x3] =	stream.linear.gather [hbm4b:s8+s3], $0x50, $0x38;
	[tilespmem:$0x1D100] =	vst v63  }
0x1f: {  	s11 =	simm.s32 $0x3E00  }
0x20: {  	[tilespmem:s23], [sflag:$0x1] =	stream.indirect.gather [hbm4b:s4+s25], $0x80, s11, s25, $0xb8;
	[tilespmem:$0x1D100] =	vst v63  }
0x21: {  	_ =	swait.ge [sflag:s30], $0x50  }
0x22: {  	[sflag:s30] =	ssyncset.done $0x0  }
0x23: {  	[sflag:s30] =	ssyncadd.s32 $0xFFFFFFB0  }
0x24: {  	_ =	swait.ge [sflag:s31], $0x2800  }
0x25: {  	[sflag:s31] =	ssyncset.done $0x0  }
0x26: {  	[sflag:s31] =	ssyncadd.s32 $0xFFFFD800  }
0x27: {  	[spmem:s2] =	stream.indirect.scatter.add.f32 [tilespmem:s23], [sflag:$0x5], $0x80, s24, s25, $0xb8;
	[tilespmem:$0x1D100] =	vst v63  }
0x28: {  	_ =	swait.ge [sflag:s28], $0x2800  }
0x29: {  	[sflag:s28] =	ssyncset.done $0x0  }
0x2a: {  	[sflag:s28] =	ssyncadd.s32 $0xFFFFD800  }
0x2b: {  	_ =	swait.ge [sflag:s5], $0x2800  }
0x2c: {  	[sflag:s5] =	ssyncset.done $0x0  }
0x2d: {  	s10 =	stileid.u32;
	[sflag:s5] =	ssyncadd.s32 $0xFFFFD800  }
0x2e: {  	s8 =	sshll.u32 s10, $0x6;
	[bflag:$0x0] =	sbarrier.arrive $0xFFFF  }
0x2f: {  	s10 =	sshrl.u32 s9, $0x3;
	s8 =	sor.u32 $0x1C07, s8;
	s11 =	rddreg [dreg:$0x6]  }
0x30: {  	[hbm:s11], [sflag:s8] =	dma.local [spmem:s10], $0x2800  }
0x31: {  	_ =	swait.ge [sflag:s22], $0x2800  }
0x32: {  	s7 =	sadd.s32 $0x1, s7;
	s11 =	rddreg [dreg:$0x7]  }
0x33: {  	p0 =	sne.s32 s7, s11  }
.Ltmp1:
0x34: {  	_ = 	snop;
	(pc) =	sbr.rel @!p0 .LBB2_7-.Ltmp1, $3  }
0x35: {  	_ =	sdelay $0x1  }
0x36: {  	[sflag:s22] =	ssyncset.done $0x0  }
0x37: {  	[sflag:s22] =	ssyncadd.s32 $0xFFFFD800  }
.LBB2_1:
0x38: {  	s8 =	rddreg [dreg:$0x4]  }
0x39: {  	[tilespmem:s3], [sflag:$0x7] =	stream.linear.gather [hbm4b:s8+s3], $0x3E80, $0x38;
	[tilespmem:$0x1D100] =	vst v63  }
0x3a: {  	_ =	swait.ge [sflag:s22], $0x3E80  }
0x3b: {  	[sflag:s22] =	ssyncset.done $0x0  }
0x3c: {  	s10 =	simm.s32 $0x200;
	s8 =	simm.s32 $0x0;
	[sflag:s22] =	ssyncadd.s32 $0xFFFFC180  }
.LBB2_2:
0x3d: {  	p0 =	sne.s32 s10, $0x9E00;
	[tilespmem:s8+$0x4170] =	vst v0  }
0x3e: {  	[tilespmem:s8+$0x4100] =	vst v0  }
0x3f: {  	[tilespmem:s8+$0x4110] =	vst v0  }
.Ltmp2:
0x40: {  	[tilespmem:s8+$0x4120] =	vst v0;
	(pc) =	sbr.rel @p0 .LBB2_2-.Ltmp2, $4  }
0x41: {  	[tilespmem:s8+$0x4130] =	vst v0  }
0x42: {  	[tilespmem:s8+$0x4140] =	vst v0  }
0x43: {  	[tilespmem:s8+$0x4150] =	vst v0  }
0x44: {  	[tilespmem:s8+$0x4160] =	vst v0;
	s8 =	sshra.s32 s10, $0x2;
	s10 =	sadd.s32 $0x200, s10  }
0x45: {  	[tilespmem:s8+$0x4170] =	vst v0  }
0x46: {  	[tilespmem:s8+$0x4100] =	vst v0  }
0x47: {  	[tilespmem:s8+$0x4110] =	vst v0  }
0x48: {  	[tilespmem:s8+$0x4120] =	vst v0  }
0x49: {  	[tilespmem:s8+$0x4130] =	vst v0  }
0x4a: {  	[tilespmem:s8+$0x4140] =	vst v0  }
0x4b: {  	[tilespmem:s8+$0x4150] =	vst v0  }
0x4c: {  	[tilespmem:s8+$0x4160] =	vst v0  }
0x4d: {  	[spmem:s9] =	stream.linear.scatter [tilespmem:s23], [sflag:$0x7], $0x2800, $0x38;
	[tilespmem:$0x1D100] =	vst v63  }
0x4e: {  	_ =	swait.ge [sflag:s22], $0x2800  }
0x4f: {  	[sflag:s22] =	ssyncset.done $0x0  }
0x50: {  	s10 =	rddreg [dreg:$0x8];
	[sflag:s22] =	ssyncadd.s32 $0xFFFFD800  }
0x51: {  	[spmem:s10] =	stream.linear.scatter [tilespmem:s23], [sflag:$0x7], $0x2800, $0x38;
	[tilespmem:$0x1D100] =	vst v63  }
0x52: {  	_ =	swait.ge [sflag:s22], $0x2800  }
0x53: {  	[sflag:s22] =	ssyncset.done $0x0  }
0x54: {  	[sflag:s22] =	ssyncadd.s32 $0xFFFFD800  }
0x55: {  	[spmem:s12] =	stream.linear.scatter [tilespmem:s23], [sflag:$0x7], $0x2800, $0x38;
	[tilespmem:$0x1D100] =	vst v63  }
0x56: {  	_ =	swait.ge [sflag:s22], $0x2800  }
0x57: {  	[sflag:s22] =	ssyncset.done $0x0  }
0x58: {  	[sflag:s22] =	ssyncadd.s32 $0xFFFFD800  }
0x59: {  	[spmem:s13] =	stream.linear.scatter [tilespmem:s23], [sflag:$0x7], $0x2800, $0x38;
	[tilespmem:$0x1D100] =	vst v63  }
0x5a: {  	_ =	swait.ge [sflag:s22], $0x2800  }
0x5b: {  	[sflag:s22] =	ssyncset.done $0x0  }
0x5c: {  	[sflag:s22] =	ssyncadd.s32 $0xFFFFD800  }
0x5d: {  	[spmem:s14] =	stream.linear.scatter [tilespmem:s23], [sflag:$0x7], $0x2800, $0x38;
	[tilespmem:$0x1D100] =	vst v63  }
0x5e: {  	_ =	swait.ge [sflag:s22], $0x2800  }
0x5f: {  	[sflag:s22] =	ssyncset.done $0x0  }
0x60: {  	[sflag:s22] =	ssyncadd.s32 $0xFFFFD800  }
0x61: {  	[spmem:s15] =	stream.linear.scatter [tilespmem:s23], [sflag:$0x7], $0x2800, $0x38;
	[tilespmem:$0x1D100] =	vst v63  }
0x62: {  	_ =	swait.ge [sflag:s22], $0x2800  }
0x63: {  	[sflag:s22] =	ssyncset.done $0x0  }
0x64: {  	[sflag:s22] =	ssyncadd.s32 $0xFFFFD800  }
0x65: {  	[spmem:s16] =	stream.linear.scatter [tilespmem:s23], [sflag:$0x7], $0x2800, $0x38;
	[tilespmem:$0x1D100] =	vst v63  }
0x66: {  	_ =	swait.ge [sflag:s22], $0x2800  }
0x67: {  	[sflag:s22] =	ssyncset.done $0x0  }
0x68: {  	[sflag:s22] =	ssyncadd.s32 $0xFFFFD800  }
0x69: {  	[spmem:s17] =	stream.linear.scatter [tilespmem:s23], [sflag:$0x7], $0x2800, $0x38;
	[tilespmem:$0x1D100] =	vst v63  }
0x6a: {  	_ =	swait.ge [sflag:s22], $0x2800  }
0x6b: {  	[sflag:s22] =	ssyncset.done $0x0  }
0x6c: {  	[sflag:s22] =	ssyncadd.s32 $0xFFFFD800  }
0x6d: {  	s8 =	simm.s32 $0x0;
	[bflag:$0x0] =	sbarrier.arrive $0xFFFF  }
0x6e: {  	[tilespmem:s24], [sflag:$0x3] =	stream.linear.gather [hbm4b:s6+s8], $0x50, $0x38;
	[tilespmem:$0x1D100] =	vst v63  }
0x6f: {  	_ = 	snop  }
0x70: {  	[tilespmem:s23], [sflag:$0x1] =	stream.indirect.gather [hbm4b:s4+s25], $0x80, s8, s25, $0xb8;
	[tilespmem:$0x1D100] =	vst v63  }
0x71: {  	_ = 	snop  }
0x72: {  	[tilespmem:s26], [sflag:$0x4] =	stream.linear.gather [hbm4b:s18+s8], $0x50, $0x38;
	[tilespmem:$0x1D100] =	vst v63  }
0x73: {  	s10 =	simm.s32 $0x80  }
0x74: {  	[tilespmem:s29], [sflag:$0x2] =	stream.indirect.gather [hbm4b:s4+s25], $0x80, s10, s25, $0xb8;
	[tilespmem:$0x1D100] =	vst v63  }
0x75: {  	_ =	swait.ge [sflag:s30], $0x50  }
0x76: {  	[sflag:s30] =	ssyncset.done $0x0  }
0x77: {  	[sflag:s30] =	ssyncadd.s32 $0xFFFFFFB0  }
0x78: {  	_ =	swait.ge [sflag:s31], $0x2800  }
0x79: {  	[sflag:s31] =	ssyncset.done $0x0  }
0x7a: {  	[sflag:s31] =	ssyncadd.s32 $0xFFFFD800  }
0x7b: {  	[spmem:s2] =	stream.indirect.scatter.add.f32 [tilespmem:s23], [sflag:$0x5], $0x80, s24, s25, $0xb8;
	[tilespmem:$0x1D100] =	vst v63  }
0x7c: {  	_ =	swait.ge [sflag:s0], $0x50  }
0x7d: {  	[sflag:s0] =	ssyncset.done $0x0  }
0x7e: {  	[sflag:s0] =	ssyncadd.s32 $0xFFFFFFB0  }
0x7f: {  	_ =	swait.ge [sflag:s1], $0x2800  }
0x80: {  	[sflag:s1] =	ssyncset.done $0x0  }
0x81: {  	[sflag:s1] =	ssyncadd.s32 $0xFFFFD800  }
0x82: {  	_ =	swait.ge [sflag:s28], $0x2800  }
0x83: {  	[sflag:s28] =	ssyncset.done $0x0  }
0x84: {  	[sflag:s28] =	ssyncadd.s32 $0xFFFFD800  }
0x85: {  	[tilespmem:s24], [sflag:$0x3] =	stream.linear.gather [hbm4b:s19+s8], $0x50, $0x38;
	[tilespmem:$0x1D100] =	vst v63  }
0x86: {  	s11 =	simm.s32 $0x100  }
0x87: {  	[tilespmem:s23], [sflag:$0x1] =	stream.indirect.gather [hbm4b:s4+s25], $0x80, s11, s25, $0xb8;
	[tilespmem:$0x1D100] =	vst v63  }
0x88: {  	s10 =	simm.s32 $0x180  }
0x89: {  	[spmem:s2] =	stream.indirect.scatter.add.f32 [tilespmem:s29], [sflag:$0x6], $0x80, s26, s25, $0xb8;
	[tilespmem:$0x1D100] =	vst v63  }
.LBB2_4:
0x8a: {  	_ =	swait.ge [sflag:s5], $0x2800  }
0x8b: {  	[sflag:s5] =	ssyncset.done $0x0  }
0x8c: {  	s11 =	sadd.s32 s8, s20;
	[sflag:s5] =	ssyncadd.s32 $0xFFFFD800  }
0x8d: {  	[tilespmem:s26], [sflag:$0x4] =	stream.linear.gather [hbm4b:s11+s3], $0x50, $0x38;
	[tilespmem:$0x1D100] =	vst v63  }
0x8e: {  	_ = 	snop  }
0x8f: {  	[tilespmem:s29], [sflag:$0x2] =	stream.indirect.gather [hbm4b:s4+s25], $0x80, s10, s25, $0xb8;
	[tilespmem:$0x1D100] =	vst v63  }
0x90: {  	_ =	swait.ge [sflag:s30], $0x50  }
0x91: {  	[sflag:s30] =	ssyncset.done $0x0  }
0x92: {  	[sflag:s30] =	ssyncadd.s32 $0xFFFFFFB0  }
0x93: {  	_ =	swait.ge [sflag:s31], $0x2800  }
0x94: {  	[sflag:s31] =	ssyncset.done $0x0  }
0x95: {  	[sflag:s31] =	ssyncadd.s32 $0xFFFFD800  }
0x96: {  	[spmem:s2] =	stream.indirect.scatter.add.f32 [tilespmem:s23], [sflag:$0x5], $0x80, s24, s25, $0xb8;
	[tilespmem:$0x1D100] =	vst v63  }
0x97: {  	p0 =	seq.s32 s8, $0x4B0;
	_ =	swait.ge [sflag:s0], $0x50  }
.Ltmp3:
0x98: {  	[sflag:s0] =	ssyncset.done $0x0;
	(pc) =	sbr.rel @p0 .LBB2_6-.Ltmp3, $4  }
0x99: {  	[sflag:s0] =	ssyncadd.s32 $0xFFFFFFB0  }
0x9a: {  	_ =	swait.ge [sflag:s1], $0x2800  }
0x9b: {  	[sflag:s1] =	ssyncset.done $0x0  }
0x9c: {  	[sflag:s1] =	ssyncadd.s32 $0xFFFFD800  }
0x9d: {  	_ =	swait.ge [sflag:s28], $0x2800  }
0x9e: {  	[sflag:s28] =	ssyncset.done $0x0  }
0x9f: {  	s11 =	sadd.s32 s8, s21;
	[sflag:s28] =	ssyncadd.s32 $0xFFFFD800  }
0xa0: {  	[tilespmem:s24], [sflag:$0x3] =	stream.linear.gather [hbm4b:s11+s3], $0x50, $0x38;
	[tilespmem:$0x1D100] =	vst v63  }
.Ltmp4:
0xa1: {  	_ = 	snop;
	(pc) =	sbr.rel .LBB2_4-.Ltmp4, $4  }
0xa2: {  	s11 =	sadd.s32 $0x80, s10  }
0xa3: {  	[tilespmem:s23], [sflag:$0x1] =	stream.indirect.gather [hbm4b:s4+s25], $0x80, s11, s25, $0xb8;
	[tilespmem:$0x1D100] =	vst v63  }
0xa4: {  	s8 =	sadd.s32 $0x14, s8;
	s10 =	sadd.s32 $0x100, s10  }
0xa5: {  	[spmem:s2] =	stream.indirect.scatter.add.f32 [tilespmem:s29], [sflag:$0x6], $0x80, s26, s25, $0xb8;
	[tilespmem:$0x1D100] =	vst v63  }
.LBB2_7:
0xa6: {  	_ =	sfence.sel $0x180000  }
0xa7: {  	[bflag:$0x0] =	sbarrier.arrive $0xFFFF  }
0xa8: {  	_ =	strace $0x9000004A  }
0xa9: {  	s0 =	stileid.u32;
	[bflag:$0x2] =	sbarrier.arrive $0xFFFF  }
0xaa: {  	p0 =	sne.s32 s0, $0x0;
	s0 =	rddreg [dreg:$0x3]  }
0xab: {  	s0 =	sadd.s32 @!p0 $0x100000, s0  }
0xac: {  	[sflag:s0] =	ssyncadd.tile.s32 @!p0 $0x1;
	_ =	shalt  }
.Lfunc_end2:
_tile_overlayer_lowered:
.L_overlay_start_2:
0xad: {  	(tag) =	ssettag $0x2  }
0xae: {  	s0 =	rddreg [dreg:$0x0];
	s2 =	stileid.u32  }
0xaf: {  	s1 =	rddreg [dreg:$0x1];
	p0 =	sne.s32 s2, $0x0  }
0xb0: {  	s3 =	rddreg [dreg:$0x2];
	[bflag:$0x3] =	sbarrier.arrive $0xFFFF;
	s2 =	simm.s32 @!p0 $0x1C07  }
0xb1: {  	[timem:s3], [sflag:s2] =	dma.local @!p0 [hbm:s0], s1  }
0xb2: {  	s0 =	simm.s32 @!p0 $0x7  }
0xb3: {  	_ =	swait.ge @!p0 [sflag:s0], s1  }
0xb4: {  	s1 =	ssub.s32 @!p0 $0x0, s1;
	[sflag:s0] =	ssyncset.done @!p0 $0x0  }
0xb5: {  	[sflag:s0] =	ssyncadd.s32 @!p0 s1  }
0xb6: {  	[bflag:$0x3] =	sbarrier.arrive $0xFFFF  }
0xb7: {  	_ =	shalt  }

// kernel: kernel.18.cloned.1.call-start
scs
__scs_entry_jumppad:
0x0: {  	(pc) =	sbr.rel $0x88, $3  }
0x1: {  	(tag) =	ssettag $0x0;
	lr =	simm.s32 $0x1  }
0x2: {  	[smem:$0x3F98] =	sst lr;
	_ =	strace $0xD0000000  }
0x3: {  	_ = 	snop  }
0x4: {  	_ = 	snop  }
0x5: {  	_ = 	snop  }
0x6: {  	_ = 	snop  }
0x7: {  	_ = 	snop  }
__scs_overlays_trampoline_lowered:
0x8: {  	[smem:$0x3FA7] =	sst s0  }
0x9: {  	[smem:$0x3FA8] =	sst s1  }
0xa: {  	[smem:$0x3FA9] =	sst s2  }
0xb: {  	[smem:$0x3FAA] =	sst s3  }
0xc: {  	[smem:$0x3FAB] =	sst s4  }
0xd: {  	[smem:$0x3FAC] =	sst s5  }
0xe: {  	[smem:$0x3FAD] =	sst s6  }
0xf: {  	[smem:$0x3FAE] =	sst s7  }
0x10: {  	[smem:$0x3FAF] =	sst s8  }
0x11: {  	[smem:$0x3FB0] =	sst s9;
	s0 =	simm.s32 @!p0 $0x0  }
0x12: {  	s1 =	sld [smem:$0x3F96];
	s0 =	simm.s32 @p0 $0x1  }
0x13: {  	[smem:$0x3FB1] =	sst s0;
	s0 =	simm.s32 @!p1 $0x0  }
0x14: {  	s2 =	sld [smem:$0x3F95];
	s0 =	simm.s32 @p1 $0x1  }
0x15: {  	[smem:$0x3FB2] =	sst s0;
	s0 =	simm.s32 @!p2 $0x0  }
0x16: {  	s3 =	sld [smem:$0x3FDB];
	s0 =	simm.s32 @p2 $0x1  }
0x17: {  	s4 =	simm.s32 $0x1BF5;
	[smem:$0x3FB4] =	sst s0  }
0x18: {  	s0 =	sld [smem:$0x3F97];
	_ =	swait.ge [sflag:s4], $0x0  }
0x19: {  	s7 =	sld [smem:$0x3F98]  }
0x1a: {  	s8 =	sadd.s32 $0xFFFFE003, lr  }
0x1b: {  	s9 =	sadd.s32 $0xFFFFFEF7, lr;
	s5 =	simm.s32 $0xFFFFFFFF;
	p2 =	slt.u32 s8, $0xFFFFF086  }
0x1c: {  	p1 =	slt.u32 s9, $0xF7A;
	s5 =	simm.s32 @!p2 $0x0  }
0x1d: {  	s5 =	simm.s32 @p1 $0x1;
	p0 =	seq.s32 s7, s2  }
0x1e: {  	s7 =	smul.u32 @!p0 $0xF7A, s2;
	p2 =	seq.s32 @!p0 s5, $0x0  }
0x1f: {  	s9 =	smul.u32 $0xF7A, s1;
	s8 =	simm.s32 @!p0 $0x1BF5;
	p2 =	por !p2, p0  }
0x20: {  	[sflag:s8] =	ssyncset.s32 @!p0 $0xFFFFF086;
	s6 =	sadd.s32 @!p0 s3, s7;
	s7 =	simm.s32 @!p0 $0x108  }
0x21: {  	s3 =	sadd.s32 s3, s9;
	s6 =	sadd.s32 @!p0 $0x88, s6;
	s7 =	simm.s32 @p2 $0x1082  }
0x22: {  	[simem:s7], [sflag:s8] =	dma.local @!p0 [hbm:s6], $0xF7A  }
0x23: {  	s9 =	sor.u32 $0xD0000000, s2;
	s6 =	simm.s32 $0x108;
	_ =	swait.ge @!p0 [sflag:s8], $0x0  }
0x24: {  	s3 =	sadd.s32 $0x88, s3;
	s6 =	simm.s32 @!p1 $0x1082;
	[sflag:s4] =	ssyncset.s32 $0xFFFFF086  }
0x25: {  	[simem:s6], [sflag:s4] =	dma.local [hbm:s3], $0xF7A  }
0x26: {  	[smem:$0x3F98] =	sst s1;
	(tag) =	ssettag s2;
	_ =	strace s9  }
0x27: {  	s1 =	sld [smem:$0x3FA8]  }
0x28: {  	s2 =	sld [smem:$0x3FA9]  }
0x29: {  	s4 =	sld [smem:$0x3FAB]  }
0x2a: {  	p0 =	seq.s32 s5, $0x0;
	s5 =	sld [smem:$0x3FAC]  }
0x2b: {  	s6 =	sld [smem:$0x3FAD]  }
0x2c: {  	s7 =	sld [smem:$0x3FAE]  }
0x2d: {  	s3 =	simm.s32 $0x108;
	s8 =	sld [smem:$0x3FAF]  }
0x2e: {  	s3 =	simm.s32 @!p0 $0x1082;
	s9 =	sld [smem:$0x3FB0]  }
0x2f: {  	lr =	sadd.s32 s0, s3;
	s0 =	sld [smem:$0x3FA7]  }
0x30: {  	s3 =	sld [smem:$0x3FAA]  }
0x31: {  	[smem:$0x3FB3] =	sst s10  }
0x32: {  	s10 =	sld [smem:$0x3FB1];
	_ =	sdelay $0x3  }
0x33: {  	p0 =	seq.s32 s10, $0x1;
	s10 =	sld [smem:$0x3FB3];
	_ =	sdelay $0x3  }
0x34: {  	[smem:$0x3FB3] =	sst s10  }
0x35: {  	s10 =	sld [smem:$0x3FB2];
	_ =	sdelay $0x3  }
0x36: {  	p1 =	seq.s32 s10, $0x1;
	s10 =	sld [smem:$0x3FB3];
	_ =	sdelay $0x3  }
0x37: {  	[smem:$0x3FB3] =	sst s10  }
0x38: {  	s10 =	sld [smem:$0x3FB4]  }
0x39: {  	_ = 	snop;
	(pc) =	sbr.ind lr, $3  }
0x3a: {  	_ = 	snop  }
0x3b: {  	_ = 	snop  }
0x3c: {  	p2 =	seq.s32 s10, $0x1;
	s10 =	sld [smem:$0x3FB3]  }
0x3d: {  	_ =	shalt  }
0x3e: {  	_ =	shalt  }
0x3f: {  	_ =	shalt  }
0x40: {  	_ =	shalt  }
0x41: {  	_ =	shalt  }
0x42: {  	_ =	shalt  }
0x43: {  	_ =	shalt  }
0x44: {  	_ =	shalt  }
0x45: {  	_ =	shalt  }
0x46: {  	_ =	shalt  }
0x47: {  	_ =	shalt  }
0x48: {  	_ =	shalt  }
0x49: {  	_ =	shalt  }
0x4a: {  	_ =	shalt  }
0x4b: {  	_ =	shalt  }
0x4c: {  	_ =	shalt  }
0x4d: {  	_ =	shalt  }
0x4e: {  	_ =	shalt  }
0x4f: {  	_ =	shalt  }
0x50: {  	_ =	shalt  }
0x51: {  	_ =	shalt  }
0x52: {  	_ =	shalt  }
0x53: {  	_ =	shalt  }
0x54: {  	_ =	shalt  }
0x55: {  	_ =	shalt  }
0x56: {  	_ =	shalt  }
0x57: {  	_ =	shalt  }
0x58: {  	_ =	shalt  }
0x59: {  	_ =	shalt  }
0x5a: {  	_ =	shalt  }
0x5b: {  	_ =	shalt  }
0x5c: {  	_ =	shalt  }
0x5d: {  	_ =	shalt  }
0x5e: {  	_ =	shalt  }
0x5f: {  	_ =	shalt  }
0x60: {  	_ =	shalt  }
0x61: {  	_ =	shalt  }
0x62: {  	_ =	shalt  }
0x63: {  	_ =	shalt  }
0x64: {  	_ =	shalt  }
0x65: {  	_ =	shalt  }
0x66: {  	_ =	shalt  }
0x67: {  	_ =	shalt  }
0x68: {  	_ =	shalt  }
0x69: {  	_ =	shalt  }
0x6a: {  	_ =	shalt  }
0x6b: {  	_ =	shalt  }
0x6c: {  	_ =	shalt  }
0x6d: {  	_ =	shalt  }
0x6e: {  	_ =	shalt  }
0x6f: {  	_ =	shalt  }
0x70: {  	_ =	shalt  }
0x71: {  	_ =	shalt  }
0x72: {  	_ =	shalt  }
0x73: {  	_ =	shalt  }
0x74: {  	_ =	shalt  }
0x75: {  	_ =	shalt  }
0x76: {  	_ =	shalt  }
0x77: {  	_ =	shalt  }
0x78: {  	_ =	shalt  }
0x79: {  	_ =	shalt  }
0x7a: {  	_ =	shalt  }
0x7b: {  	_ =	shalt  }
0x7c: {  	_ =	shalt  }
0x7d: {  	_ =	shalt  }
0x7e: {  	_ =	shalt  }
0x7f: {  	_ =	shalt  }
0x80: {  	_ =	shalt  }
0x81: {  	_ =	shalt  }
0x82: {  	_ =	shalt  }
0x83: {  	_ =	shalt  }
0x84: {  	_ =	shalt  }
0x85: {  	_ =	shalt  }
0x86: {  	_ =	shalt  }
0x87: {  	_ =	shalt  }
.Lfunc_end0:
.L_simem_size_0:
called_computation.2_lowered:
.L_overlay_start_0:
0x88: {  	s2 =	sld [smem:$0x3FD9]  }
0x89: {  	s3 =	sld [smem:$0x3FFE];
	_ =	sdelay $0x1  }
0x8a: {  	s1 =	srdreg.scid  }
0x8b: {  	s0 =	sand.u32 $0x1, s1  }
0x8c: {  	s17 =	sshll.u32 s0, $0xA;
	s2 =	sadd.s32 s3, s2  }
0x8d: {  	s2 =	sadd.s32 s2, s17  }
0x8e: {  	[smem:$0x3FBF] =	sst s2  }
0x8f: {  	_ = 	snop  }
0x90: {  	s2 =	sld [smem:$0x3FD0];
	(tm) =	ssettm $0x1  }
0x91: {  	s18 =	sld [smem:$0x3FFB];
	_ =	sdelay $0x3  }
0x92: {  	_ =	strace s18  }
0x93: {  	s3 =	sld [smem:$0x3FFC];
	_ =	sdelay $0x3  }
0x94: {  	_ =	strace s3  }
0x95: {  	s3 =	sld [smem:$0x3FFD];
	_ =	sdelay $0x3  }
0x96: {  	_ =	strace s3  }
0x97: {  	_ =	strace $0x8FFFFFFF  }
0x98: {  	s19 =	sld [smem:$0x3FDB];
	_ =	sdelay $0x1  }
0x99: {  	s4 =	simm.s32 $_scs_section_size  }
0x9a: {  	s5 =	simm.s32 $_size__tile_overlayer_lowered;
	s6 =	simm.s32 $_tile_overlayer_lowered  }
0x9b: {  	s22 =	simm.s32 $0x1BFF;
	s21 =	sshll.u32 s6, $0x1;
	s3 =	sadd.s32 s4, s19  }
0x9c: {  	s7 =	simm.s32 $0x0;
	s20 =	sshll.u32 s5, $0x1;
	s5 =	sadd.s32 s21, s3  }
0x9d: {  	[timem:s7], [sflag:s22] =	dma.local [hbm:s5], s20  }
0x9e: {  	_ =	swait.ge [sflag:s22], s20  }
0x9f: {  	s4 =	ssub.s32 $0x0, s20;
	[sflag:s22] =	ssyncset.done $0x0  }
0xa0: {  	[sflag:s22] =	ssyncadd.s32 s4;
	_ =	sdelay $0x1  }
0xa1: {  	s23 =	simm.s32 $0x1B8B  }
0xa2: {  	_ =	swait.ge [sflag:s23], $0x1  }
0xa3: {  	[sflag:s23] =	ssyncset.done $0x0  }
0xa4: {  	s25 =	simm.s32 $0x1B8E;
	s24 =	sld [smem:$0x3FFE];
	[sflag:s23] =	ssyncadd.s32 $0xFFFFFFFF  }
0xa5: {  	s26 =	simm.s32 $execute0_lowered;
	[smem:$0x3FD2] =	sst s25  }
0xa6: {  	s5 =	sshll.u32 s26, $0x1;
	_ =	strace $0x8000004C;
	[dreg:$0x1] =	wrdreg $0xFFFFFFFF  }
0xa7: {  	s28 =	simm.s32 $_size_execute0_lowered;
	s3 =	sadd.s32 s3, s5;
	[dreg:$0x0] =	wrdreg $0x0  }
0xa8: {  	s5 =	sshll.u32 s28, $0x1;
	[dreg:$0x2] =	wrdreg s3  }
0xa9: {  	[dreg:$0x3] =	wrdreg s5  }
0xaa: {  	[dreg:$0x4] =	wrdreg $0xC0  }
0xab: {  	_ =	task [dreg:s7], $0x5FFFF  }
0xac: {  	[dreg:$0x1] =	wrdreg $0xFFFFFFFF  }
0xad: {  	[dreg:$0x0] =	wrdreg $0x60  }
0xae: {  	[dreg:$0x2] =	wrdreg s24  }
0xaf: {  	[dreg:$0x3] =	wrdreg s2  }
0xb0: {  	[dreg:$0x4] =	wrdreg $0x91000  }
0xb1: {  	[dreg:$0x5] =	wrdreg $0x9  }
0xb2: {  	_ =	task.clear_ibuf [dreg:s7], $0x6FFFF;
	_ =	strace $0x9000004C  }
0xb3: {  	s29 =	simm.s32 $0x9;
	_ =	strace $0x8000004E  }
0xb4: {  	_ =	swait.ge [sflag:s29], $0x1  }
0xb5: {  	[sflag:s29] =	ssyncadd.s32 $0xFFFFFFFF  }
0xb6: {  	_ =	strace $0x9000004E  }
0xb7: {  	_ =	sfence  }
0xb8: {  	s30 =	sld [smem:$0x0];
	_ =	sdelay $0x2  }
0xb9: {  	s31 =	sshll.u32 s1, $0xD;
	s1 =	sshrl.u32 s1, $0x2  }
0xba: {  	s3 =	sand.u32 $0x4000, s31;
	s1 =	sadd.s32 s1, s30  }
0xbb: {  	s0 =	sor.u32 s3, s0;
	s1 =	sshll.u32 s1, $0x11  }
0xbc: {  	s0 =	sor.u32 s1, s0  }
0xbd: {  	s0 =	sadd.s32 $0x8F2B, s0  }
0xbe: {  	[sflag:s0] =	ssyncadd.remote.s32 $0x1  }
0xbf: {  	_ =	sfence.sel $0xFFFF  }
0xc0: {  	[dreg:$0x0] =	wrdreg $0xFFFFFFFF;
	(pc) =	sbr.abs _section_cstart, $3  }
0xc1: {  	[dreg:$0x1] =	wrdreg $0xFFFFFFFF  }
0xc2: {  	_ =	task.clear_ibuf [dreg:s7], $0x2FFFF;
	_ =	strace $0x9FFFFFFF  }
0xc3: {  	(tm) =	ssettm $0x7FFFFFFF  }
tec
execute0_lowered:
.L_overlay_start_1:
0x0: {  	(tag) =	ssettag $0x1  }
0x1: {  	s0 =	rddreg [dreg:$0x0]  }
0x2: {  	s1 =	rddreg [dreg:$0x1]  }
0x3: {  	s2 =	rddreg [dreg:$0x2]  }
0x4: {  	s3 =	srdreg.scid;
	s11 =	stileid.u32;
	s29 =	simm.s32 $0x6900  }
0x5: {  	s30 =	simm.s32 $0x3;
	s31 =	simm.s32 $0x1;
	s7 =	smul.u32 $0x14000, s11  }
0x6: {  	s28 =	simm.s32 $0x5;
	s5 =	sand.u32 $0x1, s3;
	s10 =	smul.u32 $0x50000, s11  }
0x7: {  	s3 =	simm.s32 $0x0;
	s6 =	sshll.u32 s11, $0x1;
	s25 =	smul.u32 $0x4E20, s11  }
0x8: {  	s4 =	smul.u32 $0x140000, s5;
	[smem:$0x7FF] =	sst s3;
	s6 =	sor.u32 s5, s6  }
0x9: {  	s21 =	ssub.s32 $0x2, s5;
	s5 =	smul.u32 $0x2710, s5;
	_ =	strace $0x8000004D  }
0xa: {  	s8 =	sshll.u32 s6, $0xB;
	s6 =	smul.u32 $0x2710, s6;
	s9 =	sshrl.u32 s21, $0x1  }
0xb: {  	s23 =	sshrl.u32 s10, $0x2;
	s4 =	sadd.s32 s7, s4;
	s19 =	sadd.s32 s8, s0  }
0xc: {  	s8 =	ssub.s32 s21, s9;
	s9 =	sadd.s32 s23, s2;
	s23 =	simm.s32 $0x4100  }
0xd: {  	s20 =	sshrl.u32 s4, $0x3;
	s4 =	sadd.s32 $0x2E00, s0;
	s6 =	sshrl.u32 s6, $0x3  }
0xe: {  	s7 =	sadd.s32 $0x52E00, s19;
	s24 =	smax.u32 s8, $0x1;
	s26 =	sadd.s32 $0x2800, s9  }
0xf: {  	s12 =	sadd.s32 $0x5000, s9;
	s13 =	sadd.s32 $0x7800, s9;
	s14 =	sadd.s32 $0xA000, s9  }
0x10: {  	s15 =	sadd.s32 $0xC800, s9;
	s16 =	sadd.s32 $0xF000, s9;
	[dreg:$0x4] =	wrdreg s7  }
0x11: {  	s17 =	sadd.s32 $0x11800, s9;
	s0 =	sadd.s32 s20, s0;
	[dreg:$0x7] =	wrdreg s24  }
0x12: {  	s6 =	sadd.s32 s1, s6;
	[dreg:$0x8] =	wrdreg s26;
	s24 =	simm.s32 $0x4000  }
0x13: {  	s26 =	simm.s32 $0x4080;
	s7 =	simm.s32 $0x0;
	s22 =	sadd.s32 $0x4D8, s6  }
0x14: {  	s0 =	sadd.s32 $0x62E00, s0;
	s18 =	sadd.s32 $0xA, s6;
	s19 =	sadd.s32 $0x14, s6  }
.Ltmp0:
0x15: {  	[dreg:$0x6] =	wrdreg s0;
	s0 =	sadd.s32 s5, s25;
	(pc) =	sbr.rel .LBB2_1-.Ltmp0, $4  }
0x16: {  	[dreg:$0x5] =	wrdreg s22;
	s5 =	sadd.s32 $0xF0, s0;
	s0 =	sadd.s32 $0x140, s0  }
0x17: {  	s22 =	simm.s32 $0x7;
	s5 =	sshrl.u32 s5, $0x3;
	s0 =	sshrl.u32 s0, $0x3  }
0x18: {  	s25 =	simm.s32 $0x50;
	s20 =	sadd.s32 s5, s1;
	s21 =	sadd.s32 s0, s1  }
0x19: {  	v0 =	vimm.f32 $0.0e+00;
	s0 =	simm.s32 $0x4;
	s1 =	simm.s32 $0x2;
	s5 =	simm.s32 $0x6  }
.LBB2_6:
0x1a: {  	[spmem:s2] =	stream.indirect.scatter.add.f32 [tilespmem:s29], [sflag:$0x6], $0x80, s26, s25, $0xb8;
	[tilespmem:$0x1D100] =	vst v63  }
0x1b: {  	_ =	swait.ge [sflag:s28], $0x2800  }
0x1c: {  	[sflag:s28] =	ssyncset.done $0x0  }
0x1d: {  	s8 =	rddreg [dreg:$0x5];
	[sflag:s28] =	ssyncadd.s32 $0xFFFFD800  }
0x1e: {  	[tilespmem:s24], [sflag:$0x3] =	stream.linear.gather [hbm4b:s8+s3], $0x50, $0x38;
	[tilespmem:$0x1D100] =	vst v63  }
0x1f: {  	s11 =	simm.s32 $0x3E00  }
0x20: {  	[tilespmem:s23], [sflag:$0x1] =	stream.indirect.gather [hbm4b:s4+s25], $0x80, s11, s25, $0xb8;
	[tilespmem:$0x1D100] =	vst v63  }
0x21: {  	_ =	swait.ge [sflag:s30], $0x50  }
0x22: {  	[sflag:s30] =	ssyncset.done $0x0  }
0x23: {  	[sflag:s30] =	ssyncadd.s32 $0xFFFFFFB0  }
0x24: {  	_ =	swait.ge [sflag:s31], $0x2800  }
0x25: {  	[sflag:s31] =	ssyncset.done $0x0  }
0x26: {  	[sflag:s31] =	ssyncadd.s32 $0xFFFFD800  }
0x27: {  	[spmem:s2] =	stream.indirect.scatter.add.f32 [tilespmem:s23], [sflag:$0x5], $0x80, s24, s25, $0xb8;
	[tilespmem:$0x1D100] =	vst v63  }
0x28: {  	_ =	swait.ge [sflag:s28], $0x2800  }
0x29: {  	[sflag:s28] =	ssyncset.done $0x0  }
0x2a: {  	[sflag:s28] =	ssyncadd.s32 $0xFFFFD800  }
0x2b: {  	_ =	swait.ge [sflag:s5], $0x2800  }
0x2c: {  	[sflag:s5] =	ssyncset.done $0x0  }
0x2d: {  	s10 =	stileid.u32;
	[sflag:s5] =	ssyncadd.s32 $0xFFFFD800  }
0x2e: {  	s8 =	sshll.u32 s10, $0x6;
	[bflag:$0x0] =	sbarrier.arrive $0xFFFF  }
0x2f: {  	s10 =	sshrl.u32 s9, $0x3;
	s8 =	sor.u32 $0x1C07, s8;
	s11 =	rddreg [dreg:$0x6]  }
0x30: {  	[hbm:s11], [sflag:s8] =	dma.local [spmem:s10], $0x2800  }
0x31: {  	_ =	swait.ge [sflag:s22], $0x2800  }
0x32: {  	s7 =	sadd.s32 $0x1, s7;
	s11 =	rddreg [dreg:$0x7]  }
0x33: {  	p0 =	sne.s32 s7, s11  }
.Ltmp1:
0x34: {  	_ = 	snop;
	(pc) =	sbr.rel @!p0 .LBB2_7-.Ltmp1, $3  }
0x35: {  	_ =	sdelay $0x1  }
0x36: {  	[sflag:s22] =	ssyncset.done $0x0  }
0x37: {  	[sflag:s22] =	ssyncadd.s32 $0xFFFFD800  }
.LBB2_1:
0x38: {  	s8 =	rddreg [dreg:$0x4]  }
0x39: {  	[tilespmem:s3], [sflag:$0x7] =	stream.linear.gather [hbm4b:s8+s3], $0x3E80, $0x38;
	[tilespmem:$0x1D100] =	vst v63  }
0x3a: {  	_ =	swait.ge [sflag:s22], $0x3E80  }
0x3b: {  	[sflag:s22] =	ssyncset.done $0x0  }
0x3c: {  	s10 =	simm.s32 $0x200;
	s8 =	simm.s32 $0x0;
	[sflag:s22] =	ssyncadd.s32 $0xFFFFC180  }
.LBB2_2:
0x3d: {  	p0 =	sne.s32 s10, $0x9E00;
	[tilespmem:s8+$0x4170] =	vst v0  }
0x3e: {  	[tilespmem:s8+$0x4100] =	vst v0  }
0x3f: {  	[tilespmem:s8+$0x4110] =	vst v0  }
.Ltmp2:
0x40: {  	[tilespmem:s8+$0x4120] =	vst v0;
	(pc) =	sbr.rel @p0 .LBB2_2-.Ltmp2, $4  }
0x41: {  	[tilespmem:s8+$0x4130] =	vst v0  }
0x42: {  	[tilespmem:s8+$0x4140] =	vst v0  }
0x43: {  	[tilespmem:s8+$0x4150] =	vst v0  }
0x44: {  	[tilespmem:s8+$0x4160] =	vst v0;
	s8 =	sshra.s32 s10, $0x2;
	s10 =	sadd.s32 $0x200, s10  }
0x45: {  	[tilespmem:s8+$0x4170] =	vst v0  }
0x46: {  	[tilespmem:s8+$0x4100] =	vst v0  }
0x47: {  	[tilespmem:s8+$0x4110] =	vst v0  }
0x48: {  	[tilespmem:s8+$0x4120] =	vst v0  }
0x49: {  	[tilespmem:s8+$0x4130] =	vst v0  }
0x4a: {  	[tilespmem:s8+$0x4140] =	vst v0  }
0x4b: {  	[tilespmem:s8+$0x4150] =	vst v0  }
0x4c: {  	[tilespmem:s8+$0x4160] =	vst v0  }
0x4d: {  	[spmem:s9] =	stream.linear.scatter [tilespmem:s23], [sflag:$0x7], $0x2800, $0x38;
	[tilespmem:$0x1D100] =	vst v63  }
0x4e: {  	_ =	swait.ge [sflag:s22], $0x2800  }
0x4f: {  	[sflag:s22] =	ssyncset.done $0x0  }
0x50: {  	s10 =	rddreg [dreg:$0x8];
	[sflag:s22] =	ssyncadd.s32 $0xFFFFD800  }
0x51: {  	[spmem:s10] =	stream.linear.scatter [tilespmem:s23], [sflag:$0x7], $0x2800, $0x38;
	[tilespmem:$0x1D100] =	vst v63  }
0x52: {  	_ =	swait.ge [sflag:s22], $0x2800  }
0x53: {  	[sflag:s22] =	ssyncset.done $0x0  }
0x54: {  	[sflag:s22] =	ssyncadd.s32 $0xFFFFD800  }
0x55: {  	[spmem:s12] =	stream.linear.scatter [tilespmem:s23], [sflag:$0x7], $0x2800, $0x38;
	[tilespmem:$0x1D100] =	vst v63  }
0x56: {  	_ =	swait.ge [sflag:s22], $0x2800  }
0x57: {  	[sflag:s22] =	ssyncset.done $0x0  }
0x58: {  	[sflag:s22] =	ssyncadd.s32 $0xFFFFD800  }
0x59: {  	[spmem:s13] =	stream.linear.scatter [tilespmem:s23], [sflag:$0x7], $0x2800, $0x38;
	[tilespmem:$0x1D100] =	vst v63  }
0x5a: {  	_ =	swait.ge [sflag:s22], $0x2800  }
0x5b: {  	[sflag:s22] =	ssyncset.done $0x0  }
0x5c: {  	[sflag:s22] =	ssyncadd.s32 $0xFFFFD800  }
0x5d: {  	[spmem:s14] =	stream.linear.scatter [tilespmem:s23], [sflag:$0x7], $0x2800, $0x38;
	[tilespmem:$0x1D100] =	vst v63  }
0x5e: {  	_ =	swait.ge [sflag:s22], $0x2800  }
0x5f: {  	[sflag:s22] =	ssyncset.done $0x0  }
0x60: {  	[sflag:s22] =	ssyncadd.s32 $0xFFFFD800  }
0x61: {  	[spmem:s15] =	stream.linear.scatter [tilespmem:s23], [sflag:$0x7], $0x2800, $0x38;
	[tilespmem:$0x1D100] =	vst v63  }
0x62: {  	_ =	swait.ge [sflag:s22], $0x2800  }
0x63: {  	[sflag:s22] =	ssyncset.done $0x0  }
0x64: {  	[sflag:s22] =	ssyncadd.s32 $0xFFFFD800  }
0x65: {  	[spmem:s16] =	stream.linear.scatter [tilespmem:s23], [sflag:$0x7], $0x2800, $0x38;
	[tilespmem:$0x1D100] =	vst v63  }
0x66: {  	_ =	swait.ge [sflag:s22], $0x2800  }
0x67: {  	[sflag:s22] =	ssyncset.done $0x0  }
0x68: {  	[sflag:s22] =	ssyncadd.s32 $0xFFFFD800  }
0x69: {  	[spmem:s17] =	stream.linear.scatter [tilespmem:s23], [sflag:$0x7], $0x2800, $0x38;
	[tilespmem:$0x1D100] =	vst v63  }
0x6a: {  	_ =	swait.ge [sflag:s22], $0x2800  }
0x6b: {  	[sflag:s22] =	ssyncset.done $0x0  }
0x6c: {  	[sflag:s22] =	ssyncadd.s32 $0xFFFFD800  }
0x6d: {  	s8 =	simm.s32 $0x0;
	[bflag:$0x0] =	sbarrier.arrive $0xFFFF  }
0x6e: {  	[tilespmem:s24], [sflag:$0x3] =	stream.linear.gather [hbm4b:s6+s8], $0x50, $0x38;
	[tilespmem:$0x1D100] =	vst v63  }
0x6f: {  	_ = 	snop  }
0x70: {  	[tilespmem:s23], [sflag:$0x1] =	stream.indirect.gather [hbm4b:s4+s25], $0x80, s8, s25, $0xb8;
	[tilespmem:$0x1D100] =	vst v63  }
0x71: {  	_ = 	snop  }
0x72: {  	[tilespmem:s26], [sflag:$0x4] =	stream.linear.gather [hbm4b:s18+s8], $0x50, $0x38;
	[tilespmem:$0x1D100] =	vst v63  }
0x73: {  	s10 =	simm.s32 $0x80  }
0x74: {  	[tilespmem:s29], [sflag:$0x2] =	stream.indirect.gather [hbm4b:s4+s25], $0x80, s10, s25, $0xb8;
	[tilespmem:$0x1D100] =	vst v63  }
0x75: {  	_ =	swait.ge [sflag:s30], $0x50  }
0x76: {  	[sflag:s30] =	ssyncset.done $0x0  }
0x77: {  	[sflag:s30] =	ssyncadd.s32 $0xFFFFFFB0  }
0x78: {  	_ =	swait.ge [sflag:s31], $0x2800  }
0x79: {  	[sflag:s31] =	ssyncset.done $0x0  }
0x7a: {  	[sflag:s31] =	ssyncadd.s32 $0xFFFFD800  }
0x7b: {  	[spmem:s2] =	stream.indirect.scatter.add.f32 [tilespmem:s23], [sflag:$0x5], $0x80, s24, s25, $0xb8;
	[tilespmem:$0x1D100] =	vst v63  }
0x7c: {  	_ =	swait.ge [sflag:s0], $0x50  }
0x7d: {  	[sflag:s0] =	ssyncset.done $0x0  }
0x7e: {  	[sflag:s0] =	ssyncadd.s32 $0xFFFFFFB0  }
0x7f: {  	_ =	swait.ge [sflag:s1], $0x2800  }
0x80: {  	[sflag:s1] =	ssyncset.done $0x0  }
0x81: {  	[sflag:s1] =	ssyncadd.s32 $0xFFFFD800  }
0x82: {  	_ =	swait.ge [sflag:s28], $0x2800  }
0x83: {  	[sflag:s28] =	ssyncset.done $0x0  }
0x84: {  	[sflag:s28] =	ssyncadd.s32 $0xFFFFD800  }
0x85: {  	[tilespmem:s24], [sflag:$0x3] =	stream.linear.gather [hbm4b:s19+s8], $0x50, $0x38;
	[tilespmem:$0x1D100] =	vst v63  }
0x86: {  	s11 =	simm.s32 $0x100  }
0x87: {  	[tilespmem:s23], [sflag:$0x1] =	stream.indirect.gather [hbm4b:s4+s25], $0x80, s11, s25, $0xb8;
	[tilespmem:$0x1D100] =	vst v63  }
0x88: {  	s10 =	simm.s32 $0x180  }
0x89: {  	[spmem:s2] =	stream.indirect.scatter.add.f32 [tilespmem:s29], [sflag:$0x6], $0x80, s26, s25, $0xb8;
	[tilespmem:$0x1D100] =	vst v63  }
.LBB2_4:
0x8a: {  	_ =	swait.ge [sflag:s5], $0x2800  }
0x8b: {  	[sflag:s5] =	ssyncset.done $0x0  }
0x8c: {  	s11 =	sadd.s32 s8, s20;
	[sflag:s5] =	ssyncadd.s32 $0xFFFFD800  }
0x8d: {  	[tilespmem:s26], [sflag:$0x4] =	stream.linear.gather [hbm4b:s11+s3], $0x50, $0x38;
	[tilespmem:$0x1D100] =	vst v63  }
0x8e: {  	_ = 	snop  }
0x8f: {  	[tilespmem:s29], [sflag:$0x2] =	stream.indirect.gather [hbm4b:s4+s25], $0x80, s10, s25, $0xb8;
	[tilespmem:$0x1D100] =	vst v63  }
0x90: {  	_ =	swait.ge [sflag:s30], $0x50  }
0x91: {  	[sflag:s30] =	ssyncset.done $0x0  }
0x92: {  	[sflag:s30] =	ssyncadd.s32 $0xFFFFFFB0  }
0x93: {  	_ =	swait.ge [sflag:s31], $0x2800  }
0x94: {  	[sflag:s31] =	ssyncset.done $0x0  }
0x95: {  	[sflag:s31] =	ssyncadd.s32 $0xFFFFD800  }
0x96: {  	[spmem:s2] =	stream.indirect.scatter.add.f32 [tilespmem:s23], [sflag:$0x5], $0x80, s24, s25, $0xb8;
	[tilespmem:$0x1D100] =	vst v63  }
0x97: {  	p0 =	seq.s32 s8, $0x4B0;
	_ =	swait.ge [sflag:s0], $0x50  }
.Ltmp3:
0x98: {  	[sflag:s0] =	ssyncset.done $0x0;
	(pc) =	sbr.rel @p0 .LBB2_6-.Ltmp3, $4  }
0x99: {  	[sflag:s0] =	ssyncadd.s32 $0xFFFFFFB0  }
0x9a: {  	_ =	swait.ge [sflag:s1], $0x2800  }
0x9b: {  	[sflag:s1] =	ssyncset.done $0x0  }
0x9c: {  	[sflag:s1] =	ssyncadd.s32 $0xFFFFD800  }
0x9d: {  	_ =	swait.ge [sflag:s28], $0x2800  }
0x9e: {  	[sflag:s28] =	ssyncset.done $0x0  }
0x9f: {  	s11 =	sadd.s32 s8, s21;
	[sflag:s28] =	ssyncadd.s32 $0xFFFFD800  }
0xa0: {  	[tilespmem:s24], [sflag:$0x3] =	stream.linear.gather [hbm4b:s11+s3], $0x50, $0x38;
	[tilespmem:$0x1D100] =	vst v63  }
.Ltmp4:
0xa1: {  	_ = 	snop;
	(pc) =	sbr.rel .LBB2_4-.Ltmp4, $4  }
0xa2: {  	s11 =	sadd.s32 $0x80, s10  }
0xa3: {  	[tilespmem:s23], [sflag:$0x1] =	stream.indirect.gather [hbm4b:s4+s25], $0x80, s11, s25, $0xb8;
	[tilespmem:$0x1D100] =	vst v63  }
0xa4: {  	s8 =	sadd.s32 $0x14, s8;
	s10 =	sadd.s32 $0x100, s10  }
0xa5: {  	[spmem:s2] =	stream.indirect.scatter.add.f32 [tilespmem:s29], [sflag:$0x6], $0x80, s26, s25, $0xb8;
	[tilespmem:$0x1D100] =	vst v63  }
.LBB2_7:
0xa6: {  	_ =	sfence.sel $0x180000  }
0xa7: {  	[bflag:$0x0] =	sbarrier.arrive $0xFFFF  }
0xa8: {  	_ =	strace $0x9000004D  }
0xa9: {  	s0 =	stileid.u32;
	[bflag:$0x2] =	sbarrier.arrive $0xFFFF  }
0xaa: {  	p0 =	sne.s32 s0, $0x0;
	s0 =	rddreg [dreg:$0x3]  }
0xab: {  	s0 =	sadd.s32 @!p0 $0x100000, s0  }
0xac: {  	[sflag:s0] =	ssyncadd.tile.s32 @!p0 $0x1;
	_ =	shalt  }
.Lfunc_end2:
_tile_overlayer_lowered:
.L_overlay_start_2:
0xad: {  	(tag) =	ssettag $0x2  }
0xae: {  	s0 =	rddreg [dreg:$0x0];
	s2 =	stileid.u32  }
0xaf: {  	s1 =	rddreg [dreg:$0x1];
	p0 =	sne.s32 s2, $0x0  }
0xb0: {  	s3 =	rddreg [dreg:$0x2];
	[bflag:$0x3] =	sbarrier.arrive $0xFFFF;
	s2 =	simm.s32 @!p0 $0x1C07  }
0xb1: {  	[timem:s3], [sflag:s2] =	dma.local @!p0 [hbm:s0], s1  }
0xb2: {  	s0 =	simm.s32 @!p0 $0x7  }
0xb3: {  	_ =	swait.ge @!p0 [sflag:s0], s1  }
0xb4: {  	s1 =	ssub.s32 @!p0 $0x0, s1;
	[sflag:s0] =	ssyncset.done @!p0 $0x0  }
0xb5: {  	[sflag:s0] =	ssyncadd.s32 @!p0 s1  }
0xb6: {  	[bflag:$0x3] =	sbarrier.arrive $0xFFFF  }
0xb7: {  	_ =	shalt  }

// kernel: kernel.21.cloned.1.call-start
scs
__scs_entry_jumppad:
0x0: {  	(pc) =	sbr.rel $0x88, $3  }
0x1: {  	(tag) =	ssettag $0x0;
	lr =	simm.s32 $0x1  }
0x2: {  	[smem:$0x3F98] =	sst lr;
	_ =	strace $0xD0000000  }
0x3: {  	_ = 	snop  }
0x4: {  	_ = 	snop  }
0x5: {  	_ = 	snop  }
0x6: {  	_ = 	snop  }
0x7: {  	_ = 	snop  }
__scs_overlays_trampoline_lowered:
0x8: {  	[smem:$0x3FA7] =	sst s0  }
0x9: {  	[smem:$0x3FA8] =	sst s1  }
0xa: {  	[smem:$0x3FA9] =	sst s2  }
0xb: {  	[smem:$0x3FAA] =	sst s3  }
0xc: {  	[smem:$0x3FAB] =	sst s4  }
0xd: {  	[smem:$0x3FAC] =	sst s5  }
0xe: {  	[smem:$0x3FAD] =	sst s6  }
0xf: {  	[smem:$0x3FAE] =	sst s7  }
0x10: {  	[smem:$0x3FAF] =	sst s8  }
0x11: {  	[smem:$0x3FB0] =	sst s9;
	s0 =	simm.s32 @!p0 $0x0  }
0x12: {  	s1 =	sld [smem:$0x3F96];
	s0 =	simm.s32 @p0 $0x1  }
0x13: {  	[smem:$0x3FB1] =	sst s0;
	s0 =	simm.s32 @!p1 $0x0  }
0x14: {  	s2 =	sld [smem:$0x3F95];
	s0 =	simm.s32 @p1 $0x1  }
0x15: {  	[smem:$0x3FB2] =	sst s0;
	s0 =	simm.s32 @!p2 $0x0  }
0x16: {  	s3 =	sld [smem:$0x3FDB];
	s0 =	simm.s32 @p2 $0x1  }
0x17: {  	s4 =	simm.s32 $0x1BF5;
	[smem:$0x3FB4] =	sst s0  }
0x18: {  	s0 =	sld [smem:$0x3F97];
	_ =	swait.ge [sflag:s4], $0x0  }
0x19: {  	s7 =	sld [smem:$0x3F98]  }
0x1a: {  	s8 =	sadd.s32 $0xFFFFE003, lr  }
0x1b: {  	s9 =	sadd.s32 $0xFFFFFEF7, lr;
	s5 =	simm.s32 $0xFFFFFFFF;
	p2 =	slt.u32 s8, $0xFFFFF086  }
0x1c: {  	p1 =	slt.u32 s9, $0xF7A;
	s5 =	simm.s32 @!p2 $0x0  }
0x1d: {  	s5 =	simm.s32 @p1 $0x1;
	p0 =	seq.s32 s7, s2  }
0x1e: {  	s7 =	smul.u32 @!p0 $0xF7A, s2;
	p2 =	seq.s32 @!p0 s5, $0x0  }
0x1f: {  	s9 =	smul.u32 $0xF7A, s1;
	s8 =	simm.s32 @!p0 $0x1BF5;
	p2 =	por !p2, p0  }
0x20: {  	[sflag:s8] =	ssyncset.s32 @!p0 $0xFFFFF086;
	s6 =	sadd.s32 @!p0 s3, s7;
	s7 =	simm.s32 @!p0 $0x108  }
0x21: {  	s3 =	sadd.s32 s3, s9;
	s6 =	sadd.s32 @!p0 $0x88, s6;
	s7 =	simm.s32 @p2 $0x1082  }
0x22: {  	[simem:s7], [sflag:s8] =	dma.local @!p0 [hbm:s6], $0xF7A  }
0x23: {  	s9 =	sor.u32 $0xD0000000, s2;
	s6 =	simm.s32 $0x108;
	_ =	swait.ge @!p0 [sflag:s8], $0x0  }
0x24: {  	s3 =	sadd.s32 $0x88, s3;
	s6 =	simm.s32 @!p1 $0x1082;
	[sflag:s4] =	ssyncset.s32 $0xFFFFF086  }
0x25: {  	[simem:s6], [sflag:s4] =	dma.local [hbm:s3], $0xF7A  }
0x26: {  	[smem:$0x3F98] =	sst s1;
	(tag) =	ssettag s2;
	_ =	strace s9  }
0x27: {  	s1 =	sld [smem:$0x3FA8]  }
0x28: {  	s2 =	sld [smem:$0x3FA9]  }
0x29: {  	s4 =	sld [smem:$0x3FAB]  }
0x2a: {  	p0 =	seq.s32 s5, $0x0;
	s5 =	sld [smem:$0x3FAC]  }
0x2b: {  	s6 =	sld [smem:$0x3FAD]  }
0x2c: {  	s7 =	sld [smem:$0x3FAE]  }
0x2d: {  	s3 =	simm.s32 $0x108;
	s8 =	sld [smem:$0x3FAF]  }
0x2e: {  	s3 =	simm.s32 @!p0 $0x1082;
	s9 =	sld [smem:$0x3FB0]  }
0x2f: {  	lr =	sadd.s32 s0, s3;
	s0 =	sld [smem:$0x3FA7]  }
0x30: {  	s3 =	sld [smem:$0x3FAA]  }
0x31: {  	[smem:$0x3FB3] =	sst s10  }
0x32: {  	s10 =	sld [smem:$0x3FB1];
	_ =	sdelay $0x3  }
0x33: {  	p0 =	seq.s32 s10, $0x1;
	s10 =	sld [smem:$0x3FB3];
	_ =	sdelay $0x3  }
0x34: {  	[smem:$0x3FB3] =	sst s10  }
0x35: {  	s10 =	sld [smem:$0x3FB2];
	_ =	sdelay $0x3  }
0x36: {  	p1 =	seq.s32 s10, $0x1;
	s10 =	sld [smem:$0x3FB3];
	_ =	sdelay $0x3  }
0x37: {  	[smem:$0x3FB3] =	sst s10  }
0x38: {  	s10 =	sld [smem:$0x3FB4]  }
0x39: {  	_ = 	snop;
	(pc) =	sbr.ind lr, $3  }
0x3a: {  	_ = 	snop  }
0x3b: {  	_ = 	snop  }
0x3c: {  	p2 =	seq.s32 s10, $0x1;
	s10 =	sld [smem:$0x3FB3]  }
0x3d: {  	_ =	shalt  }
0x3e: {  	_ =	shalt  }
0x3f: {  	_ =	shalt  }
0x40: {  	_ =	shalt  }
0x41: {  	_ =	shalt  }
0x42: {  	_ =	shalt  }
0x43: {  	_ =	shalt  }
0x44: {  	_ =	shalt  }
0x45: {  	_ =	shalt  }
0x46: {  	_ =	shalt  }
0x47: {  	_ =	shalt  }
0x48: {  	_ =	shalt  }
0x49: {  	_ =	shalt  }
0x4a: {  	_ =	shalt  }
0x4b: {  	_ =	shalt  }
0x4c: {  	_ =	shalt  }
0x4d: {  	_ =	shalt  }
0x4e: {  	_ =	shalt  }
0x4f: {  	_ =	shalt  }
0x50: {  	_ =	shalt  }
0x51: {  	_ =	shalt  }
0x52: {  	_ =	shalt  }
0x53: {  	_ =	shalt  }
0x54: {  	_ =	shalt  }
0x55: {  	_ =	shalt  }
0x56: {  	_ =	shalt  }
0x57: {  	_ =	shalt  }
0x58: {  	_ =	shalt  }
0x59: {  	_ =	shalt  }
0x5a: {  	_ =	shalt  }
0x5b: {  	_ =	shalt  }
0x5c: {  	_ =	shalt  }
0x5d: {  	_ =	shalt  }
0x5e: {  	_ =	shalt  }
0x5f: {  	_ =	shalt  }
0x60: {  	_ =	shalt  }
0x61: {  	_ =	shalt  }
0x62: {  	_ =	shalt  }
0x63: {  	_ =	shalt  }
0x64: {  	_ =	shalt  }
0x65: {  	_ =	shalt  }
0x66: {  	_ =	shalt  }
0x67: {  	_ =	shalt  }
0x68: {  	_ =	shalt  }
0x69: {  	_ =	shalt  }
0x6a: {  	_ =	shalt  }
0x6b: {  	_ =	shalt  }
0x6c: {  	_ =	shalt  }
0x6d: {  	_ =	shalt  }
0x6e: {  	_ =	shalt  }
0x6f: {  	_ =	shalt  }
0x70: {  	_ =	shalt  }
0x71: {  	_ =	shalt  }
0x72: {  	_ =	shalt  }
0x73: {  	_ =	shalt  }
0x74: {  	_ =	shalt  }
0x75: {  	_ =	shalt  }
0x76: {  	_ =	shalt  }
0x77: {  	_ =	shalt  }
0x78: {  	_ =	shalt  }
0x79: {  	_ =	shalt  }
0x7a: {  	_ =	shalt  }
0x7b: {  	_ =	shalt  }
0x7c: {  	_ =	shalt  }
0x7d: {  	_ =	shalt  }
0x7e: {  	_ =	shalt  }
0x7f: {  	_ =	shalt  }
0x80: {  	_ =	shalt  }
0x81: {  	_ =	shalt  }
0x82: {  	_ =	shalt  }
0x83: {  	_ =	shalt  }
0x84: {  	_ =	shalt  }
0x85: {  	_ =	shalt  }
0x86: {  	_ =	shalt  }
0x87: {  	_ =	shalt  }
.Lfunc_end0:
.L_simem_size_0:
called_computation.3_lowered:
.L_overlay_start_0:
0x88: {  	s2 =	sld [smem:$0x3FD9]  }
0x89: {  	s3 =	sld [smem:$0x3FFE];
	_ =	sdelay $0x1  }
0x8a: {  	s1 =	srdreg.scid  }
0x8b: {  	s0 =	sand.u32 $0x1, s1  }
0x8c: {  	s17 =	sshll.u32 s0, $0xA;
	s2 =	sadd.s32 s3, s2  }
0x8d: {  	s2 =	sadd.s32 s2, s17  }
0x8e: {  	[smem:$0x3FBF] =	sst s2  }
0x8f: {  	_ = 	snop  }
0x90: {  	s2 =	sld [smem:$0x3FD0];
	(tm) =	ssettm $0x1  }
0x91: {  	s18 =	sld [smem:$0x3FFB];
	_ =	sdelay $0x3  }
0x92: {  	_ =	strace s18  }
0x93: {  	s3 =	sld [smem:$0x3FFC];
	_ =	sdelay $0x3  }
0x94: {  	_ =	strace s3  }
0x95: {  	s3 =	sld [smem:$0x3FFD];
	_ =	sdelay $0x3  }
0x96: {  	_ =	strace s3  }
0x97: {  	_ =	strace $0x8FFFFFFF  }
0x98: {  	s19 =	sld [smem:$0x3FDB];
	_ =	sdelay $0x1  }
0x99: {  	s4 =	simm.s32 $_scs_section_size  }
0x9a: {  	s5 =	simm.s32 $_size__tile_overlayer_lowered;
	s6 =	simm.s32 $_tile_overlayer_lowered  }
0x9b: {  	s22 =	simm.s32 $0x1BFF;
	s21 =	sshll.u32 s6, $0x1;
	s3 =	sadd.s32 s4, s19  }
0x9c: {  	s7 =	simm.s32 $0x0;
	s20 =	sshll.u32 s5, $0x1;
	s5 =	sadd.s32 s21, s3  }
0x9d: {  	[timem:s7], [sflag:s22] =	dma.local [hbm:s5], s20  }
0x9e: {  	_ =	swait.ge [sflag:s22], s20  }
0x9f: {  	s4 =	ssub.s32 $0x0, s20;
	[sflag:s22] =	ssyncset.done $0x0  }
0xa0: {  	[sflag:s22] =	ssyncadd.s32 s4;
	_ =	sdelay $0x1  }
0xa1: {  	s23 =	simm.s32 $0x1B8B  }
0xa2: {  	_ =	swait.ge [sflag:s23], $0x1  }
0xa3: {  	[sflag:s23] =	ssyncset.done $0x0  }
0xa4: {  	s25 =	simm.s32 $0x1B8E;
	s24 =	sld [smem:$0x3FFE];
	[sflag:s23] =	ssyncadd.s32 $0xFFFFFFFF  }
0xa5: {  	s26 =	simm.s32 $execute0_lowered;
	[smem:$0x3FD2] =	sst s25  }
0xa6: {  	s5 =	sshll.u32 s26, $0x1;
	_ =	strace $0x8000004F;
	[dreg:$0x1] =	wrdreg $0xFFFFFFFF  }
0xa7: {  	s28 =	simm.s32 $_size_execute0_lowered;
	s3 =	sadd.s32 s3, s5;
	[dreg:$0x0] =	wrdreg $0x0  }
0xa8: {  	s5 =	sshll.u32 s28, $0x1;
	[dreg:$0x2] =	wrdreg s3  }
0xa9: {  	[dreg:$0x3] =	wrdreg s5  }
0xaa: {  	[dreg:$0x4] =	wrdreg $0xC0  }
0xab: {  	_ =	task [dreg:s7], $0x5FFFF  }
0xac: {  	[dreg:$0x1] =	wrdreg $0xFFFFFFFF  }
0xad: {  	[dreg:$0x0] =	wrdreg $0x60  }
0xae: {  	[dreg:$0x2] =	wrdreg s24  }
0xaf: {  	[dreg:$0x3] =	wrdreg s2  }
0xb0: {  	[dreg:$0x4] =	wrdreg $0x91000  }
0xb1: {  	[dreg:$0x5] =	wrdreg $0x9  }
0xb2: {  	_ =	task.clear_ibuf [dreg:s7], $0x6FFFF;
	_ =	strace $0x9000004F  }
0xb3: {  	s29 =	simm.s32 $0x9;
	_ =	strace $0x80000051  }
0xb4: {  	_ =	swait.ge [sflag:s29], $0x1  }
0xb5: {  	[sflag:s29] =	ssyncadd.s32 $0xFFFFFFFF  }
0xb6: {  	_ =	strace $0x90000051  }
0xb7: {  	_ =	sfence  }
0xb8: {  	s30 =	sld [smem:$0x0];
	_ =	sdelay $0x2  }
0xb9: {  	s31 =	sshll.u32 s1, $0xD;
	s1 =	sshrl.u32 s1, $0x2  }
0xba: {  	s3 =	sand.u32 $0x4000, s31;
	s1 =	sadd.s32 s1, s30  }
0xbb: {  	s0 =	sor.u32 s3, s0;
	s1 =	sshll.u32 s1, $0x11  }
0xbc: {  	s0 =	sor.u32 s1, s0  }
0xbd: {  	s0 =	sadd.s32 $0x8F2B, s0  }
0xbe: {  	[sflag:s0] =	ssyncadd.remote.s32 $0x1  }
0xbf: {  	_ =	sfence.sel $0xFFFF  }
0xc0: {  	[dreg:$0x0] =	wrdreg $0xFFFFFFFF;
	(pc) =	sbr.abs _section_cstart, $3  }
0xc1: {  	[dreg:$0x1] =	wrdreg $0xFFFFFFFF  }
0xc2: {  	_ =	task.clear_ibuf [dreg:s7], $0x2FFFF;
	_ =	strace $0x9FFFFFFF  }
0xc3: {  	(tm) =	ssettm $0x7FFFFFFF  }
tec
execute0_lowered:
.L_overlay_start_1:
0x0: {  	(tag) =	ssettag $0x1  }
0x1: {  	s0 =	rddreg [dreg:$0x0]  }
0x2: {  	s1 =	rddreg [dreg:$0x1]  }
0x3: {  	s2 =	rddreg [dreg:$0x2]  }
0x4: {  	s3 =	srdreg.scid;
	s11 =	stileid.u32;
	s29 =	simm.s32 $0x6900  }
0x5: {  	s30 =	simm.s32 $0x3;
	s31 =	simm.s32 $0x1;
	s7 =	smul.u32 $0x14000, s11  }
0x6: {  	s28 =	simm.s32 $0x5;
	s5 =	sand.u32 $0x1, s3;
	s10 =	smul.u32 $0x50000, s11  }
0x7: {  	s3 =	simm.s32 $0x0;
	s6 =	sshll.u32 s11, $0x1;
	s25 =	smul.u32 $0x4E20, s11  }
0x8: {  	s4 =	smul.u32 $0x140000, s5;
	[smem:$0x7FF] =	sst s3;
	s6 =	sor.u32 s5, s6  }
0x9: {  	s21 =	ssub.s32 $0x2, s5;
	s5 =	smul.u32 $0x2710, s5;
	_ =	strace $0x80000050  }
0xa: {  	s8 =	sshll.u32 s6, $0xB;
	s6 =	smul.u32 $0x2710, s6;
	s9 =	sshrl.u32 s21, $0x1  }
0xb: {  	s23 =	sshrl.u32 s10, $0x2;
	s4 =	sadd.s32 s7, s4;
	s19 =	sadd.s32 s8, s0  }
0xc: {  	s8 =	ssub.s32 s21, s9;
	s9 =	sadd.s32 s23, s2;
	s23 =	simm.s32 $0x4100  }
0xd: {  	s20 =	sshrl.u32 s4, $0x3;
	s4 =	sadd.s32 $0x2E00, s0;
	s6 =	sshrl.u32 s6, $0x3  }
0xe: {  	s7 =	sadd.s32 $0x52E00, s19;
	s24 =	smax.u32 s8, $0x1;
	s26 =	sadd.s32 $0x2800, s9  }
0xf: {  	s12 =	sadd.s32 $0x5000, s9;
	s13 =	sadd.s32 $0x7800, s9;
	s14 =	sadd.s32 $0xA000, s9  }
0x10: {  	s15 =	sadd.s32 $0xC800, s9;
	s16 =	sadd.s32 $0xF000, s9;
	[dreg:$0x4] =	wrdreg s7  }
0x11: {  	s17 =	sadd.s32 $0x11800, s9;
	s0 =	sadd.s32 s20, s0;
	[dreg:$0x7] =	wrdreg s24  }
0x12: {  	s6 =	sadd.s32 s1, s6;
	[dreg:$0x8] =	wrdreg s26;
	s24 =	simm.s32 $0x4000  }
0x13: {  	s26 =	simm.s32 $0x4080;
	s7 =	simm.s32 $0x0;
	s22 =	sadd.s32 $0x4D8, s6  }
0x14: {  	s0 =	sadd.s32 $0x62E00, s0;
	s18 =	sadd.s32 $0xA, s6;
	s19 =	sadd.s32 $0x14, s6  }
.Ltmp0:
0x15: {  	[dreg:$0x6] =	wrdreg s0;
	s0 =	sadd.s32 s5, s25;
	(pc) =	sbr.rel .LBB2_1-.Ltmp0, $4  }
0x16: {  	[dreg:$0x5] =	wrdreg s22;
	s5 =	sadd.s32 $0xF0, s0;
	s0 =	sadd.s32 $0x140, s0  }
0x17: {  	s22 =	simm.s32 $0x7;
	s5 =	sshrl.u32 s5, $0x3;
	s0 =	sshrl.u32 s0, $0x3  }
0x18: {  	s25 =	simm.s32 $0x50;
	s20 =	sadd.s32 s5, s1;
	s21 =	sadd.s32 s0, s1  }
0x19: {  	v0 =	vimm.f32 $0.0e+00;
	s0 =	simm.s32 $0x4;
	s1 =	simm.s32 $0x2;
	s5 =	simm.s32 $0x6  }
.LBB2_6:
0x1a: {  	[spmem:s2] =	stream.indirect.scatter.add.f32 [tilespmem:s29], [sflag:$0x6], $0x80, s26, s25, $0xb8;
	[tilespmem:$0x1D100] =	vst v63  }
0x1b: {  	_ =	swait.ge [sflag:s28], $0x2800  }
0x1c: {  	[sflag:s28] =	ssyncset.done $0x0  }
0x1d: {  	s8 =	rddreg [dreg:$0x5];
	[sflag:s28] =	ssyncadd.s32 $0xFFFFD800  }
0x1e: {  	[tilespmem:s24], [sflag:$0x3] =	stream.linear.gather [hbm4b:s8+s3], $0x50, $0x38;
	[tilespmem:$0x1D100] =	vst v63  }
0x1f: {  	s11 =	simm.s32 $0x3E00  }
0x20: {  	[tilespmem:s23], [sflag:$0x1] =	stream.indirect.gather [hbm4b:s4+s25], $0x80, s11, s25, $0xb8;
	[tilespmem:$0x1D100] =	vst v63  }
0x21: {  	_ =	swait.ge [sflag:s30], $0x50  }
0x22: {  	[sflag:s30] =	ssyncset.done $0x0  }
0x23: {  	[sflag:s30] =	ssyncadd.s32 $0xFFFFFFB0  }
0x24: {  	_ =	swait.ge [sflag:s31], $0x2800  }
0x25: {  	[sflag:s31] =	ssyncset.done $0x0  }
0x26: {  	[sflag:s31] =	ssyncadd.s32 $0xFFFFD800  }
0x27: {  	[spmem:s2] =	stream.indirect.scatter.add.f32 [tilespmem:s23], [sflag:$0x5], $0x80, s24, s25, $0xb8;
	[tilespmem:$0x1D100] =	vst v63  }
0x28: {  	_ =	swait.ge [sflag:s28], $0x2800  }
0x29: {  	[sflag:s28] =	ssyncset.done $0x0  }
0x2a: {  	[sflag:s28] =	ssyncadd.s32 $0xFFFFD800  }
0x2b: {  	_ =	swait.ge [sflag:s5], $0x2800  }
0x2c: {  	[sflag:s5] =	ssyncset.done $0x0  }
0x2d: {  	s10 =	stileid.u32;
	[sflag:s5] =	ssyncadd.s32 $0xFFFFD800  }
0x2e: {  	s8 =	sshll.u32 s10, $0x6;
	[bflag:$0x0] =	sbarrier.arrive $0xFFFF  }
0x2f: {  	s10 =	sshrl.u32 s9, $0x3;
	s8 =	sor.u32 $0x1C07, s8;
	s11 =	rddreg [dreg:$0x6]  }
0x30: {  	[hbm:s11], [sflag:s8] =	dma.local [spmem:s10], $0x2800  }
0x31: {  	_ =	swait.ge [sflag:s22], $0x2800  }
0x32: {  	s7 =	sadd.s32 $0x1, s7;
	s11 =	rddreg [dreg:$0x7]  }
0x33: {  	p0 =	sne.s32 s7, s11  }
.Ltmp1:
0x34: {  	_ = 	snop;
	(pc) =	sbr.rel @!p0 .LBB2_7-.Ltmp1, $3  }
0x35: {  	_ =	sdelay $0x1  }
0x36: {  	[sflag:s22] =	ssyncset.done $0x0  }
0x37: {  	[sflag:s22] =	ssyncadd.s32 $0xFFFFD800  }
.LBB2_1:
0x38: {  	s8 =	rddreg [dreg:$0x4]  }
0x39: {  	[tilespmem:s3], [sflag:$0x7] =	stream.linear.gather [hbm4b:s8+s3], $0x3E80, $0x38;
	[tilespmem:$0x1D100] =	vst v63  }
0x3a: {  	_ =	swait.ge [sflag:s22], $0x3E80  }
0x3b: {  	[sflag:s22] =	ssyncset.done $0x0  }
0x3c: {  	s10 =	simm.s32 $0x200;
	s8 =	simm.s32 $0x0;
	[sflag:s22] =	ssyncadd.s32 $0xFFFFC180  }
.LBB2_2:
0x3d: {  	p0 =	sne.s32 s10, $0x9E00;
	[tilespmem:s8+$0x4170] =	vst v0  }
0x3e: {  	[tilespmem:s8+$0x4100] =	vst v0  }
0x3f: {  	[tilespmem:s8+$0x4110] =	vst v0  }
.Ltmp2:
0x40: {  	[tilespmem:s8+$0x4120] =	vst v0;
	(pc) =	sbr.rel @p0 .LBB2_2-.Ltmp2, $4  }
0x41: {  	[tilespmem:s8+$0x4130] =	vst v0  }
0x42: {  	[tilespmem:s8+$0x4140] =	vst v0  }
0x43: {  	[tilespmem:s8+$0x4150] =	vst v0  }
0x44: {  	[tilespmem:s8+$0x4160] =	vst v0;
	s8 =	sshra.s32 s10, $0x2;
	s10 =	sadd.s32 $0x200, s10  }
0x45: {  	[tilespmem:s8+$0x4170] =	vst v0  }
0x46: {  	[tilespmem:s8+$0x4100] =	vst v0  }
0x47: {  	[tilespmem:s8+$0x4110] =	vst v0  }
0x48: {  	[tilespmem:s8+$0x4120] =	vst v0  }
0x49: {  	[tilespmem:s8+$0x4130] =	vst v0  }
0x4a: {  	[tilespmem:s8+$0x4140] =	vst v0  }
0x4b: {  	[tilespmem:s8+$0x4150] =	vst v0  }
0x4c: {  	[tilespmem:s8+$0x4160] =	vst v0  }
0x4d: {  	[spmem:s9] =	stream.linear.scatter [tilespmem:s23], [sflag:$0x7], $0x2800, $0x38;
	[tilespmem:$0x1D100] =	vst v63  }
0x4e: {  	_ =	swait.ge [sflag:s22], $0x2800  }
0x4f: {  	[sflag:s22] =	ssyncset.done $0x0  }
0x50: {  	s10 =	rddreg [dreg:$0x8];
	[sflag:s22] =	ssyncadd.s32 $0xFFFFD800  }
0x51: {  	[spmem:s10] =	stream.linear.scatter [tilespmem:s23], [sflag:$0x7], $0x2800, $0x38;
	[tilespmem:$0x1D100] =	vst v63  }
0x52: {  	_ =	swait.ge [sflag:s22], $0x2800  }
0x53: {  	[sflag:s22] =	ssyncset.done $0x0  }
0x54: {  	[sflag:s22] =	ssyncadd.s32 $0xFFFFD800  }
0x55: {  	[spmem:s12] =	stream.linear.scatter [tilespmem:s23], [sflag:$0x7], $0x2800, $0x38;
	[tilespmem:$0x1D100] =	vst v63  }
0x56: {  	_ =	swait.ge [sflag:s22], $0x2800  }
0x57: {  	[sflag:s22] =	ssyncset.done $0x0  }
0x58: {  	[sflag:s22] =	ssyncadd.s32 $0xFFFFD800  }
0x59: {  	[spmem:s13] =	stream.linear.scatter [tilespmem:s23], [sflag:$0x7], $0x2800, $0x38;
	[tilespmem:$0x1D100] =	vst v63  }
0x5a: {  	_ =	swait.ge [sflag:s22], $0x2800  }
0x5b: {  	[sflag:s22] =	ssyncset.done $0x0  }
0x5c: {  	[sflag:s22] =	ssyncadd.s32 $0xFFFFD800  }
0x5d: {  	[spmem:s14] =	stream.linear.scatter [tilespmem:s23], [sflag:$0x7], $0x2800, $0x38;
	[tilespmem:$0x1D100] =	vst v63  }
0x5e: {  	_ =	swait.ge [sflag:s22], $0x2800  }
0x5f: {  	[sflag:s22] =	ssyncset.done $0x0  }
0x60: {  	[sflag:s22] =	ssyncadd.s32 $0xFFFFD800  }
0x61: {  	[spmem:s15] =	stream.linear.scatter [tilespmem:s23], [sflag:$0x7], $0x2800, $0x38;
	[tilespmem:$0x1D100] =	vst v63  }
0x62: {  	_ =	swait.ge [sflag:s22], $0x2800  }
0x63: {  	[sflag:s22] =	ssyncset.done $0x0  }
0x64: {  	[sflag:s22] =	ssyncadd.s32 $0xFFFFD800  }
0x65: {  	[spmem:s16] =	stream.linear.scatter [tilespmem:s23], [sflag:$0x7], $0x2800, $0x38;
	[tilespmem:$0x1D100] =	vst v63  }
0x66: {  	_ =	swait.ge [sflag:s22], $0x2800  }
0x67: {  	[sflag:s22] =	ssyncset.done $0x0  }
0x68: {  	[sflag:s22] =	ssyncadd.s32 $0xFFFFD800  }
0x69: {  	[spmem:s17] =	stream.linear.scatter [tilespmem:s23], [sflag:$0x7], $0x2800, $0x38;
	[tilespmem:$0x1D100] =	vst v63  }
0x6a: {  	_ =	swait.ge [sflag:s22], $0x2800  }
0x6b: {  	[sflag:s22] =	ssyncset.done $0x0  }
0x6c: {  	[sflag:s22] =	ssyncadd.s32 $0xFFFFD800  }
0x6d: {  	s8 =	simm.s32 $0x0;
	[bflag:$0x0] =	sbarrier.arrive $0xFFFF  }
0x6e: {  	[tilespmem:s24], [sflag:$0x3] =	stream.linear.gather [hbm4b:s6+s8], $0x50, $0x38;
	[tilespmem:$0x1D100] =	vst v63  }
0x6f: {  	_ = 	snop  }
0x70: {  	[tilespmem:s23], [sflag:$0x1] =	stream.indirect.gather [hbm4b:s4+s25], $0x80, s8, s25, $0xb8;
	[tilespmem:$0x1D100] =	vst v63  }
0x71: {  	_ = 	snop  }
0x72: {  	[tilespmem:s26], [sflag:$0x4] =	stream.linear.gather [hbm4b:s18+s8], $0x50, $0x38;
	[tilespmem:$0x1D100] =	vst v63  }
0x73: {  	s10 =	simm.s32 $0x80  }
0x74: {  	[tilespmem:s29], [sflag:$0x2] =	stream.indirect.gather [hbm4b:s4+s25], $0x80, s10, s25, $0xb8;
	[tilespmem:$0x1D100] =	vst v63  }
0x75: {  	_ =	swait.ge [sflag:s30], $0x50  }
0x76: {  	[sflag:s30] =	ssyncset.done $0x0  }
0x77: {  	[sflag:s30] =	ssyncadd.s32 $0xFFFFFFB0  }
0x78: {  	_ =	swait.ge [sflag:s31], $0x2800  }
0x79: {  	[sflag:s31] =	ssyncset.done $0x0  }
0x7a: {  	[sflag:s31] =	ssyncadd.s32 $0xFFFFD800  }
0x7b: {  	[spmem:s2] =	stream.indirect.scatter.add.f32 [tilespmem:s23], [sflag:$0x5], $0x80, s24, s25, $0xb8;
	[tilespmem:$0x1D100] =	vst v63  }
0x7c: {  	_ =	swait.ge [sflag:s0], $0x50  }
0x7d: {  	[sflag:s0] =	ssyncset.done $0x0  }
0x7e: {  	[sflag:s0] =	ssyncadd.s32 $0xFFFFFFB0  }
0x7f: {  	_ =	swait.ge [sflag:s1], $0x2800  }
0x80: {  	[sflag:s1] =	ssyncset.done $0x0  }
0x81: {  	[sflag:s1] =	ssyncadd.s32 $0xFFFFD800  }
0x82: {  	_ =	swait.ge [sflag:s28], $0x2800  }
0x83: {  	[sflag:s28] =	ssyncset.done $0x0  }
0x84: {  	[sflag:s28] =	ssyncadd.s32 $0xFFFFD800  }
0x85: {  	[tilespmem:s24], [sflag:$0x3] =	stream.linear.gather [hbm4b:s19+s8], $0x50, $0x38;
	[tilespmem:$0x1D100] =	vst v63  }
0x86: {  	s11 =	simm.s32 $0x100  }
0x87: {  	[tilespmem:s23], [sflag:$0x1] =	stream.indirect.gather [hbm4b:s4+s25], $0x80, s11, s25, $0xb8;
	[tilespmem:$0x1D100] =	vst v63  }
0x88: {  	s10 =	simm.s32 $0x180  }
0x89: {  	[spmem:s2] =	stream.indirect.scatter.add.f32 [tilespmem:s29], [sflag:$0x6], $0x80, s26, s25, $0xb8;
	[tilespmem:$0x1D100] =	vst v63  }
.LBB2_4:
0x8a: {  	_ =	swait.ge [sflag:s5], $0x2800  }
0x8b: {  	[sflag:s5] =	ssyncset.done $0x0  }
0x8c: {  	s11 =	sadd.s32 s8, s20;
	[sflag:s5] =	ssyncadd.s32 $0xFFFFD800  }
0x8d: {  	[tilespmem:s26], [sflag:$0x4] =	stream.linear.gather [hbm4b:s11+s3], $0x50, $0x38;
	[tilespmem:$0x1D100] =	vst v63  }
0x8e: {  	_ = 	snop  }
0x8f: {  	[tilespmem:s29], [sflag:$0x2] =	stream.indirect.gather [hbm4b:s4+s25], $0x80, s10, s25, $0xb8;
	[tilespmem:$0x1D100] =	vst v63  }
0x90: {  	_ =	swait.ge [sflag:s30], $0x50  }
0x91: {  	[sflag:s30] =	ssyncset.done $0x0  }
0x92: {  	[sflag:s30] =	ssyncadd.s32 $0xFFFFFFB0  }
0x93: {  	_ =	swait.ge [sflag:s31], $0x2800  }
0x94: {  	[sflag:s31] =	ssyncset.done $0x0  }
0x95: {  	[sflag:s31] =	ssyncadd.s32 $0xFFFFD800  }
0x96: {  	[spmem:s2] =	stream.indirect.scatter.add.f32 [tilespmem:s23], [sflag:$0x5], $0x80, s24, s25, $0xb8;
	[tilespmem:$0x1D100] =	vst v63  }
0x97: {  	p0 =	seq.s32 s8, $0x4B0;
	_ =	swait.ge [sflag:s0], $0x50  }
.Ltmp3:
0x98: {  	[sflag:s0] =	ssyncset.done $0x0;
	(pc) =	sbr.rel @p0 .LBB2_6-.Ltmp3, $4  }
0x99: {  	[sflag:s0] =	ssyncadd.s32 $0xFFFFFFB0  }
0x9a: {  	_ =	swait.ge [sflag:s1], $0x2800  }
0x9b: {  	[sflag:s1] =	ssyncset.done $0x0  }
0x9c: {  	[sflag:s1] =	ssyncadd.s32 $0xFFFFD800  }
0x9d: {  	_ =	swait.ge [sflag:s28], $0x2800  }
0x9e: {  	[sflag:s28] =	ssyncset.done $0x0  }
0x9f: {  	s11 =	sadd.s32 s8, s21;
	[sflag:s28] =	ssyncadd.s32 $0xFFFFD800  }
0xa0: {  	[tilespmem:s24], [sflag:$0x3] =	stream.linear.gather [hbm4b:s11+s3], $0x50, $0x38;
	[tilespmem:$0x1D100] =	vst v63  }
.Ltmp4:
0xa1: {  	_ = 	snop;
	(pc) =	sbr.rel .LBB2_4-.Ltmp4, $4  }
0xa2: {  	s11 =	sadd.s32 $0x80, s10  }
0xa3: {  	[tilespmem:s23], [sflag:$0x1] =	stream.indirect.gather [hbm4b:s4+s25], $0x80, s11, s25, $0xb8;
	[tilespmem:$0x1D100] =	vst v63  }
0xa4: {  	s8 =	sadd.s32 $0x14, s8;
	s10 =	sadd.s32 $0x100, s10  }
0xa5: {  	[spmem:s2] =	stream.indirect.scatter.add.f32 [tilespmem:s29], [sflag:$0x6], $0x80, s26, s25, $0xb8;
	[tilespmem:$0x1D100] =	vst v63  }
.LBB2_7:
0xa6: {  	_ =	sfence.sel $0x180000  }
0xa7: {  	[bflag:$0x0] =	sbarrier.arrive $0xFFFF  }
0xa8: {  	_ =	strace $0x90000050  }
0xa9: {  	s0 =	stileid.u32;
	[bflag:$0x2] =	sbarrier.arrive $0xFFFF  }
0xaa: {  	p0 =	sne.s32 s0, $0x0;
	s0 =	rddreg [dreg:$0x3]  }
0xab: {  	s0 =	sadd.s32 @!p0 $0x100000, s0  }
0xac: {  	[sflag:s0] =	ssyncadd.tile.s32 @!p0 $0x1;
	_ =	shalt  }
.Lfunc_end2:
_tile_overlayer_lowered:
.L_overlay_start_2:
0xad: {  	(tag) =	ssettag $0x2  }
0xae: {  	s0 =	rddreg [dreg:$0x0];
	s2 =	stileid.u32  }
0xaf: {  	s1 =	rddreg [dreg:$0x1];
	p0 =	sne.s32 s2, $0x0  }
0xb0: {  	s3 =	rddreg [dreg:$0x2];
	[bflag:$0x3] =	sbarrier.arrive $0xFFFF;
	s2 =	simm.s32 @!p0 $0x1C07  }
0xb1: {  	[timem:s3], [sflag:s2] =	dma.local @!p0 [hbm:s0], s1  }
0xb2: {  	s0 =	simm.s32 @!p0 $0x7  }
0xb3: {  	_ =	swait.ge @!p0 [sflag:s0], s1  }
0xb4: {  	s1 =	ssub.s32 @!p0 $0x0, s1;
	[sflag:s0] =	ssyncset.done @!p0 $0x0  }
0xb5: {  	[sflag:s0] =	ssyncadd.s32 @!p0 s1  }
0xb6: {  	[bflag:$0x3] =	sbarrier.arrive $0xFFFF  }
0xb7: {  	_ =	shalt  }

// kernel: kernel.24.cloned.1.call-start
scs
__scs_entry_jumppad:
0x0: {  	(pc) =	sbr.rel $0x88, $3  }
0x1: {  	(tag) =	ssettag $0x0;
	lr =	simm.s32 $0x1  }
0x2: {  	[smem:$0x3F98] =	sst lr;
	_ =	strace $0xD0000000  }
0x3: {  	_ = 	snop  }
0x4: {  	_ = 	snop  }
0x5: {  	_ = 	snop  }
0x6: {  	_ = 	snop  }
0x7: {  	_ = 	snop  }
__scs_overlays_trampoline_lowered:
0x8: {  	[smem:$0x3FA7] =	sst s0  }
0x9: {  	[smem:$0x3FA8] =	sst s1  }
0xa: {  	[smem:$0x3FA9] =	sst s2  }
0xb: {  	[smem:$0x3FAA] =	sst s3  }
0xc: {  	[smem:$0x3FAB] =	sst s4  }
0xd: {  	[smem:$0x3FAC] =	sst s5  }
0xe: {  	[smem:$0x3FAD] =	sst s6  }
0xf: {  	[smem:$0x3FAE] =	sst s7  }
0x10: {  	[smem:$0x3FAF] =	sst s8  }
0x11: {  	[smem:$0x3FB0] =	sst s9;
	s0 =	simm.s32 @!p0 $0x0  }
0x12: {  	s1 =	sld [smem:$0x3F96];
	s0 =	simm.s32 @p0 $0x1  }
0x13: {  	[smem:$0x3FB1] =	sst s0;
	s0 =	simm.s32 @!p1 $0x0  }
0x14: {  	s2 =	sld [smem:$0x3F95];
	s0 =	simm.s32 @p1 $0x1  }
0x15: {  	[smem:$0x3FB2] =	sst s0;
	s0 =	simm.s32 @!p2 $0x0  }
0x16: {  	s3 =	sld [smem:$0x3FDB];
	s0 =	simm.s32 @p2 $0x1  }
0x17: {  	s4 =	simm.s32 $0x1BF5;
	[smem:$0x3FB4] =	sst s0  }
0x18: {  	s0 =	sld [smem:$0x3F97];
	_ =	swait.ge [sflag:s4], $0x0  }
0x19: {  	s7 =	sld [smem:$0x3F98]  }
0x1a: {  	s8 =	sadd.s32 $0xFFFFE003, lr  }
0x1b: {  	s9 =	sadd.s32 $0xFFFFFEF7, lr;
	s5 =	simm.s32 $0xFFFFFFFF;
	p2 =	slt.u32 s8, $0xFFFFF086  }
0x1c: {  	p1 =	slt.u32 s9, $0xF7A;
	s5 =	simm.s32 @!p2 $0x0  }
0x1d: {  	s5 =	simm.s32 @p1 $0x1;
	p0 =	seq.s32 s7, s2  }
0x1e: {  	s7 =	smul.u32 @!p0 $0xF7A, s2;
	p2 =	seq.s32 @!p0 s5, $0x0  }
0x1f: {  	s9 =	smul.u32 $0xF7A, s1;
	s8 =	simm.s32 @!p0 $0x1BF5;
	p2 =	por !p2, p0  }
0x20: {  	[sflag:s8] =	ssyncset.s32 @!p0 $0xFFFFF086;
	s6 =	sadd.s32 @!p0 s3, s7;
	s7 =	simm.s32 @!p0 $0x108  }
0x21: {  	s3 =	sadd.s32 s3, s9;
	s6 =	sadd.s32 @!p0 $0x88, s6;
	s7 =	simm.s32 @p2 $0x1082  }
0x22: {  	[simem:s7], [sflag:s8] =	dma.local @!p0 [hbm:s6], $0xF7A  }
0x23: {  	s9 =	sor.u32 $0xD0000000, s2;
	s6 =	simm.s32 $0x108;
	_ =	swait.ge @!p0 [sflag:s8], $0x0  }
0x24: {  	s3 =	sadd.s32 $0x88, s3;
	s6 =	simm.s32 @!p1 $0x1082;
	[sflag:s4] =	ssyncset.s32 $0xFFFFF086  }
0x25: {  	[simem:s6], [sflag:s4] =	dma.local [hbm:s3], $0xF7A  }
0x26: {  	[smem:$0x3F98] =	sst s1;
	(tag) =	ssettag s2;
	_ =	strace s9  }
0x27: {  	s1 =	sld [smem:$0x3FA8]  }
0x28: {  	s2 =	sld [smem:$0x3FA9]  }
0x29: {  	s4 =	sld [smem:$0x3FAB]  }
0x2a: {  	p0 =	seq.s32 s5, $0x0;
	s5 =	sld [smem:$0x3FAC]  }
0x2b: {  	s6 =	sld [smem:$0x3FAD]  }
0x2c: {  	s7 =	sld [smem:$0x3FAE]  }
0x2d: {  	s3 =	simm.s32 $0x108;
	s8 =	sld [smem:$0x3FAF]  }
0x2e: {  	s3 =	simm.s32 @!p0 $0x1082;
	s9 =	sld [smem:$0x3FB0]  }
0x2f: {  	lr =	sadd.s32 s0, s3;
	s0 =	sld [smem:$0x3FA7]  }
0x30: {  	s3 =	sld [smem:$0x3FAA]  }
0x31: {  	[smem:$0x3FB3] =	sst s10  }
0x32: {  	s10 =	sld [smem:$0x3FB1];
	_ =	sdelay $0x3  }
0x33: {  	p0 =	seq.s32 s10, $0x1;
	s10 =	sld [smem:$0x3FB3];
	_ =	sdelay $0x3  }
0x34: {  	[smem:$0x3FB3] =	sst s10  }
0x35: {  	s10 =	sld [smem:$0x3FB2];
	_ =	sdelay $0x3  }
0x36: {  	p1 =	seq.s32 s10, $0x1;
	s10 =	sld [smem:$0x3FB3];
	_ =	sdelay $0x3  }
0x37: {  	[smem:$0x3FB3] =	sst s10  }
0x38: {  	s10 =	sld [smem:$0x3FB4]  }
0x39: {  	_ = 	snop;
	(pc) =	sbr.ind lr, $3  }
0x3a: {  	_ = 	snop  }
0x3b: {  	_ = 	snop  }
0x3c: {  	p2 =	seq.s32 s10, $0x1;
	s10 =	sld [smem:$0x3FB3]  }
0x3d: {  	_ =	shalt  }
0x3e: {  	_ =	shalt  }
0x3f: {  	_ =	shalt  }
0x40: {  	_ =	shalt  }
0x41: {  	_ =	shalt  }
0x42: {  	_ =	shalt  }
0x43: {  	_ =	shalt  }
0x44: {  	_ =	shalt  }
0x45: {  	_ =	shalt  }
0x46: {  	_ =	shalt  }
0x47: {  	_ =	shalt  }
0x48: {  	_ =	shalt  }
0x49: {  	_ =	shalt  }
0x4a: {  	_ =	shalt  }
0x4b: {  	_ =	shalt  }
0x4c: {  	_ =	shalt  }
0x4d: {  	_ =	shalt  }
0x4e: {  	_ =	shalt  }
0x4f: {  	_ =	shalt  }
0x50: {  	_ =	shalt  }
0x51: {  	_ =	shalt  }
0x52: {  	_ =	shalt  }
0x53: {  	_ =	shalt  }
0x54: {  	_ =	shalt  }
0x55: {  	_ =	shalt  }
0x56: {  	_ =	shalt  }
0x57: {  	_ =	shalt  }
0x58: {  	_ =	shalt  }
0x59: {  	_ =	shalt  }
0x5a: {  	_ =	shalt  }
0x5b: {  	_ =	shalt  }
0x5c: {  	_ =	shalt  }
0x5d: {  	_ =	shalt  }
0x5e: {  	_ =	shalt  }
0x5f: {  	_ =	shalt  }
0x60: {  	_ =	shalt  }
0x61: {  	_ =	shalt  }
0x62: {  	_ =	shalt  }
0x63: {  	_ =	shalt  }
0x64: {  	_ =	shalt  }
0x65: {  	_ =	shalt  }
0x66: {  	_ =	shalt  }
0x67: {  	_ =	shalt  }
0x68: {  	_ =	shalt  }
0x69: {  	_ =	shalt  }
0x6a: {  	_ =	shalt  }
0x6b: {  	_ =	shalt  }
0x6c: {  	_ =	shalt  }
0x6d: {  	_ =	shalt  }
0x6e: {  	_ =	shalt  }
0x6f: {  	_ =	shalt  }
0x70: {  	_ =	shalt  }
0x71: {  	_ =	shalt  }
0x72: {  	_ =	shalt  }
0x73: {  	_ =	shalt  }
0x74: {  	_ =	shalt  }
0x75: {  	_ =	shalt  }
0x76: {  	_ =	shalt  }
0x77: {  	_ =	shalt  }
0x78: {  	_ =	shalt  }
0x79: {  	_ =	shalt  }
0x7a: {  	_ =	shalt  }
0x7b: {  	_ =	shalt  }
0x7c: {  	_ =	shalt  }
0x7d: {  	_ =	shalt  }
0x7e: {  	_ =	shalt  }
0x7f: {  	_ =	shalt  }
0x80: {  	_ =	shalt  }
0x81: {  	_ =	shalt  }
0x82: {  	_ =	shalt  }
0x83: {  	_ =	shalt  }
0x84: {  	_ =	shalt  }
0x85: {  	_ =	shalt  }
0x86: {  	_ =	shalt  }
0x87: {  	_ =	shalt  }
.Lfunc_end0:
.L_simem_size_0:
called_computation.4_lowered:
.L_overlay_start_0:
0x88: {  	s2 =	sld [smem:$0x3FD9]  }
0x89: {  	s3 =	sld [smem:$0x3FFE];
	_ =	sdelay $0x1  }
0x8a: {  	s1 =	srdreg.scid  }
0x8b: {  	s0 =	sand.u32 $0x1, s1  }
0x8c: {  	s17 =	sshll.u32 s0, $0xA;
	s2 =	sadd.s32 s3, s2  }
0x8d: {  	s2 =	sadd.s32 s2, s17  }
0x8e: {  	[smem:$0x3FBF] =	sst s2  }
0x8f: {  	_ = 	snop  }
0x90: {  	s2 =	sld [smem:$0x3FD0];
	(tm) =	ssettm $0x1  }
0x91: {  	s18 =	sld [smem:$0x3FFB];
	_ =	sdelay $0x3  }
0x92: {  	_ =	strace s18  }
0x93: {  	s3 =	sld [smem:$0x3FFC];
	_ =	sdelay $0x3  }
0x94: {  	_ =	strace s3  }
0x95: {  	s3 =	sld [smem:$0x3FFD];
	_ =	sdelay $0x3  }
0x96: {  	_ =	strace s3  }
0x97: {  	_ =	strace $0x8FFFFFFF  }
0x98: {  	s19 =	sld [smem:$0x3FDB];
	_ =	sdelay $0x1  }
0x99: {  	s4 =	simm.s32 $_scs_section_size  }
0x9a: {  	s5 =	simm.s32 $_size__tile_overlayer_lowered;
	s6 =	simm.s32 $_tile_overlayer_lowered  }
0x9b: {  	s22 =	simm.s32 $0x1BFF;
	s21 =	sshll.u32 s6, $0x1;
	s3 =	sadd.s32 s4, s19  }
0x9c: {  	s7 =	simm.s32 $0x0;
	s20 =	sshll.u32 s5, $0x1;
	s5 =	sadd.s32 s21, s3  }
0x9d: {  	[timem:s7], [sflag:s22] =	dma.local [hbm:s5], s20  }
0x9e: {  	_ =	swait.ge [sflag:s22], s20  }
0x9f: {  	s4 =	ssub.s32 $0x0, s20;
	[sflag:s22] =	ssyncset.done $0x0  }
0xa0: {  	[sflag:s22] =	ssyncadd.s32 s4;
	_ =	sdelay $0x1  }
0xa1: {  	s23 =	simm.s32 $0x1B8B  }
0xa2: {  	_ =	swait.ge [sflag:s23], $0x1  }
0xa3: {  	[sflag:s23] =	ssyncset.done $0x0  }
0xa4: {  	s25 =	simm.s32 $0x1B8E;
	s24 =	sld [smem:$0x3FFE];
	[sflag:s23] =	ssyncadd.s32 $0xFFFFFFFF  }
0xa5: {  	s26 =	simm.s32 $execute0_lowered;
	[smem:$0x3FD2] =	sst s25  }
0xa6: {  	s5 =	sshll.u32 s26, $0x1;
	_ =	strace $0x80000052;
	[dreg:$0x1] =	wrdreg $0xFFFFFFFF  }
0xa7: {  	s28 =	simm.s32 $_size_execute0_lowered;
	s3 =	sadd.s32 s3, s5;
	[dreg:$0x0] =	wrdreg $0x0  }
0xa8: {  	s5 =	sshll.u32 s28, $0x1;
	[dreg:$0x2] =	wrdreg s3  }
0xa9: {  	[dreg:$0x3] =	wrdreg s5  }
0xaa: {  	[dreg:$0x4] =	wrdreg $0xC0  }
0xab: {  	_ =	task [dreg:s7], $0x5FFFF  }
0xac: {  	[dreg:$0x1] =	wrdreg $0xFFFFFFFF  }
0xad: {  	[dreg:$0x0] =	wrdreg $0x60  }
0xae: {  	[dreg:$0x2] =	wrdreg s24  }
0xaf: {  	[dreg:$0x3] =	wrdreg s2  }
0xb0: {  	[dreg:$0x4] =	wrdreg $0x91000  }
0xb1: {  	[dreg:$0x5] =	wrdreg $0x9  }
0xb2: {  	_ =	task.clear_ibuf [dreg:s7], $0x6FFFF;
	_ =	strace $0x90000052  }
0xb3: {  	s29 =	simm.s32 $0x9;
	_ =	strace $0x80000054  }
0xb4: {  	_ =	swait.ge [sflag:s29], $0x1  }
0xb5: {  	[sflag:s29] =	ssyncadd.s32 $0xFFFFFFFF  }
0xb6: {  	_ =	strace $0x90000054  }
0xb7: {  	_ =	sfence  }
0xb8: {  	s30 =	sld [smem:$0x0];
	_ =	sdelay $0x2  }
0xb9: {  	s31 =	sshll.u32 s1, $0xD;
	s1 =	sshrl.u32 s1, $0x2  }
0xba: {  	s3 =	sand.u32 $0x4000, s31;
	s1 =	sadd.s32 s1, s30  }
0xbb: {  	s0 =	sor.u32 s3, s0;
	s1 =	sshll.u32 s1, $0x11  }
0xbc: {  	s0 =	sor.u32 s1, s0  }
0xbd: {  	s0 =	sadd.s32 $0x8F2B, s0  }
0xbe: {  	[sflag:s0] =	ssyncadd.remote.s32 $0x1  }
0xbf: {  	_ =	sfence.sel $0xFFFF  }
0xc0: {  	[dreg:$0x0] =	wrdreg $0xFFFFFFFF;
	(pc) =	sbr.abs _section_cstart, $3  }
0xc1: {  	[dreg:$0x1] =	wrdreg $0xFFFFFFFF  }
0xc2: {  	_ =	task.clear_ibuf [dreg:s7], $0x2FFFF;
	_ =	strace $0x9FFFFFFF  }
0xc3: {  	(tm) =	ssettm $0x7FFFFFFF  }
tec
execute0_lowered:
.L_overlay_start_1:
0x0: {  	(tag) =	ssettag $0x1  }
0x1: {  	s0 =	rddreg [dreg:$0x0]  }
0x2: {  	s1 =	rddreg [dreg:$0x1]  }
0x3: {  	s2 =	rddreg [dreg:$0x2]  }
0x4: {  	s3 =	srdreg.scid;
	s11 =	stileid.u32;
	s29 =	simm.s32 $0x6900  }
0x5: {  	s30 =	simm.s32 $0x3;
	s31 =	simm.s32 $0x1;
	s7 =	smul.u32 $0x14000, s11  }
0x6: {  	s28 =	simm.s32 $0x5;
	s5 =	sand.u32 $0x1, s3;
	s10 =	smul.u32 $0x50000, s11  }
0x7: {  	s3 =	simm.s32 $0x0;
	s6 =	sshll.u32 s11, $0x1;
	s25 =	smul.u32 $0x4E20, s11  }
0x8: {  	s4 =	smul.u32 $0x140000, s5;
	[smem:$0x7FF] =	sst s3;
	s6 =	sor.u32 s5, s6  }
0x9: {  	s21 =	ssub.s32 $0x2, s5;
	s5 =	smul.u32 $0x2710, s5;
	_ =	strace $0x80000053  }
0xa: {  	s8 =	sshll.u32 s6, $0xB;
	s6 =	smul.u32 $0x2710, s6;
	s9 =	sshrl.u32 s21, $0x1  }
0xb: {  	s23 =	sshrl.u32 s10, $0x2;
	s4 =	sadd.s32 s7, s4;
	s19 =	sadd.s32 s8, s0  }
0xc: {  	s8 =	ssub.s32 s21, s9;
	s9 =	sadd.s32 s23, s2;
	s23 =	simm.s32 $0x4100  }
0xd: {  	s20 =	sshrl.u32 s4, $0x3;
	s4 =	sadd.s32 $0x2E00, s0;
	s6 =	sshrl.u32 s6, $0x3  }
0xe: {  	s7 =	sadd.s32 $0x52E00, s19;
	s24 =	smax.u32 s8, $0x1;
	s26 =	sadd.s32 $0x2800, s9  }
0xf: {  	s12 =	sadd.s32 $0x5000, s9;
	s13 =	sadd.s32 $0x7800, s9;
	s14 =	sadd.s32 $0xA000, s9  }
0x10: {  	s15 =	sadd.s32 $0xC800, s9;
	s16 =	sadd.s32 $0xF000, s9;
	[dreg:$0x4] =	wrdreg s7  }
0x11: {  	s17 =	sadd.s32 $0x11800, s9;
	s0 =	sadd.s32 s20, s0;
	[dreg:$0x7] =	wrdreg s24  }
0x12: {  	s6 =	sadd.s32 s1, s6;
	[dreg:$0x8] =	wrdreg s26;
	s24 =	simm.s32 $0x4000  }
0x13: {  	s26 =	simm.s32 $0x4080;
	s7 =	simm.s32 $0x0;
	s22 =	sadd.s32 $0x4D8, s6  }
0x14: {  	s0 =	sadd.s32 $0x62E00, s0;
	s18 =	sadd.s32 $0xA, s6;
	s19 =	sadd.s32 $0x14, s6  }
.Ltmp0:
0x15: {  	[dreg:$0x6] =	wrdreg s0;
	s0 =	sadd.s32 s5, s25;
	(pc) =	sbr.rel .LBB2_1-.Ltmp0, $4  }
0x16: {  	[dreg:$0x5] =	wrdreg s22;
	s5 =	sadd.s32 $0xF0, s0;
	s0 =	sadd.s32 $0x140, s0  }
0x17: {  	s22 =	simm.s32 $0x7;
	s5 =	sshrl.u32 s5, $0x3;
	s0 =	sshrl.u32 s0, $0x3  }
0x18: {  	s25 =	simm.s32 $0x50;
	s20 =	sadd.s32 s5, s1;
	s21 =	sadd.s32 s0, s1  }
0x19: {  	v0 =	vimm.f32 $0.0e+00;
	s0 =	simm.s32 $0x4;
	s1 =	simm.s32 $0x2;
	s5 =	simm.s32 $0x6  }
.LBB2_6:
0x1a: {  	[spmem:s2] =	stream.indirect.scatter.add.f32 [tilespmem:s29], [sflag:$0x6], $0x80, s26, s25, $0xb8;
	[tilespmem:$0x1D100] =	vst v63  }
0x1b: {  	_ =	swait.ge [sflag:s28], $0x2800  }
0x1c: {  	[sflag:s28] =	ssyncset.done $0x0  }
0x1d: {  	s8 =	rddreg [dreg:$0x5];
	[sflag:s28] =	ssyncadd.s32 $0xFFFFD800  }
0x1e: {  	[tilespmem:s24], [sflag:$0x3] =	stream.linear.gather [hbm4b:s8+s3], $0x50, $0x38;
	[tilespmem:$0x1D100] =	vst v63  }
0x1f: {  	s11 =	simm.s32 $0x3E00  }
0x20: {  	[tilespmem:s23], [sflag:$0x1] =	stream.indirect.gather [hbm4b:s4+s25], $0x80, s11, s25, $0xb8;
	[tilespmem:$0x1D100] =	vst v63  }
0x21: {  	_ =	swait.ge [sflag:s30], $0x50  }
0x22: {  	[sflag:s30] =	ssyncset.done $0x0  }
0x23: {  	[sflag:s30] =	ssyncadd.s32 $0xFFFFFFB0  }
0x24: {  	_ =	swait.ge [sflag:s31], $0x2800  }
0x25: {  	[sflag:s31] =	ssyncset.done $0x0  }
0x26: {  	[sflag:s31] =	ssyncadd.s32 $0xFFFFD800  }
0x27: {  	[spmem:s2] =	stream.indirect.scatter.add.f32 [tilespmem:s23], [sflag:$0x5], $0x80, s24, s25, $0xb8;
	[tilespmem:$0x1D100] =	vst v63  }
0x28: {  	_ =	swait.ge [sflag:s28], $0x2800  }
0x29: {  	[sflag:s28] =	ssyncset.done $0x0  }
0x2a: {  	[sflag:s28] =	ssyncadd.s32 $0xFFFFD800  }
0x2b: {  	_ =	swait.ge [sflag:s5], $0x2800  }
0x2c: {  	[sflag:s5] =	ssyncset.done $0x0  }
0x2d: {  	s10 =	stileid.u32;
	[sflag:s5] =	ssyncadd.s32 $0xFFFFD800  }
0x2e: {  	s8 =	sshll.u32 s10, $0x6;
	[bflag:$0x0] =	sbarrier.arrive $0xFFFF  }
0x2f: {  	s10 =	sshrl.u32 s9, $0x3;
	s8 =	sor.u32 $0x1C07, s8;
	s11 =	rddreg [dreg:$0x6]  }
0x30: {  	[hbm:s11], [sflag:s8] =	dma.local [spmem:s10], $0x2800  }
0x31: {  	_ =	swait.ge [sflag:s22], $0x2800  }
0x32: {  	s7 =	sadd.s32 $0x1, s7;
	s11 =	rddreg [dreg:$0x7]  }
0x33: {  	p0 =	sne.s32 s7, s11  }
.Ltmp1:
0x34: {  	_ = 	snop;
	(pc) =	sbr.rel @!p0 .LBB2_7-.Ltmp1, $3  }
0x35: {  	_ =	sdelay $0x1  }
0x36: {  	[sflag:s22] =	ssyncset.done $0x0  }
0x37: {  	[sflag:s22] =	ssyncadd.s32 $0xFFFFD800  }
.LBB2_1:
0x38: {  	s8 =	rddreg [dreg:$0x4]  }
0x39: {  	[tilespmem:s3], [sflag:$0x7] =	stream.linear.gather [hbm4b:s8+s3], $0x3E80, $0x38;
	[tilespmem:$0x1D100] =	vst v63  }
0x3a: {  	_ =	swait.ge [sflag:s22], $0x3E80  }
0x3b: {  	[sflag:s22] =	ssyncset.done $0x0  }
0x3c: {  	s10 =	simm.s32 $0x200;
	s8 =	simm.s32 $0x0;
	[sflag:s22] =	ssyncadd.s32 $0xFFFFC180  }
.LBB2_2:
0x3d: {  	p0 =	sne.s32 s10, $0x9E00;
	[tilespmem:s8+$0x4170] =	vst v0  }
0x3e: {  	[tilespmem:s8+$0x4100] =	vst v0  }
0x3f: {  	[tilespmem:s8+$0x4110] =	vst v0  }
.Ltmp2:
0x40: {  	[tilespmem:s8+$0x4120] =	vst v0;
	(pc) =	sbr.rel @p0 .LBB2_2-.Ltmp2, $4  }
0x41: {  	[tilespmem:s8+$0x4130] =	vst v0  }
0x42: {  	[tilespmem:s8+$0x4140] =	vst v0  }
0x43: {  	[tilespmem:s8+$0x4150] =	vst v0  }
0x44: {  	[tilespmem:s8+$0x4160] =	vst v0;
	s8 =	sshra.s32 s10, $0x2;
	s10 =	sadd.s32 $0x200, s10  }
0x45: {  	[tilespmem:s8+$0x4170] =	vst v0  }
0x46: {  	[tilespmem:s8+$0x4100] =	vst v0  }
0x47: {  	[tilespmem:s8+$0x4110] =	vst v0  }
0x48: {  	[tilespmem:s8+$0x4120] =	vst v0  }
0x49: {  	[tilespmem:s8+$0x4130] =	vst v0  }
0x4a: {  	[tilespmem:s8+$0x4140] =	vst v0  }
0x4b: {  	[tilespmem:s8+$0x4150] =	vst v0  }
0x4c: {  	[tilespmem:s8+$0x4160] =	vst v0  }
0x4d: {  	[spmem:s9] =	stream.linear.scatter [tilespmem:s23], [sflag:$0x7], $0x2800, $0x38;
	[tilespmem:$0x1D100] =	vst v63  }
0x4e: {  	_ =	swait.ge [sflag:s22], $0x2800  }
0x4f: {  	[sflag:s22] =	ssyncset.done $0x0  }
0x50: {  	s10 =	rddreg [dreg:$0x8];
	[sflag:s22] =	ssyncadd.s32 $0xFFFFD800  }
0x51: {  	[spmem:s10] =	stream.linear.scatter [tilespmem:s23], [sflag:$0x7], $0x2800, $0x38;
	[tilespmem:$0x1D100] =	vst v63  }
0x52: {  	_ =	swait.ge [sflag:s22], $0x2800  }
0x53: {  	[sflag:s22] =	ssyncset.done $0x0  }
0x54: {  	[sflag:s22] =	ssyncadd.s32 $0xFFFFD800  }
0x55: {  	[spmem:s12] =	stream.linear.scatter [tilespmem:s23], [sflag:$0x7], $0x2800, $0x38;
	[tilespmem:$0x1D100] =	vst v63  }
0x56: {  	_ =	swait.ge [sflag:s22], $0x2800  }
0x57: {  	[sflag:s22] =	ssyncset.done $0x0  }
0x58: {  	[sflag:s22] =	ssyncadd.s32 $0xFFFFD800  }
0x59: {  	[spmem:s13] =	stream.linear.scatter [tilespmem:s23], [sflag:$0x7], $0x2800, $0x38;
	[tilespmem:$0x1D100] =	vst v63  }
0x5a: {  	_ =	swait.ge [sflag:s22], $0x2800  }
0x5b: {  	[sflag:s22] =	ssyncset.done $0x0  }
0x5c: {  	[sflag:s22] =	ssyncadd.s32 $0xFFFFD800  }
0x5d: {  	[spmem:s14] =	stream.linear.scatter [tilespmem:s23], [sflag:$0x7], $0x2800, $0x38;
	[tilespmem:$0x1D100] =	vst v63  }
0x5e: {  	_ =	swait.ge [sflag:s22], $0x2800  }
0x5f: {  	[sflag:s22] =	ssyncset.done $0x0  }
0x60: {  	[sflag:s22] =	ssyncadd.s32 $0xFFFFD800  }
0x61: {  	[spmem:s15] =	stream.linear.scatter [tilespmem:s23], [sflag:$0x7], $0x2800, $0x38;
	[tilespmem:$0x1D100] =	vst v63  }
0x62: {  	_ =	swait.ge [sflag:s22], $0x2800  }
0x63: {  	[sflag:s22] =	ssyncset.done $0x0  }
0x64: {  	[sflag:s22] =	ssyncadd.s32 $0xFFFFD800  }
0x65: {  	[spmem:s16] =	stream.linear.scatter [tilespmem:s23], [sflag:$0x7], $0x2800, $0x38;
	[tilespmem:$0x1D100] =	vst v63  }
0x66: {  	_ =	swait.ge [sflag:s22], $0x2800  }
0x67: {  	[sflag:s22] =	ssyncset.done $0x0  }
0x68: {  	[sflag:s22] =	ssyncadd.s32 $0xFFFFD800  }
0x69: {  	[spmem:s17] =	stream.linear.scatter [tilespmem:s23], [sflag:$0x7], $0x2800, $0x38;
	[tilespmem:$0x1D100] =	vst v63  }
0x6a: {  	_ =	swait.ge [sflag:s22], $0x2800  }
0x6b: {  	[sflag:s22] =	ssyncset.done $0x0  }
0x6c: {  	[sflag:s22] =	ssyncadd.s32 $0xFFFFD800  }
0x6d: {  	s8 =	simm.s32 $0x0;
	[bflag:$0x0] =	sbarrier.arrive $0xFFFF  }
0x6e: {  	[tilespmem:s24], [sflag:$0x3] =	stream.linear.gather [hbm4b:s6+s8], $0x50, $0x38;
	[tilespmem:$0x1D100] =	vst v63  }
0x6f: {  	_ = 	snop  }
0x70: {  	[tilespmem:s23], [sflag:$0x1] =	stream.indirect.gather [hbm4b:s4+s25], $0x80, s8, s25, $0xb8;
	[tilespmem:$0x1D100] =	vst v63  }
0x71: {  	_ = 	snop  }
0x72: {  	[tilespmem:s26], [sflag:$0x4] =	stream.linear.gather [hbm4b:s18+s8], $0x50, $0x38;
	[tilespmem:$0x1D100] =	vst v63  }
0x73: {  	s10 =	simm.s32 $0x80  }
0x74: {  	[tilespmem:s29], [sflag:$0x2] =	stream.indirect.gather [hbm4b:s4+s25], $0x80, s10, s25, $0xb8;
	[tilespmem:$0x1D100] =	vst v63  }
0x75: {  	_ =	swait.ge [sflag:s30], $0x50  }
0x76: {  	[sflag:s30] =	ssyncset.done $0x0  }
0x77: {  	[sflag:s30] =	ssyncadd.s32 $0xFFFFFFB0  }
0x78: {  	_ =	swait.ge [sflag:s31], $0x2800  }
0x79: {  	[sflag:s31] =	ssyncset.done $0x0  }
0x7a: {  	[sflag:s31] =	ssyncadd.s32 $0xFFFFD800  }
0x7b: {  	[spmem:s2] =	stream.indirect.scatter.add.f32 [tilespmem:s23], [sflag:$0x5], $0x80, s24, s25, $0xb8;
	[tilespmem:$0x1D100] =	vst v63  }
0x7c: {  	_ =	swait.ge [sflag:s0], $0x50  }
0x7d: {  	[sflag:s0] =	ssyncset.done $0x0  }
0x7e: {  	[sflag:s0] =	ssyncadd.s32 $0xFFFFFFB0  }
0x7f: {  	_ =	swait.ge [sflag:s1], $0x2800  }
0x80: {  	[sflag:s1] =	ssyncset.done $0x0  }
0x81: {  	[sflag:s1] =	ssyncadd.s32 $0xFFFFD800  }
0x82: {  	_ =	swait.ge [sflag:s28], $0x2800  }
0x83: {  	[sflag:s28] =	ssyncset.done $0x0  }
0x84: {  	[sflag:s28] =	ssyncadd.s32 $0xFFFFD800  }
0x85: {  	[tilespmem:s24], [sflag:$0x3] =	stream.linear.gather [hbm4b:s19+s8], $0x50, $0x38;
	[tilespmem:$0x1D100] =	vst v63  }
0x86: {  	s11 =	simm.s32 $0x100  }
0x87: {  	[tilespmem:s23], [sflag:$0x1] =	stream.indirect.gather [hbm4b:s4+s25], $0x80, s11, s25, $0xb8;
	[tilespmem:$0x1D100] =	vst v63  }
0x88: {  	s10 =	simm.s32 $0x180  }
0x89: {  	[spmem:s2] =	stream.indirect.scatter.add.f32 [tilespmem:s29], [sflag:$0x6], $0x80, s26, s25, $0xb8;
	[tilespmem:$0x1D100] =	vst v63  }
.LBB2_4:
0x8a: {  	_ =	swait.ge [sflag:s5], $0x2800  }
0x8b: {  	[sflag:s5] =	ssyncset.done $0x0  }
0x8c: {  	s11 =	sadd.s32 s8, s20;
	[sflag:s5] =	ssyncadd.s32 $0xFFFFD800  }
0x8d: {  	[tilespmem:s26], [sflag:$0x4] =	stream.linear.gather [hbm4b:s11+s3], $0x50, $0x38;
	[tilespmem:$0x1D100] =	vst v63  }
0x8e: {  	_ = 	snop  }
0x8f: {  	[tilespmem:s29], [sflag:$0x2] =	stream.indirect.gather [hbm4b:s4+s25], $0x80, s10, s25, $0xb8;
	[tilespmem:$0x1D100] =	vst v63  }
0x90: {  	_ =	swait.ge [sflag:s30], $0x50  }
0x91: {  	[sflag:s30] =	ssyncset.done $0x0  }
0x92: {  	[sflag:s30] =	ssyncadd.s32 $0xFFFFFFB0  }
0x93: {  	_ =	swait.ge [sflag:s31], $0x2800  }
0x94: {  	[sflag:s31] =	ssyncset.done $0x0  }
0x95: {  	[sflag:s31] =	ssyncadd.s32 $0xFFFFD800  }
0x96: {  	[spmem:s2] =	stream.indirect.scatter.add.f32 [tilespmem:s23], [sflag:$0x5], $0x80, s24, s25, $0xb8;
	[tilespmem:$0x1D100] =	vst v63  }
0x97: {  	p0 =	seq.s32 s8, $0x4B0;
	_ =	swait.ge [sflag:s0], $0x50  }
.Ltmp3:
0x98: {  	[sflag:s0] =	ssyncset.done $0x0;
	(pc) =	sbr.rel @p0 .LBB2_6-.Ltmp3, $4  }
0x99: {  	[sflag:s0] =	ssyncadd.s32 $0xFFFFFFB0  }
0x9a: {  	_ =	swait.ge [sflag:s1], $0x2800  }
0x9b: {  	[sflag:s1] =	ssyncset.done $0x0  }
0x9c: {  	[sflag:s1] =	ssyncadd.s32 $0xFFFFD800  }
0x9d: {  	_ =	swait.ge [sflag:s28], $0x2800  }
0x9e: {  	[sflag:s28] =	ssyncset.done $0x0  }
0x9f: {  	s11 =	sadd.s32 s8, s21;
	[sflag:s28] =	ssyncadd.s32 $0xFFFFD800  }
0xa0: {  	[tilespmem:s24], [sflag:$0x3] =	stream.linear.gather [hbm4b:s11+s3], $0x50, $0x38;
	[tilespmem:$0x1D100] =	vst v63  }
.Ltmp4:
0xa1: {  	_ = 	snop;
	(pc) =	sbr.rel .LBB2_4-.Ltmp4, $4  }
0xa2: {  	s11 =	sadd.s32 $0x80, s10  }
0xa3: {  	[tilespmem:s23], [sflag:$0x1] =	stream.indirect.gather [hbm4b:s4+s25], $0x80, s11, s25, $0xb8;
	[tilespmem:$0x1D100] =	vst v63  }
0xa4: {  	s8 =	sadd.s32 $0x14, s8;
	s10 =	sadd.s32 $0x100, s10  }
0xa5: {  	[spmem:s2] =	stream.indirect.scatter.add.f32 [tilespmem:s29], [sflag:$0x6], $0x80, s26, s25, $0xb8;
	[tilespmem:$0x1D100] =	vst v63  }
.LBB2_7:
0xa6: {  	_ =	sfence.sel $0x180000  }
0xa7: {  	[bflag:$0x0] =	sbarrier.arrive $0xFFFF  }
0xa8: {  	_ =	strace $0x90000053  }
0xa9: {  	s0 =	stileid.u32;
	[bflag:$0x2] =	sbarrier.arrive $0xFFFF  }
0xaa: {  	p0 =	sne.s32 s0, $0x0;
	s0 =	rddreg [dreg:$0x3]  }
0xab: {  	s0 =	sadd.s32 @!p0 $0x100000, s0  }
0xac: {  	[sflag:s0] =	ssyncadd.tile.s32 @!p0 $0x1;
	_ =	shalt  }
.Lfunc_end2:
_tile_overlayer_lowered:
.L_overlay_start_2:
0xad: {  	(tag) =	ssettag $0x2  }
0xae: {  	s0 =	rddreg [dreg:$0x0];
	s2 =	stileid.u32  }
0xaf: {  	s1 =	rddreg [dreg:$0x1];
	p0 =	sne.s32 s2, $0x0  }
0xb0: {  	s3 =	rddreg [dreg:$0x2];
	[bflag:$0x3] =	sbarrier.arrive $0xFFFF;
	s2 =	simm.s32 @!p0 $0x1C07  }
0xb1: {  	[timem:s3], [sflag:s2] =	dma.local @!p0 [hbm:s0], s1  }
0xb2: {  	s0 =	simm.s32 @!p0 $0x7  }
0xb3: {  	_ =	swait.ge @!p0 [sflag:s0], s1  }
0xb4: {  	s1 =	ssub.s32 @!p0 $0x0, s1;
	[sflag:s0] =	ssyncset.done @!p0 $0x0  }
0xb5: {  	[sflag:s0] =	ssyncadd.s32 @!p0 s1  }
0xb6: {  	[bflag:$0x3] =	sbarrier.arrive $0xFFFF  }
0xb7: {  	_ =	shalt  }

</sc_bundles>
